<compile_context>
chip_gen: v7x
topology: tpu7x:2x2x1
jax: 0.10.2.dev20260603
libtpu: 0.0.44.dev20260713+nightly
codegen_flags: <defaults>
</compile_context>

<pallas_src>
import functools

import numpy as np
import jax
import jax.numpy as jnp
from jax import lax
from jax.experimental import pallas as pl
from jax.experimental.pallas import tpu as pltpu
from jax.experimental.pallas import tpu_sc as plsc

B, S, V, D = 1024, 50, 100000, 128
N = B * S

_NC, _NS = 2, 16
NW = _NC * _NS
CH = 80

K_SLICES = 2
NSL = N // K_SLICES
S_SL = S // K_SLICES


def _make_pe():
    position = np.arange(S)[:, None].astype(np.float64)
    div_term = np.exp(np.arange(0, D, 2).astype(np.float64) * (-np.log(10000.0) / D))
    pe = np.zeros((S, D), dtype=np.float32)
    pe[:, 0::2] = np.sin(position * div_term)
    pe[:, 1::2] = np.cos(position * div_term)
    return pe


def _sc_gather3(tok_tab, act_tab, res_tab, tok_idx, act_idx, res_idx, n_rows):
    per_w = n_rows // NW
    nch = per_w // CH
    assert per_w % CH == 0 and nch % 2 == 0
    mesh = plsc.VectorSubcoreMesh(
        core_axis_name="c", subcore_axis_name="s",
        num_cores=_NC, num_subcores=_NS)

    @functools.partial(
        pl.kernel,
        out_type=(jax.ShapeDtypeStruct((n_rows, D), jnp.float32),) * 3,
        mesh=mesh,
        scratch_types=[
            pltpu.VMEM((per_w,), jnp.int32),
            pltpu.VMEM((CH, D), jnp.float32),
            pltpu.VMEM((CH, D), jnp.float32),
            pltpu.SemaphoreType.DMA,
            pltpu.SemaphoreType.DMA,
            pltpu.SemaphoreType.DMA,
        ],
    )
    def gather_k(tok_tab, act_tab, res_tab, tok_i, act_i, res_i,
                 o_tok, o_act, o_res, idx_v, buf_a, buf_b, sem_g, sem_sa, sem_sb):
        wid = lax.axis_index("s") * _NC + lax.axis_index("c")
        base = wid * per_w
        for tab, idx_hbm, out_hbm in ((tok_tab, tok_i, o_tok),
                                      (act_tab, act_i, o_act),
                                      (res_tab, res_i, o_res)):
            pltpu.sync_copy(idx_hbm.at[pl.ds(base, per_w)], idx_v)

            def gather(c, buf, tab=tab):
                pltpu.async_copy(
                    tab.at[idx_v.at[pl.ds(c * CH, CH)]], buf, sem_g).wait()

            def store_start(c, buf, sem, out_hbm=out_hbm):
                pltpu.async_copy(buf, out_hbm.at[pl.ds(base + c * CH, CH)], sem)

            def store_wait(c, buf, sem, out_hbm=out_hbm):
                pltpu.make_async_copy(
                    buf, out_hbm.at[pl.ds(base + c * CH, CH)], sem).wait()

            gather(0, buf_a)
            store_start(0, buf_a, sem_sa)
            gather(1, buf_b)
            store_start(1, buf_b, sem_sb)

            def pair(p, carry, tab=tab, out_hbm=out_hbm):
                c0 = 2 * p
                store_wait(c0 - 2, buf_a, sem_sa)
                gather(c0, buf_a)
                store_start(c0, buf_a, sem_sa)
                store_wait(c0 - 1, buf_b, sem_sb)
                gather(c0 + 1, buf_b)
                store_start(c0 + 1, buf_b, sem_sb)
                return carry

            lax.fori_loop(1, nch // 2, pair, 0)
            store_wait(nch - 2, buf_a, sem_sa)
            store_wait(nch - 1, buf_b, sem_sb)

    return gather_k(tok_tab, act_tab, res_tab, tok_idx, act_idx, res_idx)


def _fold_body(nW1, tW1, nb1, tb1, nW2, tW2, pW, nb2, tb2,
               w1_ref, b1_ref, c_ref, bvec_ref):
    wn = pW[2 * D:3 * D, :]
    wt = pW[3 * D:4 * D, :]
    z = jnp.zeros((1, D // 2), jnp.float32)
    w1_ref[...] = jnp.concatenate([
        jnp.concatenate([z, z], axis=1),
        jnp.concatenate([nW1[0:1, :], z], axis=1),
        jnp.concatenate([z, tW1[0:1, :]], axis=1),
        jnp.concatenate([z, tW1[1:2, :]], axis=1),
    ], axis=0)
    b1_ref[...] = jnp.concatenate([nb1[...], tb1[...]], axis=1)
    c_ref[...] = jnp.concatenate([
        jnp.dot(nW2[...], wn, preferred_element_type=jnp.float32),
        jnp.dot(tW2[...], wt, preferred_element_type=jnp.float32),
    ], axis=0)
    bvec_ref[...] = (jnp.dot(nb2[...], wn, preferred_element_type=jnp.float32)
                     + jnp.dot(tb2[...], wt, preferred_element_type=jnp.float32))


def _fold(num_W1, time_W1, num_b1, time_b1, num_W2, time_W2, proj_W,
          num_b2, time_b2):
    return pl.pallas_call(
        _fold_body,
        out_shape=(jax.ShapeDtypeStruct((4, D), jnp.float32),
                   jax.ShapeDtypeStruct((1, D), jnp.float32),
                   jax.ShapeDtypeStruct((D, D), jnp.float32),
                   jax.ShapeDtypeStruct((1, D), jnp.float32)),
    )(num_W1, time_W1, num_b1, time_b1, num_W2, time_W2, proj_W,
      num_b2, time_b2)


NR = 5120
RPB = NR // B


def _tc_body(aux_ref, tok_ref, act_ref, res_ref, w1, b1, pW2, c_mat,
             bvec, pe_ref, out_ref):
    a = aux_ref[...]
    m = a[:, 0:1]
    h = jnp.maximum(
        jnp.dot(a, w1[...], preferred_element_type=jnp.float32) + b1[0:1, :],
        0.0)
    w = pW2[...]
    p = (jnp.dot(act_ref[...], w[0:D, :], preferred_element_type=jnp.float32)
         + jnp.dot(res_ref[...], w[D:2 * D, :], preferred_element_type=jnp.float32)
         + jnp.dot(h, c_mat[...], preferred_element_type=jnp.float32)
         + bvec[0:1, :])
    pe = jnp.broadcast_to(pe_ref[0][:, None, :], (RPB, B, D)).reshape(NR, D)
    out_ref[...] = m * p + tok_ref[...] + pe


def _tc_fuse(acc, aux, tok_rows, act_rows, res_rows,
             w1, b1, proj_W, c_mat, bvec, pe_pb, n_rows, blk_off):
    rows_spec = pl.BlockSpec((NR, D), lambda i: (i, 0))
    full = lambda shape: pl.BlockSpec(shape, lambda i: (0,) * len(shape))
    in_specs = [
        pl.BlockSpec((NR, 4), lambda i: (i, 0)),
        rows_spec, rows_spec, rows_spec,
        full((4, D)), full((1, D)),
        pl.BlockSpec((2 * D, D), lambda i: (0, 0)),
        full((D, D)), full((1, D)),
        pl.BlockSpec((1, RPB, D), lambda i: (i, 0, 0)),
    ]
    args = (aux, tok_rows, act_rows, res_rows,
            w1, b1, proj_W, c_mat, bvec, pe_pb)
    body = _tc_body
    aliases = {}
    if acc is not None:
        def body(acc_ref, *refs):
            _tc_body(*refs)
        in_specs = [pl.BlockSpec(memory_space=pl.ANY)] + in_specs
        args = (acc,) + args
        aliases = {0: 0}
    return pl.pallas_call(
        body,
        grid=(n_rows // NR,),
        in_specs=in_specs,
        out_specs=pl.BlockSpec((NR, D), lambda i, blk_off=blk_off: (i + blk_off, 0)),
        out_shape=jax.ShapeDtypeStruct((N, D), jnp.float32),
        input_output_aliases=aliases,
    )(*args)


def kernel(token_ids, activity_ids, resource_ids, numeric_features, time_features,
           token_table, activity_table, resource_table,
           num_W1, num_b1, num_W2, num_b2,
           time_W1, time_b1, time_W2, time_b2,
           proj_W, proj_b):
    tok_idx = token_ids.T.reshape(N).astype(jnp.int32)
    act_idx = activity_ids.T.reshape(N).astype(jnp.int32)
    res_idx = resource_ids.T.reshape(N).astype(jnp.int32)
    mask = (activity_ids.T > 0).astype(jnp.float32)[..., None]
    numT = numeric_features.transpose(1, 0, 2)
    timeT = time_features.transpose(1, 0, 2)
    aux = jnp.concatenate([mask, numT, timeT], axis=-1).reshape(N, 4)

    w1, b1, c_mat, bvec = _fold(
        num_W1.reshape(1, D // 2), time_W1,
        num_b1.reshape(1, D // 2), time_b1.reshape(1, D // 2),
        num_W2, time_W2, proj_W,
        num_b2.reshape(1, D), time_b2.reshape(1, D))
    pe_pb = (jnp.asarray(_make_pe()) + proj_b[None, :]).reshape(S // RPB, RPB, D)

    acc = None
    for k in range(K_SLICES):
        sl = slice(k * NSL, (k + 1) * NSL)
        tok_rows, act_rows, res_rows = _sc_gather3(
            token_table, activity_table, resource_table,
            tok_idx[sl], act_idx[sl], res_idx[sl], NSL)
        acc = _tc_fuse(
            acc, aux[sl], tok_rows, act_rows, res_rows,
            w1, b1, proj_W, c_mat, bvec,
            pe_pb[k * (S_SL // RPB):(k + 1) * (S_SL // RPB)], NSL,
            k * (NSL // NR))
    return acc.reshape(S, B, D)

# --- scband reference (transcript-rebuilt; emitter-appended) ---
"""Pipeline reference for scband-event-embedder-17411797418511 (READ-ONLY COPY).

The authoritative reference and input builder live on the scoring server;
editing this copy changes nothing except your own understanding.
"""

import jax, jax.numpy as jnp
import numpy as np

B, S, V, D = 1024, 50, 100000, 128


def make_pe(seq_len, d_model):
    position = np.arange(seq_len)[:, None].astype(np.float64)
    div_term = np.exp(np.arange(0, d_model, 2).astype(np.float64) * (-np.log(10000.0) / d_model))
    pe = np.zeros((seq_len, 1, d_model), dtype=np.float32)
    pe[:, 0, 0::2] = np.sin(position * div_term)
    pe[:, 0, 1::2] = np.cos(position * div_term)
    return jnp.asarray(pe)


def setup_inputs(seed: int = 0) -> dict:
    key = jax.random.key(seed)
    ks = jax.random.split(key, 20)
    token_ids = jax.random.randint(ks[0], (B, S), 0, V)
    activity_ids = jax.random.randint(ks[1], (B, S), 0, V)
    resource_ids = jax.random.randint(ks[2], (B, S), 0, V)
    numeric_features = jax.random.normal(ks[3], (B, S, 1), dtype=jnp.float32)
    time_features = jax.random.normal(ks[4], (B, S, 2), dtype=jnp.float32)
    token_table = (jax.random.normal(ks[5], (V, D), dtype=jnp.float32) * 0.02).at[0].set(0.0)
    activity_table = (jax.random.normal(ks[6], (V, D), dtype=jnp.float32) * 0.02).at[0].set(0.0)
    resource_table = (jax.random.normal(ks[7], (V, D), dtype=jnp.float32) * 0.02).at[0].set(0.0)
    num_W1 = jax.random.normal(ks[8], (1, D // 2), dtype=jnp.float32) * 0.1
    num_b1 = jnp.zeros((D // 2,), dtype=jnp.float32)
    num_W2 = jax.random.normal(ks[9], (D // 2, D), dtype=jnp.float32) * 0.05
    num_b2 = jnp.zeros((D,), dtype=jnp.float32)
    time_W1 = jax.random.normal(ks[10], (2, D // 2), dtype=jnp.float32) * 0.1
    time_b1 = jnp.zeros((D // 2,), dtype=jnp.float32)
    time_W2 = jax.random.normal(ks[11], (D // 2, D), dtype=jnp.float32) * 0.05
    time_b2 = jnp.zeros((D,), dtype=jnp.float32)
    proj_W = jax.random.normal(ks[12], (4 * D, D), dtype=jnp.float32) * 0.02
    proj_b = jnp.zeros((D,), dtype=jnp.float32)
    return {
        'token_ids': token_ids, 'activity_ids': activity_ids, 'resource_ids': resource_ids,
        'numeric_features': numeric_features, 'time_features': time_features,
        'token_table': token_table, 'activity_table': activity_table, 'resource_table': resource_table,
        'num_W1': num_W1, 'num_b1': num_b1, 'num_W2': num_W2, 'num_b2': num_b2,
        'time_W1': time_W1, 'time_b1': time_b1, 'time_W2': time_W2, 'time_b2': time_b2,
        'proj_W': proj_W, 'proj_b': proj_b,
    }


def reference(token_ids, activity_ids, resource_ids, numeric_features, time_features,
              token_table, activity_table, resource_table,
              num_W1, num_b1, num_W2, num_b2,
              time_W1, time_b1, time_W2, time_b2,
              proj_W, proj_b):
    token_vecs = jnp.take(token_table, token_ids, axis=0)
    activity_vecs = jnp.take(activity_table, activity_ids, axis=0)
    resource_vecs = jnp.take(resource_table, resource_ids, axis=0)
    numeric_vecs = jax.nn.relu(numeric_features @ num_W1 + num_b1) @ num_W2 + num_b2
    time_vecs = jax.nn.relu(time_features @ time_W1 + time_b1) @ time_W2 + time_b2
    is_event_mask = (activity_ids > 0)[..., None].astype(jnp.float32)
    combined = jnp.concatenate([
        activity_vecs * is_event_mask,
        resource_vecs * is_event_mask,
        numeric_vecs * is_event_mask,
        time_vecs * is_event_mask,
    ], axis=-1)
    projected = combined @ proj_W + proj_b
    final = projected + token_vecs
    final = jnp.transpose(final, (1, 0, 2))  # [S, B, D]
    pe = make_pe(final.shape[0], final.shape[2])
    return final + pe  # dropout is identity in eval mode

if __name__ == "__main__":
    import jax
    _d = setup_inputs()
    print(jax.jit(kernel)(*tuple(_d.values())))

</pallas_src>

<mosaic_0001>
#map = affine_map<(d0, d1) -> (0, 0)>
#map1 = affine_map<(d0, d1) -> (0)>
module attributes {stable_mosaic.version = 14 : i64} {
  func.func @gather_k(%arg0: i32, %arg1: i32, %arg2: memref<100000x128xf32, #tpu.memory_space<hbm>>, %arg3: memref<100000x128xf32, #tpu.memory_space<hbm>>, %arg4: memref<100000x128xf32, #tpu.memory_space<hbm>>, %arg5: memref<25600xi32, #tpu.memory_space<hbm>>, %arg6: memref<25600xi32, #tpu.memory_space<hbm>>, %arg7: memref<25600xi32, #tpu.memory_space<hbm>>, %arg8: memref<25600x128xf32, #tpu.memory_space<hbm>>, %arg9: memref<25600x128xf32, #tpu.memory_space<hbm>>, %arg10: memref<25600x128xf32, #tpu.memory_space<hbm>>, %arg11: memref<800xi32, #tpu.memory_space<vmem>>, %arg12: memref<80x128xf32, #tpu.memory_space<vmem>>, %arg13: memref<80x128xf32, #tpu.memory_space<vmem>>, %arg14: memref<!tpu.dma_semaphore, #tpu.memory_space<semaphore_mem>>, %arg15: memref<!tpu.dma_semaphore, #tpu.memory_space<semaphore_mem>>, %arg16: memref<!tpu.dma_semaphore, #tpu.memory_space<semaphore_mem>>) attributes {dimension_semantics = [#tpu.dimension_semantics<core_parallel>, #tpu.dimension_semantics<subcore_parallel>], iteration_bounds = array<i64: 2, 16>, scalar_prefetch = 0 : i64, scratch_operands = 6 : i64, tpu.core_type = #tpu.core_type<sc_vector_subcore>, window_params = [{transform_indices = #map}, {transform_indices = #map}, {transform_indices = #map}, {transform_indices = #map1}, {transform_indices = #map1}, {transform_indices = #map1}, {transform_indices = #map}, {transform_indices = #map}, {transform_indices = #map}]} {
    %mul3A = arith.constant 2 : i32
    %mul3A_0 = arith.muli %arg1, %mul3A : i32
    %add3A = arith.addi %mul3A_0, %arg0 : i32
    %mul3A_1 = arith.constant 800 : i32
    %mul3A_2 = arith.muli %add3A, %mul3A_1 : i32
    "tpu.region"() ({
      %run_scoped3A = tpu.sem_alloc : memref<!tpu.dma_semaphore, #tpu.memory_space<semaphore_mem>>
      %dma_start3A_150 = tpu.memref_slice %arg5[%mul3A_2] : memref<25600xi32, #tpu.memory_space<hbm>> -> memref<800xi32, #tpu.memory_space<hbm>>
      %dma_start3A_151 = tpu.memref_slice %arg5[%mul3A_2] : memref<25600xi32, #tpu.memory_space<hbm>> -> memref<800xi32, #tpu.memory_space<hbm>>
      tpu.enqueue_dma source(%dma_start3A_151 : memref<800xi32, #tpu.memory_space<hbm>>) target(%arg11 : memref<800xi32, #tpu.memory_space<vmem>>) target_semaphore(%run_scoped3A : memref<!tpu.dma_semaphore, #tpu.memory_space<semaphore_mem>>)
      %dma_wait3A_152 = tpu.memref_slice %arg5[%mul3A_2] : memref<25600xi32, #tpu.memory_space<hbm>> -> memref<800xi32, #tpu.memory_space<hbm>>
      %dma_wait3A_153 = tpu.memref_slice %arg5[%mul3A_2] : memref<25600xi32, #tpu.memory_space<hbm>> -> memref<800xi32, #tpu.memory_space<hbm>>
      tpu.wait_dma2 semaphore(%run_scoped3A : memref<!tpu.dma_semaphore, #tpu.memory_space<semaphore_mem>>) src(%dma_wait3A_153 : memref<800xi32, #tpu.memory_space<hbm>>) dst(%arg11 : memref<800xi32, #tpu.memory_space<vmem>>)
      tpu.yield
    }) : () -> ()
    %dma_start3A = arith.constant 0 : i32
    %dma_start3A_3 = tpu.memref_slice %arg11[%dma_start3A] : memref<800xi32, #tpu.memory_space<vmem>> -> memref<80xi32, #tpu.memory_space<vmem>>
    %dma_start3A_4 = arith.constant 0 : i32
    %dma_start3A_5 = arith.constant 0 : i32
    %dma_start3A_6 = tpu.memref_slice %arg2[%dma_start3A_4, %dma_start3A_5] : memref<100000x128xf32, #tpu.memory_space<hbm>> -> memref<100000x128xf32, #tpu.memory_space<hbm>>
    tpu.enqueue_indirect_dma source(%dma_start3A_6 : memref<100000x128xf32, #tpu.memory_space<hbm>>) target(%arg12 : memref<80x128xf32, #tpu.memory_space<vmem>>) offsets(%dma_start3A_3 : memref<80xi32, #tpu.memory_space<vmem>>) semaphore(%arg14 : memref<!tpu.dma_semaphore, #tpu.memory_space<semaphore_mem>>)
    %dma_wait3A = arith.constant 0 : i32
    %dma_wait3A_7 = tpu.memref_slice %arg11[%dma_wait3A] : memref<800xi32, #tpu.memory_space<vmem>> -> memref<80xi32, #tpu.memory_space<vmem>>
    %dma_wait3A_8 = arith.constant 0 : i32
    %dma_wait3A_9 = arith.constant 0 : i32
    %dma_wait3A_10 = tpu.memref_slice %arg2[%dma_wait3A_8, %dma_wait3A_9] : memref<100000x128xf32, #tpu.memory_space<hbm>> -> memref<100000x128xf32, #tpu.memory_space<hbm>>
    tpu.wait_indirect_dma semaphore(%arg14 : memref<!tpu.dma_semaphore, #tpu.memory_space<semaphore_mem>>) src(%dma_wait3A_10 : memref<100000x128xf32, #tpu.memory_space<hbm>>) dst(%arg12 : memref<80x128xf32, #tpu.memory_space<vmem>>)
    %add3A_11 = arith.constant 0 : i32
    %add3A_12 = arith.addi %mul3A_2, %add3A_11 : i32
    %dma_start3A_13 = arith.constant 0 : i32
    %dma_start3A_14 = tpu.memref_slice %arg8[%add3A_12, %dma_start3A_13] : memref<25600x128xf32, #tpu.memory_space<hbm>> -> memref<80x128xf32, #tpu.memory_space<hbm>>
    %dma_start3A_15 = arith.constant 0 : i32
    %dma_start3A_16 = tpu.memref_slice %arg8[%add3A_12, %dma_start3A_15] : memref<25600x128xf32, #tpu.memory_space<hbm>> -> memref<80x128xf32, #tpu.memory_space<hbm>>
    tpu.enqueue_dma source(%arg12 : memref<80x128xf32, #tpu.memory_space<vmem>>) target(%dma_start3A_16 : memref<80x128xf32, #tpu.memory_space<hbm>>) target_semaphore(%arg15 : memref<!tpu.dma_semaphore, #tpu.memory_space<semaphore_mem>>)
    %dma_start3A_17 = arith.constant 80 : i32
    %dma_start3A_18 = tpu.memref_slice %arg11[%dma_start3A_17] : memref<800xi32, #tpu.memory_space<vmem>> -> memref<80xi32, #tpu.memory_space<vmem>>
    %dma_start3A_19 = arith.constant 0 : i32
    %dma_start3A_20 = arith.constant 0 : i32
    %dma_start3A_21 = tpu.memref_slice %arg2[%dma_start3A_19, %dma_start3A_20] : memref<100000x128xf32, #tpu.memory_space<hbm>> -> memref<100000x128xf32, #tpu.memory_space<hbm>>
    tpu.enqueue_indirect_dma source(%dma_start3A_21 : memref<100000x128xf32, #tpu.memory_space<hbm>>) target(%arg13 : memref<80x128xf32, #tpu.memory_space<vmem>>) offsets(%dma_start3A_18 : memref<80xi32, #tpu.memory_space<vmem>>) semaphore(%arg14 : memref<!tpu.dma_semaphore, #tpu.memory_space<semaphore_mem>>)
    %dma_wait3A_22 = arith.constant 80 : i32
    %dma_wait3A_23 = tpu.memref_slice %arg11[%dma_wait3A_22] : memref<800xi32, #tpu.memory_space<vmem>> -> memref<80xi32, #tpu.memory_space<vmem>>
    %dma_wait3A_24 = arith.constant 0 : i32
    %dma_wait3A_25 = arith.constant 0 : i32
    %dma_wait3A_26 = tpu.memref_slice %arg2[%dma_wait3A_24, %dma_wait3A_25] : memref<100000x128xf32, #tpu.memory_space<hbm>> -> memref<100000x128xf32, #tpu.memory_space<hbm>>
    tpu.wait_indirect_dma semaphore(%arg14 : memref<!tpu.dma_semaphore, #tpu.memory_space<semaphore_mem>>) src(%dma_wait3A_26 : memref<100000x128xf32, #tpu.memory_space<hbm>>) dst(%arg13 : memref<80x128xf32, #tpu.memory_space<vmem>>)
    %add3A_27 = arith.constant 80 : i32
    %add3A_28 = arith.addi %mul3A_2, %add3A_27 : i32
    %dma_start3A_29 = arith.constant 0 : i32
    %dma_start3A_30 = tpu.memref_slice %arg8[%add3A_28, %dma_start3A_29] : memref<25600x128xf32, #tpu.memory_space<hbm>> -> memref<80x128xf32, #tpu.memory_space<hbm>>
    %dma_start3A_31 = arith.constant 0 : i32
    %dma_start3A_32 = tpu.memref_slice %arg8[%add3A_28, %dma_start3A_31] : memref<25600x128xf32, #tpu.memory_space<hbm>> -> memref<80x128xf32, #tpu.memory_space<hbm>>
    tpu.enqueue_dma source(%arg13 : memref<80x128xf32, #tpu.memory_space<vmem>>) target(%dma_start3A_32 : memref<80x128xf32, #tpu.memory_space<hbm>>) target_semaphore(%arg16 : memref<!tpu.dma_semaphore, #tpu.memory_space<semaphore_mem>>)
    %scan3A = arith.constant 0 : i32
    %scan3A_33 = arith.constant 1 : i32
    %scan3A_34 = arith.constant 4 : i32
    %scan3A_35 = arith.addi %scan3A_33, %scan3A_34 : i32
    %scan3A_36 = arith.constant 1 : i32
    scf.for %scan3A_150 = %scan3A_33 to %scan3A_35 step %scan3A_36  : i32 {
      %mul3A_151 = arith.constant 2 : i32
      %mul3A_152 = arith.muli %mul3A_151, %scan3A_150 : i32
      %sub3A = arith.constant 2 : i32
      %sub3A_153 = arith.subi %mul3A_152, %sub3A : i32
      %mul3A_154 = arith.constant 80 : i32
      %mul3A_155 = arith.muli %sub3A_153, %mul3A_154 : i32
      %add3A_156 = arith.addi %mul3A_2, %mul3A_155 : i32
      %dma_wait3A_157 = arith.constant 0 : i32
      %dma_wait3A_158 = tpu.memref_slice %arg8[%add3A_156, %dma_wait3A_157] : memref<25600x128xf32, #tpu.memory_space<hbm>> -> memref<80x128xf32, #tpu.memory_space<hbm>>
      %dma_wait3A_159 = arith.constant 0 : i32
      %dma_wait3A_160 = tpu.memref_slice %arg8[%add3A_156, %dma_wait3A_159] : memref<25600x128xf32, #tpu.memory_space<hbm>> -> memref<80x128xf32, #tpu.memory_space<hbm>>
      tpu.wait_dma2 semaphore(%arg15 : memref<!tpu.dma_semaphore, #tpu.memory_space<semaphore_mem>>) src(%arg12 : memref<80x128xf32, #tpu.memory_space<vmem>>) dst(%dma_wait3A_160 : memref<80x128xf32, #tpu.memory_space<hbm>>)
      %mul3A_161 = arith.constant 80 : i32
      %mul3A_162 = arith.muli %mul3A_152, %mul3A_161 : i32
      %dma_start3A_163 = tpu.memref_slice %arg11[%mul3A_162] : memref<800xi32, #tpu.memory_space<vmem>> -> memref<80xi32, #tpu.memory_space<vmem>>
      %dma_start3A_164 = arith.constant 0 : i32
      %dma_start3A_165 = arith.constant 0 : i32
      %dma_start3A_166 = tpu.memref_slice %arg2[%dma_start3A_164, %dma_start3A_165] : memref<100000x128xf32, #tpu.memory_space<hbm>> -> memref<100000x128xf32, #tpu.memory_space<hbm>>
      tpu.enqueue_indirect_dma source(%dma_start3A_166 : memref<100000x128xf32, #tpu.memory_space<hbm>>) target(%arg12 : memref<80x128xf32, #tpu.memory_space<vmem>>) offsets(%dma_start3A_163 : memref<80xi32, #tpu.memory_space<vmem>>) semaphore(%arg14 : memref<!tpu.dma_semaphore, #tpu.memory_space<semaphore_mem>>)
      %dma_wait3A_167 = tpu.memref_slice %arg11[%mul3A_162] : memref<800xi32, #tpu.memory_space<vmem>> -> memref<80xi32, #tpu.memory_space<vmem>>
      %dma_wait3A_168 = arith.constant 0 : i32
      %dma_wait3A_169 = arith.constant 0 : i32
      %dma_wait3A_170 = tpu.memref_slice %arg2[%dma_wait3A_168, %dma_wait3A_169] : memref<100000x128xf32, #tpu.memory_space<hbm>> -> memref<100000x128xf32, #tpu.memory_space<hbm>>
      tpu.wait_indirect_dma semaphore(%arg14 : memref<!tpu.dma_semaphore, #tpu.memory_space<semaphore_mem>>) src(%dma_wait3A_170 : memref<100000x128xf32, #tpu.memory_space<hbm>>) dst(%arg12 : memref<80x128xf32, #tpu.memory_space<vmem>>)
      %mul3A_171 = arith.constant 80 : i32
      %mul3A_172 = arith.muli %mul3A_152, %mul3A_171 : i32
      %add3A_173 = arith.addi %mul3A_2, %mul3A_172 : i32
      %dma_start3A_174 = arith.constant 0 : i32
      %dma_start3A_175 = tpu.memref_slice %arg8[%add3A_173, %dma_start3A_174] : memref<25600x128xf32, #tpu.memory_space<hbm>> -> memref<80x128xf32, #tpu.memory_space<hbm>>
      %dma_start3A_176 = arith.constant 0 : i32
      %dma_start3A_177 = tpu.memref_slice %arg8[%add3A_173, %dma_start3A_176] : memref<25600x128xf32, #tpu.memory_space<hbm>> -> memref<80x128xf32, #tpu.memory_space<hbm>>
      tpu.enqueue_dma source(%arg12 : memref<80x128xf32, #tpu.memory_space<vmem>>) target(%dma_start3A_177 : memref<80x128xf32, #tpu.memory_space<hbm>>) target_semaphore(%arg15 : memref<!tpu.dma_semaphore, #tpu.memory_space<semaphore_mem>>)
      %sub3A_178 = arith.constant 1 : i32
      %sub3A_179 = arith.subi %mul3A_152, %sub3A_178 : i32
      %mul3A_180 = arith.constant 80 : i32
      %mul3A_181 = arith.muli %sub3A_179, %mul3A_180 : i32
      %add3A_182 = arith.addi %mul3A_2, %mul3A_181 : i32
      %dma_wait3A_183 = arith.constant 0 : i32
      %dma_wait3A_184 = tpu.memref_slice %arg8[%add3A_182, %dma_wait3A_183] : memref<25600x128xf32, #tpu.memory_space<hbm>> -> memref<80x128xf32, #tpu.memory_space<hbm>>
      %dma_wait3A_185 = arith.constant 0 : i32
      %dma_wait3A_186 = tpu.memref_slice %arg8[%add3A_182, %dma_wait3A_185] : memref<25600x128xf32, #tpu.memory_space<hbm>> -> memref<80x128xf32, #tpu.memory_space<hbm>>
      tpu.wait_dma2 semaphore(%arg16 : memref<!tpu.dma_semaphore, #tpu.memory_space<semaphore_mem>>) src(%arg13 : memref<80x128xf32, #tpu.memory_space<vmem>>) dst(%dma_wait3A_186 : memref<80x128xf32, #tpu.memory_space<hbm>>)
      %add3A_187 = arith.constant 1 : i32
      %add3A_188 = arith.addi %mul3A_152, %add3A_187 : i32
      %mul3A_189 = arith.constant 80 : i32
      %mul3A_190 = arith.muli %add3A_188, %mul3A_189 : i32
      %dma_start3A_191 = tpu.memref_slice %arg11[%mul3A_190] : memref<800xi32, #tpu.memory_space<vmem>> -> memref<80xi32, #tpu.memory_space<vmem>>
      %dma_start3A_192 = arith.constant 0 : i32
      %dma_start3A_193 = arith.constant 0 : i32
      %dma_start3A_194 = tpu.memref_slice %arg2[%dma_start3A_192, %dma_start3A_193] : memref<100000x128xf32, #tpu.memory_space<hbm>> -> memref<100000x128xf32, #tpu.memory_space<hbm>>
      tpu.enqueue_indirect_dma source(%dma_start3A_194 : memref<100000x128xf32, #tpu.memory_space<hbm>>) target(%arg13 : memref<80x128xf32, #tpu.memory_space<vmem>>) offsets(%dma_start3A_191 : memref<80xi32, #tpu.memory_space<vmem>>) semaphore(%arg14 : memref<!tpu.dma_semaphore, #tpu.memory_space<semaphore_mem>>)
      %dma_wait3A_195 = tpu.memref_slice %arg11[%mul3A_190] : memref<800xi32, #tpu.memory_space<vmem>> -> memref<80xi32, #tpu.memory_space<vmem>>
      %dma_wait3A_196 = arith.constant 0 : i32
      %dma_wait3A_197 = arith.constant 0 : i32
      %dma_wait3A_198 = tpu.memref_slice %arg2[%dma_wait3A_196, %dma_wait3A_197] : memref<100000x128xf32, #tpu.memory_space<hbm>> -> memref<100000x128xf32, #tpu.memory_space<hbm>>
      tpu.wait_indirect_dma semaphore(%arg14 : memref<!tpu.dma_semaphore, #tpu.memory_space<semaphore_mem>>) src(%dma_wait3A_198 : memref<100000x128xf32, #tpu.memory_space<hbm>>) dst(%arg13 : memref<80x128xf32, #tpu.memory_space<vmem>>)
      %add3A_199 = arith.constant 1 : i32
      %add3A_200 = arith.addi %mul3A_152, %add3A_199 : i32
      %mul3A_201 = arith.constant 80 : i32
      %mul3A_202 = arith.muli %add3A_200, %mul3A_201 : i32
      %add3A_203 = arith.addi %mul3A_2, %mul3A_202 : i32
      %dma_start3A_204 = arith.constant 0 : i32
      %dma_start3A_205 = tpu.memref_slice %arg8[%add3A_203, %dma_start3A_204] : memref<25600x128xf32, #tpu.memory_space<hbm>> -> memref<80x128xf32, #tpu.memory_space<hbm>>
      %dma_start3A_206 = arith.constant 0 : i32
      %dma_start3A_207 = tpu.memref_slice %arg8[%add3A_203, %dma_start3A_206] : memref<25600x128xf32, #tpu.memory_space<hbm>> -> memref<80x128xf32, #tpu.memory_space<hbm>>
      tpu.enqueue_dma source(%arg13 : memref<80x128xf32, #tpu.memory_space<vmem>>) target(%dma_start3A_207 : memref<80x128xf32, #tpu.memory_space<hbm>>) target_semaphore(%arg16 : memref<!tpu.dma_semaphore, #tpu.memory_space<semaphore_mem>>)
    }
    %scan3A_37 = arith.constant 4 : i32
    %add3A_38 = arith.constant 640 : i32
    %add3A_39 = arith.addi %mul3A_2, %add3A_38 : i32
    %dma_wait3A_40 = arith.constant 0 : i32
    %dma_wait3A_41 = tpu.memref_slice %arg8[%add3A_39, %dma_wait3A_40] : memref<25600x128xf32, #tpu.memory_space<hbm>> -> memref<80x128xf32, #tpu.memory_space<hbm>>
    %dma_wait3A_42 = arith.constant 0 : i32
    %dma_wait3A_43 = tpu.memref_slice %arg8[%add3A_39, %dma_wait3A_42] : memref<25600x128xf32, #tpu.memory_space<hbm>> -> memref<80x128xf32, #tpu.memory_space<hbm>>
    tpu.wait_dma2 semaphore(%arg15 : memref<!tpu.dma_semaphore, #tpu.memory_space<semaphore_mem>>) src(%arg12 : memref<80x128xf32, #tpu.memory_space<vmem>>) dst(%dma_wait3A_43 : memref<80x128xf32, #tpu.memory_space<hbm>>)
    %add3A_44 = arith.constant 720 : i32
    %add3A_45 = arith.addi %mul3A_2, %add3A_44 : i32
    %dma_wait3A_46 = arith.constant 0 : i32
    %dma_wait3A_47 = tpu.memref_slice %arg8[%add3A_45, %dma_wait3A_46] : memref<25600x128xf32, #tpu.memory_space<hbm>> -> memref<80x128xf32, #tpu.memory_space<hbm>>
    %dma_wait3A_48 = arith.constant 0 : i32
    %dma_wait3A_49 = tpu.memref_slice %arg8[%add3A_45, %dma_wait3A_48] : memref<25600x128xf32, #tpu.memory_space<hbm>> -> memref<80x128xf32, #tpu.memory_space<hbm>>
    tpu.wait_dma2 semaphore(%arg16 : memref<!tpu.dma_semaphore, #tpu.memory_space<semaphore_mem>>) src(%arg13 : memref<80x128xf32, #tpu.memory_space<vmem>>) dst(%dma_wait3A_49 : memref<80x128xf32, #tpu.memory_space<hbm>>)
    "tpu.region"() ({
      %run_scoped3A = tpu.sem_alloc : memref<!tpu.dma_semaphore, #tpu.memory_space<semaphore_mem>>
      %dma_start3A_150 = tpu.memref_slice %arg6[%mul3A_2] : memref<25600xi32, #tpu.memory_space<hbm>> -> memref<800xi32, #tpu.memory_space<hbm>>
      %dma_start3A_151 = tpu.memref_slice %arg6[%mul3A_2] : memref<25600xi32, #tpu.memory_space<hbm>> -> memref<800xi32, #tpu.memory_space<hbm>>
      tpu.enqueue_dma source(%dma_start3A_151 : memref<800xi32, #tpu.memory_space<hbm>>) target(%arg11 : memref<800xi32, #tpu.memory_space<vmem>>) target_semaphore(%run_scoped3A : memref<!tpu.dma_semaphore, #tpu.memory_space<semaphore_mem>>)
      %dma_wait3A_152 = tpu.memref_slice %arg6[%mul3A_2] : memref<25600xi32, #tpu.memory_space<hbm>> -> memref<800xi32, #tpu.memory_space<hbm>>
      %dma_wait3A_153 = tpu.memref_slice %arg6[%mul3A_2] : memref<25600xi32, #tpu.memory_space<hbm>> -> memref<800xi32, #tpu.memory_space<hbm>>
      tpu.wait_dma2 semaphore(%run_scoped3A : memref<!tpu.dma_semaphore, #tpu.memory_space<semaphore_mem>>) src(%dma_wait3A_153 : memref<800xi32, #tpu.memory_space<hbm>>) dst(%arg11 : memref<800xi32, #tpu.memory_space<vmem>>)
      tpu.yield
    }) : () -> ()
    %dma_start3A_50 = arith.constant 0 : i32
    %dma_start3A_51 = tpu.memref_slice %arg11[%dma_start3A_50] : memref<800xi32, #tpu.memory_space<vmem>> -> memref<80xi32, #tpu.memory_space<vmem>>
    %dma_start3A_52 = arith.constant 0 : i32
    %dma_start3A_53 = arith.constant 0 : i32
    %dma_start3A_54 = tpu.memref_slice %arg3[%dma_start3A_52, %dma_start3A_53] : memref<100000x128xf32, #tpu.memory_space<hbm>> -> memref<100000x128xf32, #tpu.memory_space<hbm>>
    tpu.enqueue_indirect_dma source(%dma_start3A_54 : memref<100000x128xf32, #tpu.memory_space<hbm>>) target(%arg12 : memref<80x128xf32, #tpu.memory_space<vmem>>) offsets(%dma_start3A_51 : memref<80xi32, #tpu.memory_space<vmem>>) semaphore(%arg14 : memref<!tpu.dma_semaphore, #tpu.memory_space<semaphore_mem>>)
    %dma_wait3A_55 = arith.constant 0 : i32
    %dma_wait3A_56 = tpu.memref_slice %arg11[%dma_wait3A_55] : memref<800xi32, #tpu.memory_space<vmem>> -> memref<80xi32, #tpu.memory_space<vmem>>
    %dma_wait3A_57 = arith.constant 0 : i32
    %dma_wait3A_58 = arith.constant 0 : i32
    %dma_wait3A_59 = tpu.memref_slice %arg3[%dma_wait3A_57, %dma_wait3A_58] : memref<100000x128xf32, #tpu.memory_space<hbm>> -> memref<100000x128xf32, #tpu.memory_space<hbm>>
    tpu.wait_indirect_dma semaphore(%arg14 : memref<!tpu.dma_semaphore, #tpu.memory_space<semaphore_mem>>) src(%dma_wait3A_59 : memref<100000x128xf32, #tpu.memory_space<hbm>>) dst(%arg12 : memref<80x128xf32, #tpu.memory_space<vmem>>)
    %add3A_60 = arith.constant 0 : i32
    %add3A_61 = arith.addi %mul3A_2, %add3A_60 : i32
    %dma_start3A_62 = arith.constant 0 : i32
    %dma_start3A_63 = tpu.memref_slice %arg9[%add3A_61, %dma_start3A_62] : memref<25600x128xf32, #tpu.memory_space<hbm>> -> memref<80x128xf32, #tpu.memory_space<hbm>>
    %dma_start3A_64 = arith.constant 0 : i32
    %dma_start3A_65 = tpu.memref_slice %arg9[%add3A_61, %dma_start3A_64] : memref<25600x128xf32, #tpu.memory_space<hbm>> -> memref<80x128xf32, #tpu.memory_space<hbm>>
    tpu.enqueue_dma source(%arg12 : memref<80x128xf32, #tpu.memory_space<vmem>>) target(%dma_start3A_65 : memref<80x128xf32, #tpu.memory_space<hbm>>) target_semaphore(%arg15 : memref<!tpu.dma_semaphore, #tpu.memory_space<semaphore_mem>>)
    %dma_start3A_66 = arith.constant 80 : i32
    %dma_start3A_67 = tpu.memref_slice %arg11[%dma_start3A_66] : memref<800xi32, #tpu.memory_space<vmem>> -> memref<80xi32, #tpu.memory_space<vmem>>
    %dma_start3A_68 = arith.constant 0 : i32
    %dma_start3A_69 = arith.constant 0 : i32
    %dma_start3A_70 = tpu.memref_slice %arg3[%dma_start3A_68, %dma_start3A_69] : memref<100000x128xf32, #tpu.memory_space<hbm>> -> memref<100000x128xf32, #tpu.memory_space<hbm>>
    tpu.enqueue_indirect_dma source(%dma_start3A_70 : memref<100000x128xf32, #tpu.memory_space<hbm>>) target(%arg13 : memref<80x128xf32, #tpu.memory_space<vmem>>) offsets(%dma_start3A_67 : memref<80xi32, #tpu.memory_space<vmem>>) semaphore(%arg14 : memref<!tpu.dma_semaphore, #tpu.memory_space<semaphore_mem>>)
    %dma_wait3A_71 = arith.constant 80 : i32
    %dma_wait3A_72 = tpu.memref_slice %arg11[%dma_wait3A_71] : memref<800xi32, #tpu.memory_space<vmem>> -> memref<80xi32, #tpu.memory_space<vmem>>
    %dma_wait3A_73 = arith.constant 0 : i32
    %dma_wait3A_74 = arith.constant 0 : i32
    %dma_wait3A_75 = tpu.memref_slice %arg3[%dma_wait3A_73, %dma_wait3A_74] : memref<100000x128xf32, #tpu.memory_space<hbm>> -> memref<100000x128xf32, #tpu.memory_space<hbm>>
    tpu.wait_indirect_dma semaphore(%arg14 : memref<!tpu.dma_semaphore, #tpu.memory_space<semaphore_mem>>) src(%dma_wait3A_75 : memref<100000x128xf32, #tpu.memory_space<hbm>>) dst(%arg13 : memref<80x128xf32, #tpu.memory_space<vmem>>)
    %add3A_76 = arith.constant 80 : i32
    %add3A_77 = arith.addi %mul3A_2, %add3A_76 : i32
    %dma_start3A_78 = arith.constant 0 : i32
    %dma_start3A_79 = tpu.memref_slice %arg9[%add3A_77, %dma_start3A_78] : memref<25600x128xf32, #tpu.memory_space<hbm>> -> memref<80x128xf32, #tpu.memory_space<hbm>>
    %dma_start3A_80 = arith.constant 0 : i32
    %dma_start3A_81 = tpu.memref_slice %arg9[%add3A_77, %dma_start3A_80] : memref<25600x128xf32, #tpu.memory_space<hbm>> -> memref<80x128xf32, #tpu.memory_space<hbm>>
    tpu.enqueue_dma source(%arg13 : memref<80x128xf32, #tpu.memory_space<vmem>>) target(%dma_start3A_81 : memref<80x128xf32, #tpu.memory_space<hbm>>) target_semaphore(%arg16 : memref<!tpu.dma_semaphore, #tpu.memory_space<semaphore_mem>>)
    %scan3A_82 = arith.constant 0 : i32
    %scan3A_83 = arith.constant 1 : i32
    %scan3A_84 = arith.constant 4 : i32
    %scan3A_85 = arith.addi %scan3A_83, %scan3A_84 : i32
    %scan3A_86 = arith.constant 1 : i32
    scf.for %scan3A_150 = %scan3A_83 to %scan3A_85 step %scan3A_86  : i32 {
      %mul3A_151 = arith.constant 2 : i32
      %mul3A_152 = arith.muli %mul3A_151, %scan3A_150 : i32
      %sub3A = arith.constant 2 : i32
      %sub3A_153 = arith.subi %mul3A_152, %sub3A : i32
      %mul3A_154 = arith.constant 80 : i32
      %mul3A_155 = arith.muli %sub3A_153, %mul3A_154 : i32
      %add3A_156 = arith.addi %mul3A_2, %mul3A_155 : i32
      %dma_wait3A_157 = arith.constant 0 : i32
      %dma_wait3A_158 = tpu.memref_slice %arg9[%add3A_156, %dma_wait3A_157] : memref<25600x128xf32, #tpu.memory_space<hbm>> -> memref<80x128xf32, #tpu.memory_space<hbm>>
      %dma_wait3A_159 = arith.constant 0 : i32
      %dma_wait3A_160 = tpu.memref_slice %arg9[%add3A_156, %dma_wait3A_159] : memref<25600x128xf32, #tpu.memory_space<hbm>> -> memref<80x128xf32, #tpu.memory_space<hbm>>
      tpu.wait_dma2 semaphore(%arg15 : memref<!tpu.dma_semaphore, #tpu.memory_space<semaphore_mem>>) src(%arg12 : memref<80x128xf32, #tpu.memory_space<vmem>>) dst(%dma_wait3A_160 : memref<80x128xf32, #tpu.memory_space<hbm>>)
      %mul3A_161 = arith.constant 80 : i32
      %mul3A_162 = arith.muli %mul3A_152, %mul3A_161 : i32
      %dma_start3A_163 = tpu.memref_slice %arg11[%mul3A_162] : memref<800xi32, #tpu.memory_space<vmem>> -> memref<80xi32, #tpu.memory_space<vmem>>
      %dma_start3A_164 = arith.constant 0 : i32
      %dma_start3A_165 = arith.constant 0 : i32
      %dma_start3A_166 = tpu.memref_slice %arg3[%dma_start3A_164, %dma_start3A_165] : memref<100000x128xf32, #tpu.memory_space<hbm>> -> memref<100000x128xf32, #tpu.memory_space<hbm>>
      tpu.enqueue_indirect_dma source(%dma_start3A_166 : memref<100000x128xf32, #tpu.memory_space<hbm>>) target(%arg12 : memref<80x128xf32, #tpu.memory_space<vmem>>) offsets(%dma_start3A_163 : memref<80xi32, #tpu.memory_space<vmem>>) semaphore(%arg14 : memref<!tpu.dma_semaphore, #tpu.memory_space<semaphore_mem>>)
      %dma_wait3A_167 = tpu.memref_slice %arg11[%mul3A_162] : memref<800xi32, #tpu.memory_space<vmem>> -> memref<80xi32, #tpu.memory_space<vmem>>
      %dma_wait3A_168 = arith.constant 0 : i32
      %dma_wait3A_169 = arith.constant 0 : i32
      %dma_wait3A_170 = tpu.memref_slice %arg3[%dma_wait3A_168, %dma_wait3A_169] : memref<100000x128xf32, #tpu.memory_space<hbm>> -> memref<100000x128xf32, #tpu.memory_space<hbm>>
      tpu.wait_indirect_dma semaphore(%arg14 : memref<!tpu.dma_semaphore, #tpu.memory_space<semaphore_mem>>) src(%dma_wait3A_170 : memref<100000x128xf32, #tpu.memory_space<hbm>>) dst(%arg12 : memref<80x128xf32, #tpu.memory_space<vmem>>)
      %mul3A_171 = arith.constant 80 : i32
      %mul3A_172 = arith.muli %mul3A_152, %mul3A_171 : i32
      %add3A_173 = arith.addi %mul3A_2, %mul3A_172 : i32
      %dma_start3A_174 = arith.constant 0 : i32
      %dma_start3A_175 = tpu.memref_slice %arg9[%add3A_173, %dma_start3A_174] : memref<25600x128xf32, #tpu.memory_space<hbm>> -> memref<80x128xf32, #tpu.memory_space<hbm>>
      %dma_start3A_176 = arith.constant 0 : i32
      %dma_start3A_177 = tpu.memref_slice %arg9[%add3A_173, %dma_start3A_176] : memref<25600x128xf32, #tpu.memory_space<hbm>> -> memref<80x128xf32, #tpu.memory_space<hbm>>
      tpu.enqueue_dma source(%arg12 : memref<80x128xf32, #tpu.memory_space<vmem>>) target(%dma_start3A_177 : memref<80x128xf32, #tpu.memory_space<hbm>>) target_semaphore(%arg15 : memref<!tpu.dma_semaphore, #tpu.memory_space<semaphore_mem>>)
      %sub3A_178 = arith.constant 1 : i32
      %sub3A_179 = arith.subi %mul3A_152, %sub3A_178 : i32
      %mul3A_180 = arith.constant 80 : i32
      %mul3A_181 = arith.muli %sub3A_179, %mul3A_180 : i32
      %add3A_182 = arith.addi %mul3A_2, %mul3A_181 : i32
      %dma_wait3A_183 = arith.constant 0 : i32
      %dma_wait3A_184 = tpu.memref_slice %arg9[%add3A_182, %dma_wait3A_183] : memref<25600x128xf32, #tpu.memory_space<hbm>> -> memref<80x128xf32, #tpu.memory_space<hbm>>
      %dma_wait3A_185 = arith.constant 0 : i32
      %dma_wait3A_186 = tpu.memref_slice %arg9[%add3A_182, %dma_wait3A_185] : memref<25600x128xf32, #tpu.memory_space<hbm>> -> memref<80x128xf32, #tpu.memory_space<hbm>>
      tpu.wait_dma2 semaphore(%arg16 : memref<!tpu.dma_semaphore, #tpu.memory_space<semaphore_mem>>) src(%arg13 : memref<80x128xf32, #tpu.memory_space<vmem>>) dst(%dma_wait3A_186 : memref<80x128xf32, #tpu.memory_space<hbm>>)
      %add3A_187 = arith.constant 1 : i32
      %add3A_188 = arith.addi %mul3A_152, %add3A_187 : i32
      %mul3A_189 = arith.constant 80 : i32
      %mul3A_190 = arith.muli %add3A_188, %mul3A_189 : i32
      %dma_start3A_191 = tpu.memref_slice %arg11[%mul3A_190] : memref<800xi32, #tpu.memory_space<vmem>> -> memref<80xi32, #tpu.memory_space<vmem>>
      %dma_start3A_192 = arith.constant 0 : i32
      %dma_start3A_193 = arith.constant 0 : i32
      %dma_start3A_194 = tpu.memref_slice %arg3[%dma_start3A_192, %dma_start3A_193] : memref<100000x128xf32, #tpu.memory_space<hbm>> -> memref<100000x128xf32, #tpu.memory_space<hbm>>
      tpu.enqueue_indirect_dma source(%dma_start3A_194 : memref<100000x128xf32, #tpu.memory_space<hbm>>) target(%arg13 : memref<80x128xf32, #tpu.memory_space<vmem>>) offsets(%dma_start3A_191 : memref<80xi32, #tpu.memory_space<vmem>>) semaphore(%arg14 : memref<!tpu.dma_semaphore, #tpu.memory_space<semaphore_mem>>)
      %dma_wait3A_195 = tpu.memref_slice %arg11[%mul3A_190] : memref<800xi32, #tpu.memory_space<vmem>> -> memref<80xi32, #tpu.memory_space<vmem>>
      %dma_wait3A_196 = arith.constant 0 : i32
      %dma_wait3A_197 = arith.constant 0 : i32
      %dma_wait3A_198 = tpu.memref_slice %arg3[%dma_wait3A_196, %dma_wait3A_197] : memref<100000x128xf32, #tpu.memory_space<hbm>> -> memref<100000x128xf32, #tpu.memory_space<hbm>>
      tpu.wait_indirect_dma semaphore(%arg14 : memref<!tpu.dma_semaphore, #tpu.memory_space<semaphore_mem>>) src(%dma_wait3A_198 : memref<100000x128xf32, #tpu.memory_space<hbm>>) dst(%arg13 : memref<80x128xf32, #tpu.memory_space<vmem>>)
      %add3A_199 = arith.constant 1 : i32
      %add3A_200 = arith.addi %mul3A_152, %add3A_199 : i32
      %mul3A_201 = arith.constant 80 : i32
      %mul3A_202 = arith.muli %add3A_200, %mul3A_201 : i32
      %add3A_203 = arith.addi %mul3A_2, %mul3A_202 : i32
      %dma_start3A_204 = arith.constant 0 : i32
      %dma_start3A_205 = tpu.memref_slice %arg9[%add3A_203, %dma_start3A_204] : memref<25600x128xf32, #tpu.memory_space<hbm>> -> memref<80x128xf32, #tpu.memory_space<hbm>>
      %dma_start3A_206 = arith.constant 0 : i32
      %dma_start3A_207 = tpu.memref_slice %arg9[%add3A_203, %dma_start3A_206] : memref<25600x128xf32, #tpu.memory_space<hbm>> -> memref<80x128xf32, #tpu.memory_space<hbm>>
      tpu.enqueue_dma source(%arg13 : memref<80x128xf32, #tpu.memory_space<vmem>>) target(%dma_start3A_207 : memref<80x128xf32, #tpu.memory_space<hbm>>) target_semaphore(%arg16 : memref<!tpu.dma_semaphore, #tpu.memory_space<semaphore_mem>>)
    }
    %scan3A_87 = arith.constant 4 : i32
    %add3A_88 = arith.constant 640 : i32
    %add3A_89 = arith.addi %mul3A_2, %add3A_88 : i32
    %dma_wait3A_90 = arith.constant 0 : i32
    %dma_wait3A_91 = tpu.memref_slice %arg9[%add3A_89, %dma_wait3A_90] : memref<25600x128xf32, #tpu.memory_space<hbm>> -> memref<80x128xf32, #tpu.memory_space<hbm>>
    %dma_wait3A_92 = arith.constant 0 : i32
    %dma_wait3A_93 = tpu.memref_slice %arg9[%add3A_89, %dma_wait3A_92] : memref<25600x128xf32, #tpu.memory_space<hbm>> -> memref<80x128xf32, #tpu.memory_space<hbm>>
    tpu.wait_dma2 semaphore(%arg15 : memref<!tpu.dma_semaphore, #tpu.memory_space<semaphore_mem>>) src(%arg12 : memref<80x128xf32, #tpu.memory_space<vmem>>) dst(%dma_wait3A_93 : memref<80x128xf32, #tpu.memory_space<hbm>>)
    %add3A_94 = arith.constant 720 : i32
    %add3A_95 = arith.addi %mul3A_2, %add3A_94 : i32
    %dma_wait3A_96 = arith.constant 0 : i32
    %dma_wait3A_97 = tpu.memref_slice %arg9[%add3A_95, %dma_wait3A_96] : memref<25600x128xf32, #tpu.memory_space<hbm>> -> memref<80x128xf32, #tpu.memory_space<hbm>>
    %dma_wait3A_98 = arith.constant 0 : i32
    %dma_wait3A_99 = tpu.memref_slice %arg9[%add3A_95, %dma_wait3A_98] : memref<25600x128xf32, #tpu.memory_space<hbm>> -> memref<80x128xf32, #tpu.memory_space<hbm>>
    tpu.wait_dma2 semaphore(%arg16 : memref<!tpu.dma_semaphore, #tpu.memory_space<semaphore_mem>>) src(%arg13 : memref<80x128xf32, #tpu.memory_space<vmem>>) dst(%dma_wait3A_99 : memref<80x128xf32, #tpu.memory_space<hbm>>)
    "tpu.region"() ({
      %run_scoped3A = tpu.sem_alloc : memref<!tpu.dma_semaphore, #tpu.memory_space<semaphore_mem>>
      %dma_start3A_150 = tpu.memref_slice %arg7[%mul3A_2] : memref<25600xi32, #tpu.memory_space<hbm>> -> memref<800xi32, #tpu.memory_space<hbm>>
      %dma_start3A_151 = tpu.memref_slice %arg7[%mul3A_2] : memref<25600xi32, #tpu.memory_space<hbm>> -> memref<800xi32, #tpu.memory_space<hbm>>
      tpu.enqueue_dma source(%dma_start3A_151 : memref<800xi32, #tpu.memory_space<hbm>>) target(%arg11 : memref<800xi32, #tpu.memory_space<vmem>>) target_semaphore(%run_scoped3A : memref<!tpu.dma_semaphore, #tpu.memory_space<semaphore_mem>>)
      %dma_wait3A_152 = tpu.memref_slice %arg7[%mul3A_2] : memref<25600xi32, #tpu.memory_space<hbm>> -> memref<800xi32, #tpu.memory_space<hbm>>
      %dma_wait3A_153 = tpu.memref_slice %arg7[%mul3A_2] : memref<25600xi32, #tpu.memory_space<hbm>> -> memref<800xi32, #tpu.memory_space<hbm>>
      tpu.wait_dma2 semaphore(%run_scoped3A : memref<!tpu.dma_semaphore, #tpu.memory_space<semaphore_mem>>) src(%dma_wait3A_153 : memref<800xi32, #tpu.memory_space<hbm>>) dst(%arg11 : memref<800xi32, #tpu.memory_space<vmem>>)
      tpu.yield
    }) : () -> ()
    %dma_start3A_100 = arith.constant 0 : i32
    %dma_start3A_101 = tpu.memref_slice %arg11[%dma_start3A_100] : memref<800xi32, #tpu.memory_space<vmem>> -> memref<80xi32, #tpu.memory_space<vmem>>
    %dma_start3A_102 = arith.constant 0 : i32
    %dma_start3A_103 = arith.constant 0 : i32
    %dma_start3A_104 = tpu.memref_slice %arg4[%dma_start3A_102, %dma_start3A_103] : memref<100000x128xf32, #tpu.memory_space<hbm>> -> memref<100000x128xf32, #tpu.memory_space<hbm>>
    tpu.enqueue_indirect_dma source(%dma_start3A_104 : memref<100000x128xf32, #tpu.memory_space<hbm>>) target(%arg12 : memref<80x128xf32, #tpu.memory_space<vmem>>) offsets(%dma_start3A_101 : memref<80xi32, #tpu.memory_space<vmem>>) semaphore(%arg14 : memref<!tpu.dma_semaphore, #tpu.memory_space<semaphore_mem>>)
    %dma_wait3A_105 = arith.constant 0 : i32
    %dma_wait3A_106 = tpu.memref_slice %arg11[%dma_wait3A_105] : memref<800xi32, #tpu.memory_space<vmem>> -> memref<80xi32, #tpu.memory_space<vmem>>
    %dma_wait3A_107 = arith.constant 0 : i32
    %dma_wait3A_108 = arith.constant 0 : i32
    %dma_wait3A_109 = tpu.memref_slice %arg4[%dma_wait3A_107, %dma_wait3A_108] : memref<100000x128xf32, #tpu.memory_space<hbm>> -> memref<100000x128xf32, #tpu.memory_space<hbm>>
    tpu.wait_indirect_dma semaphore(%arg14 : memref<!tpu.dma_semaphore, #tpu.memory_space<semaphore_mem>>) src(%dma_wait3A_109 : memref<100000x128xf32, #tpu.memory_space<hbm>>) dst(%arg12 : memref<80x128xf32, #tpu.memory_space<vmem>>)
    %add3A_110 = arith.constant 0 : i32
    %add3A_111 = arith.addi %mul3A_2, %add3A_110 : i32
    %dma_start3A_112 = arith.constant 0 : i32
    %dma_start3A_113 = tpu.memref_slice %arg10[%add3A_111, %dma_start3A_112] : memref<25600x128xf32, #tpu.memory_space<hbm>> -> memref<80x128xf32, #tpu.memory_space<hbm>>
    %dma_start3A_114 = arith.constant 0 : i32
    %dma_start3A_115 = tpu.memref_slice %arg10[%add3A_111, %dma_start3A_114] : memref<25600x128xf32, #tpu.memory_space<hbm>> -> memref<80x128xf32, #tpu.memory_space<hbm>>
    tpu.enqueue_dma source(%arg12 : memref<80x128xf32, #tpu.memory_space<vmem>>) target(%dma_start3A_115 : memref<80x128xf32, #tpu.memory_space<hbm>>) target_semaphore(%arg15 : memref<!tpu.dma_semaphore, #tpu.memory_space<semaphore_mem>>)
    %dma_start3A_116 = arith.constant 80 : i32
    %dma_start3A_117 = tpu.memref_slice %arg11[%dma_start3A_116] : memref<800xi32, #tpu.memory_space<vmem>> -> memref<80xi32, #tpu.memory_space<vmem>>
    %dma_start3A_118 = arith.constant 0 : i32
    %dma_start3A_119 = arith.constant 0 : i32
    %dma_start3A_120 = tpu.memref_slice %arg4[%dma_start3A_118, %dma_start3A_119] : memref<100000x128xf32, #tpu.memory_space<hbm>> -> memref<100000x128xf32, #tpu.memory_space<hbm>>
    tpu.enqueue_indirect_dma source(%dma_start3A_120 : memref<100000x128xf32, #tpu.memory_space<hbm>>) target(%arg13 : memref<80x128xf32, #tpu.memory_space<vmem>>) offsets(%dma_start3A_117 : memref<80xi32, #tpu.memory_space<vmem>>) semaphore(%arg14 : memref<!tpu.dma_semaphore, #tpu.memory_space<semaphore_mem>>)
    %dma_wait3A_121 = arith.constant 80 : i32
    %dma_wait3A_122 = tpu.memref_slice %arg11[%dma_wait3A_121] : memref<800xi32, #tpu.memory_space<vmem>> -> memref<80xi32, #tpu.memory_space<vmem>>
    %dma_wait3A_123 = arith.constant 0 : i32
    %dma_wait3A_124 = arith.constant 0 : i32
    %dma_wait3A_125 = tpu.memref_slice %arg4[%dma_wait3A_123, %dma_wait3A_124] : memref<100000x128xf32, #tpu.memory_space<hbm>> -> memref<100000x128xf32, #tpu.memory_space<hbm>>
    tpu.wait_indirect_dma semaphore(%arg14 : memref<!tpu.dma_semaphore, #tpu.memory_space<semaphore_mem>>) src(%dma_wait3A_125 : memref<100000x128xf32, #tpu.memory_space<hbm>>) dst(%arg13 : memref<80x128xf32, #tpu.memory_space<vmem>>)
    %add3A_126 = arith.constant 80 : i32
    %add3A_127 = arith.addi %mul3A_2, %add3A_126 : i32
    %dma_start3A_128 = arith.constant 0 : i32
    %dma_start3A_129 = tpu.memref_slice %arg10[%add3A_127, %dma_start3A_128] : memref<25600x128xf32, #tpu.memory_space<hbm>> -> memref<80x128xf32, #tpu.memory_space<hbm>>
    %dma_start3A_130 = arith.constant 0 : i32
    %dma_start3A_131 = tpu.memref_slice %arg10[%add3A_127, %dma_start3A_130] : memref<25600x128xf32, #tpu.memory_space<hbm>> -> memref<80x128xf32, #tpu.memory_space<hbm>>
    tpu.enqueue_dma source(%arg13 : memref<80x128xf32, #tpu.memory_space<vmem>>) target(%dma_start3A_131 : memref<80x128xf32, #tpu.memory_space<hbm>>) target_semaphore(%arg16 : memref<!tpu.dma_semaphore, #tpu.memory_space<semaphore_mem>>)
    %scan3A_132 = arith.constant 0 : i32
    %scan3A_133 = arith.constant 1 : i32
    %scan3A_134 = arith.constant 4 : i32
    %scan3A_135 = arith.addi %scan3A_133, %scan3A_134 : i32
    %scan3A_136 = arith.constant 1 : i32
    scf.for %scan3A_150 = %scan3A_133 to %scan3A_135 step %scan3A_136  : i32 {
      %mul3A_151 = arith.constant 2 : i32
      %mul3A_152 = arith.muli %mul3A_151, %scan3A_150 : i32
      %sub3A = arith.constant 2 : i32
      %sub3A_153 = arith.subi %mul3A_152, %sub3A : i32
      %mul3A_154 = arith.constant 80 : i32
      %mul3A_155 = arith.muli %sub3A_153, %mul3A_154 : i32
      %add3A_156 = arith.addi %mul3A_2, %mul3A_155 : i32
      %dma_wait3A_157 = arith.constant 0 : i32
      %dma_wait3A_158 = tpu.memref_slice %arg10[%add3A_156, %dma_wait3A_157] : memref<25600x128xf32, #tpu.memory_space<hbm>> -> memref<80x128xf32, #tpu.memory_space<hbm>>
      %dma_wait3A_159 = arith.constant 0 : i32
      %dma_wait3A_160 = tpu.memref_slice %arg10[%add3A_156, %dma_wait3A_159] : memref<25600x128xf32, #tpu.memory_space<hbm>> -> memref<80x128xf32, #tpu.memory_space<hbm>>
      tpu.wait_dma2 semaphore(%arg15 : memref<!tpu.dma_semaphore, #tpu.memory_space<semaphore_mem>>) src(%arg12 : memref<80x128xf32, #tpu.memory_space<vmem>>) dst(%dma_wait3A_160 : memref<80x128xf32, #tpu.memory_space<hbm>>)
      %mul3A_161 = arith.constant 80 : i32
      %mul3A_162 = arith.muli %mul3A_152, %mul3A_161 : i32
      %dma_start3A_163 = tpu.memref_slice %arg11[%mul3A_162] : memref<800xi32, #tpu.memory_space<vmem>> -> memref<80xi32, #tpu.memory_space<vmem>>
      %dma_start3A_164 = arith.constant 0 : i32
      %dma_start3A_165 = arith.constant 0 : i32
      %dma_start3A_166 = tpu.memref_slice %arg4[%dma_start3A_164, %dma_start3A_165] : memref<100000x128xf32, #tpu.memory_space<hbm>> -> memref<100000x128xf32, #tpu.memory_space<hbm>>
      tpu.enqueue_indirect_dma source(%dma_start3A_166 : memref<100000x128xf32, #tpu.memory_space<hbm>>) target(%arg12 : memref<80x128xf32, #tpu.memory_space<vmem>>) offsets(%dma_start3A_163 : memref<80xi32, #tpu.memory_space<vmem>>) semaphore(%arg14 : memref<!tpu.dma_semaphore, #tpu.memory_space<semaphore_mem>>)
      %dma_wait3A_167 = tpu.memref_slice %arg11[%mul3A_162] : memref<800xi32, #tpu.memory_space<vmem>> -> memref<80xi32, #tpu.memory_space<vmem>>
      %dma_wait3A_168 = arith.constant 0 : i32
      %dma_wait3A_169 = arith.constant 0 : i32
      %dma_wait3A_170 = tpu.memref_slice %arg4[%dma_wait3A_168, %dma_wait3A_169] : memref<100000x128xf32, #tpu.memory_space<hbm>> -> memref<100000x128xf32, #tpu.memory_space<hbm>>
      tpu.wait_indirect_dma semaphore(%arg14 : memref<!tpu.dma_semaphore, #tpu.memory_space<semaphore_mem>>) src(%dma_wait3A_170 : memref<100000x128xf32, #tpu.memory_space<hbm>>) dst(%arg12 : memref<80x128xf32, #tpu.memory_space<vmem>>)
      %mul3A_171 = arith.constant 80 : i32
      %mul3A_172 = arith.muli %mul3A_152, %mul3A_171 : i32
      %add3A_173 = arith.addi %mul3A_2, %mul3A_172 : i32
      %dma_start3A_174 = arith.constant 0 : i32
      %dma_start3A_175 = tpu.memref_slice %arg10[%add3A_173, %dma_start3A_174] : memref<25600x128xf32, #tpu.memory_space<hbm>> -> memref<80x128xf32, #tpu.memory_space<hbm>>
      %dma_start3A_176 = arith.constant 0 : i32
      %dma_start3A_177 = tpu.memref_slice %arg10[%add3A_173, %dma_start3A_176] : memref<25600x128xf32, #tpu.memory_space<hbm>> -> memref<80x128xf32, #tpu.memory_space<hbm>>
      tpu.enqueue_dma source(%arg12 : memref<80x128xf32, #tpu.memory_space<vmem>>) target(%dma_start3A_177 : memref<80x128xf32, #tpu.memory_space<hbm>>) target_semaphore(%arg15 : memref<!tpu.dma_semaphore, #tpu.memory_space<semaphore_mem>>)
      %sub3A_178 = arith.constant 1 : i32
      %sub3A_179 = arith.subi %mul3A_152, %sub3A_178 : i32
      %mul3A_180 = arith.constant 80 : i32
      %mul3A_181 = arith.muli %sub3A_179, %mul3A_180 : i32
      %add3A_182 = arith.addi %mul3A_2, %mul3A_181 : i32
      %dma_wait3A_183 = arith.constant 0 : i32
      %dma_wait3A_184 = tpu.memref_slice %arg10[%add3A_182, %dma_wait3A_183] : memref<25600x128xf32, #tpu.memory_space<hbm>> -> memref<80x128xf32, #tpu.memory_space<hbm>>
      %dma_wait3A_185 = arith.constant 0 : i32
      %dma_wait3A_186 = tpu.memref_slice %arg10[%add3A_182, %dma_wait3A_185] : memref<25600x128xf32, #tpu.memory_space<hbm>> -> memref<80x128xf32, #tpu.memory_space<hbm>>
      tpu.wait_dma2 semaphore(%arg16 : memref<!tpu.dma_semaphore, #tpu.memory_space<semaphore_mem>>) src(%arg13 : memref<80x128xf32, #tpu.memory_space<vmem>>) dst(%dma_wait3A_186 : memref<80x128xf32, #tpu.memory_space<hbm>>)
      %add3A_187 = arith.constant 1 : i32
      %add3A_188 = arith.addi %mul3A_152, %add3A_187 : i32
      %mul3A_189 = arith.constant 80 : i32
      %mul3A_190 = arith.muli %add3A_188, %mul3A_189 : i32
      %dma_start3A_191 = tpu.memref_slice %arg11[%mul3A_190] : memref<800xi32, #tpu.memory_space<vmem>> -> memref<80xi32, #tpu.memory_space<vmem>>
      %dma_start3A_192 = arith.constant 0 : i32
      %dma_start3A_193 = arith.constant 0 : i32
      %dma_start3A_194 = tpu.memref_slice %arg4[%dma_start3A_192, %dma_start3A_193] : memref<100000x128xf32, #tpu.memory_space<hbm>> -> memref<100000x128xf32, #tpu.memory_space<hbm>>
      tpu.enqueue_indirect_dma source(%dma_start3A_194 : memref<100000x128xf32, #tpu.memory_space<hbm>>) target(%arg13 : memref<80x128xf32, #tpu.memory_space<vmem>>) offsets(%dma_start3A_191 : memref<80xi32, #tpu.memory_space<vmem>>) semaphore(%arg14 : memref<!tpu.dma_semaphore, #tpu.memory_space<semaphore_mem>>)
      %dma_wait3A_195 = tpu.memref_slice %arg11[%mul3A_190] : memref<800xi32, #tpu.memory_space<vmem>> -> memref<80xi32, #tpu.memory_space<vmem>>
      %dma_wait3A_196 = arith.constant 0 : i32
      %dma_wait3A_197 = arith.constant 0 : i32
      %dma_wait3A_198 = tpu.memref_slice %arg4[%dma_wait3A_196, %dma_wait3A_197] : memref<100000x128xf32, #tpu.memory_space<hbm>> -> memref<100000x128xf32, #tpu.memory_space<hbm>>
      tpu.wait_indirect_dma semaphore(%arg14 : memref<!tpu.dma_semaphore, #tpu.memory_space<semaphore_mem>>) src(%dma_wait3A_198 : memref<100000x128xf32, #tpu.memory_space<hbm>>) dst(%arg13 : memref<80x128xf32, #tpu.memory_space<vmem>>)
      %add3A_199 = arith.constant 1 : i32
      %add3A_200 = arith.addi %mul3A_152, %add3A_199 : i32
      %mul3A_201 = arith.constant 80 : i32
      %mul3A_202 = arith.muli %add3A_200, %mul3A_201 : i32
      %add3A_203 = arith.addi %mul3A_2, %mul3A_202 : i32
      %dma_start3A_204 = arith.constant 0 : i32
      %dma_start3A_205 = tpu.memref_slice %arg10[%add3A_203, %dma_start3A_204] : memref<25600x128xf32, #tpu.memory_space<hbm>> -> memref<80x128xf32, #tpu.memory_space<hbm>>
      %dma_start3A_206 = arith.constant 0 : i32
      %dma_start3A_207 = tpu.memref_slice %arg10[%add3A_203, %dma_start3A_206] : memref<25600x128xf32, #tpu.memory_space<hbm>> -> memref<80x128xf32, #tpu.memory_space<hbm>>
      tpu.enqueue_dma source(%arg13 : memref<80x128xf32, #tpu.memory_space<vmem>>) target(%dma_start3A_207 : memref<80x128xf32, #tpu.memory_space<hbm>>) target_semaphore(%arg16 : memref<!tpu.dma_semaphore, #tpu.memory_space<semaphore_mem>>)
    }
    %scan3A_137 = arith.constant 4 : i32
    %add3A_138 = arith.constant 640 : i32
    %add3A_139 = arith.addi %mul3A_2, %add3A_138 : i32
    %dma_wait3A_140 = arith.constant 0 : i32
    %dma_wait3A_141 = tpu.memref_slice %arg10[%add3A_139, %dma_wait3A_140] : memref<25600x128xf32, #tpu.memory_space<hbm>> -> memref<80x128xf32, #tpu.memory_space<hbm>>
    %dma_wait3A_142 = arith.constant 0 : i32
    %dma_wait3A_143 = tpu.memref_slice %arg10[%add3A_139, %dma_wait3A_142] : memref<25600x128xf32, #tpu.memory_space<hbm>> -> memref<80x128xf32, #tpu.memory_space<hbm>>
    tpu.wait_dma2 semaphore(%arg15 : memref<!tpu.dma_semaphore, #tpu.memory_space<semaphore_mem>>) src(%arg12 : memref<80x128xf32, #tpu.memory_space<vmem>>) dst(%dma_wait3A_143 : memref<80x128xf32, #tpu.memory_space<hbm>>)
    %add3A_144 = arith.constant 720 : i32
    %add3A_145 = arith.addi %mul3A_2, %add3A_144 : i32
    %dma_wait3A_146 = arith.constant 0 : i32
    %dma_wait3A_147 = tpu.memref_slice %arg10[%add3A_145, %dma_wait3A_146] : memref<25600x128xf32, #tpu.memory_space<hbm>> -> memref<80x128xf32, #tpu.memory_space<hbm>>
    %dma_wait3A_148 = arith.constant 0 : i32
    %dma_wait3A_149 = tpu.memref_slice %arg10[%add3A_145, %dma_wait3A_148] : memref<25600x128xf32, #tpu.memory_space<hbm>> -> memref<80x128xf32, #tpu.memory_space<hbm>>
    tpu.wait_dma2 semaphore(%arg16 : memref<!tpu.dma_semaphore, #tpu.memory_space<semaphore_mem>>) src(%arg13 : memref<80x128xf32, #tpu.memory_space<vmem>>) dst(%dma_wait3A_149 : memref<80x128xf32, #tpu.memory_space<hbm>>)
    return
  }
}

#map = affine_map<(d0, d1) -> (0, 0)>
#map1 = affine_map<(d0, d1) -> (0)>
module attributes {stable_mosaic.version = 14 : i64} {
  func.func @gather_k(%arg0: i32, %arg1: i32, %arg2: memref<100000x128xf32, #tpu.memory_space<hbm>>, %arg3: memref<100000x128xf32, #tpu.memory_space<hbm>>, %arg4: memref<100000x128xf32, #tpu.memory_space<hbm>>, %arg5: memref<25600xi32, #tpu.memory_space<hbm>>, %arg6: memref<25600xi32, #tpu.memory_space<hbm>>, %arg7: memref<25600xi32, #tpu.memory_space<hbm>>, %arg8: memref<25600x128xf32, #tpu.memory_space<hbm>>, %arg9: memref<25600x128xf32, #tpu.memory_space<hbm>>, %arg10: memref<25600x128xf32, #tpu.memory_space<hbm>>, %arg11: memref<800xi32, #tpu.memory_space<vmem>>, %arg12: memref<80x128xf32, #tpu.memory_space<vmem>>, %arg13: memref<80x128xf32, #tpu.memory_space<vmem>>, %arg14: memref<!tpu.dma_semaphore, #tpu.memory_space<semaphore_mem>>, %arg15: memref<!tpu.dma_semaphore, #tpu.memory_space<semaphore_mem>>, %arg16: memref<!tpu.dma_semaphore, #tpu.memory_space<semaphore_mem>>) attributes {dimension_semantics = [#tpu.dimension_semantics<core_parallel>, #tpu.dimension_semantics<subcore_parallel>], iteration_bounds = array<i64: 2, 16>, scalar_prefetch = 0 : i64, scratch_operands = 6 : i64, tpu.core_type = #tpu.core_type<sc_vector_subcore>, window_params = [{transform_indices = #map}, {transform_indices = #map}, {transform_indices = #map}, {transform_indices = #map1}, {transform_indices = #map1}, {transform_indices = #map1}, {transform_indices = #map}, {transform_indices = #map}, {transform_indices = #map}]} {
    %mul3A = arith.constant 2 : i32
    %mul3A_0 = arith.muli %arg1, %mul3A : i32
    %add3A = arith.addi %mul3A_0, %arg0 : i32
    %mul3A_1 = arith.constant 800 : i32
    %mul3A_2 = arith.muli %add3A, %mul3A_1 : i32
    "tpu.region"() ({
      %run_scoped3A = tpu.sem_alloc : memref<!tpu.dma_semaphore, #tpu.memory_space<semaphore_mem>>
      %dma_start3A_150 = tpu.memref_slice %arg5[%mul3A_2] : memref<25600xi32, #tpu.memory_space<hbm>> -> memref<800xi32, #tpu.memory_space<hbm>>
      %dma_start3A_151 = tpu.memref_slice %arg5[%mul3A_2] : memref<25600xi32, #tpu.memory_space<hbm>> -> memref<800xi32, #tpu.memory_space<hbm>>
      tpu.enqueue_dma source(%dma_start3A_151 : memref<800xi32, #tpu.memory_space<hbm>>) target(%arg11 : memref<800xi32, #tpu.memory_space<vmem>>) target_semaphore(%run_scoped3A : memref<!tpu.dma_semaphore, #tpu.memory_space<semaphore_mem>>)
      %dma_wait3A_152 = tpu.memref_slice %arg5[%mul3A_2] : memref<25600xi32, #tpu.memory_space<hbm>> -> memref<800xi32, #tpu.memory_space<hbm>>
      %dma_wait3A_153 = tpu.memref_slice %arg5[%mul3A_2] : memref<25600xi32, #tpu.memory_space<hbm>> -> memref<800xi32, #tpu.memory_space<hbm>>
      tpu.wait_dma2 semaphore(%run_scoped3A : memref<!tpu.dma_semaphore, #tpu.memory_space<semaphore_mem>>) src(%dma_wait3A_153 : memref<800xi32, #tpu.memory_space<hbm>>) dst(%arg11 : memref<800xi32, #tpu.memory_space<vmem>>)
      tpu.yield
    }) : () -> ()
    %dma_start3A = arith.constant 0 : i32
    %dma_start3A_3 = tpu.memref_slice %arg11[%dma_start3A] : memref<800xi32, #tpu.memory_space<vmem>> -> memref<80xi32, #tpu.memory_space<vmem>>
    %dma_start3A_4 = arith.constant 0 : i32
    %dma_start3A_5 = arith.constant 0 : i32
    %dma_start3A_6 = tpu.memref_slice %arg2[%dma_start3A_4, %dma_start3A_5] : memref<100000x128xf32, #tpu.memory_space<hbm>> -> memref<100000x128xf32, #tpu.memory_space<hbm>>
    tpu.enqueue_indirect_dma source(%dma_start3A_6 : memref<100000x128xf32, #tpu.memory_space<hbm>>) target(%arg12 : memref<80x128xf32, #tpu.memory_space<vmem>>) offsets(%dma_start3A_3 : memref<80xi32, #tpu.memory_space<vmem>>) semaphore(%arg14 : memref<!tpu.dma_semaphore, #tpu.memory_space<semaphore_mem>>)
    %dma_wait3A = arith.constant 0 : i32
    %dma_wait3A_7 = tpu.memref_slice %arg11[%dma_wait3A] : memref<800xi32, #tpu.memory_space<vmem>> -> memref<80xi32, #tpu.memory_space<vmem>>
    %dma_wait3A_8 = arith.constant 0 : i32
    %dma_wait3A_9 = arith.constant 0 : i32
    %dma_wait3A_10 = tpu.memref_slice %arg2[%dma_wait3A_8, %dma_wait3A_9] : memref<100000x128xf32, #tpu.memory_space<hbm>> -> memref<100000x128xf32, #tpu.memory_space<hbm>>
    tpu.wait_indirect_dma semaphore(%arg14 : memref<!tpu.dma_semaphore, #tpu.memory_space<semaphore_mem>>) src(%dma_wait3A_10 : memref<100000x128xf32, #tpu.memory_space<hbm>>) dst(%arg12 : memref<80x128xf32, #tpu.memory_space<vmem>>)
    %add3A_11 = arith.constant 0 : i32
    %add3A_12 = arith.addi %mul3A_2, %add3A_11 : i32
    %dma_start3A_13 = arith.constant 0 : i32
    %dma_start3A_14 = tpu.memref_slice %arg8[%add3A_12, %dma_start3A_13] : memref<25600x128xf32, #tpu.memory_space<hbm>> -> memref<80x128xf32, #tpu.memory_space<hbm>>
    %dma_start3A_15 = arith.constant 0 : i32
    %dma_start3A_16 = tpu.memref_slice %arg8[%add3A_12, %dma_start3A_15] : memref<25600x128xf32, #tpu.memory_space<hbm>> -> memref<80x128xf32, #tpu.memory_space<hbm>>
    tpu.enqueue_dma source(%arg12 : memref<80x128xf32, #tpu.memory_space<vmem>>) target(%dma_start3A_16 : memref<80x128xf32, #tpu.memory_space<hbm>>) target_semaphore(%arg15 : memref<!tpu.dma_semaphore, #tpu.memory_space<semaphore_mem>>)
    %dma_start3A_17 = arith.constant 80 : i32
    %dma_start3A_18 = tpu.memref_slice %arg11[%dma_start3A_17] : memref<800xi32, #tpu.memory_space<vmem>> -> memref<80xi32, #tpu.memory_space<vmem>>
    %dma_start3A_19 = arith.constant 0 : i32
    %dma_start3A_20 = arith.constant 0 : i32
    %dma_start3A_21 = tpu.memref_slice %arg2[%dma_start3A_19, %dma_start3A_20] : memref<100000x128xf32, #tpu.memory_space<hbm>> -> memref<100000x128xf32, #tpu.memory_space<hbm>>
    tpu.enqueue_indirect_dma source(%dma_start3A_21 : memref<100000x128xf32, #tpu.memory_space<hbm>>) target(%arg13 : memref<80x128xf32, #tpu.memory_space<vmem>>) offsets(%dma_start3A_18 : memref<80xi32, #tpu.memory_space<vmem>>) semaphore(%arg14 : memref<!tpu.dma_semaphore, #tpu.memory_space<semaphore_mem>>)
    %dma_wait3A_22 = arith.constant 80 : i32
    %dma_wait3A_23 = tpu.memref_slice %arg11[%dma_wait3A_22] : memref<800xi32, #tpu.memory_space<vmem>> -> memref<80xi32, #tpu.memory_space<vmem>>
    %dma_wait3A_24 = arith.constant 0 : i32
    %dma_wait3A_25 = arith.constant 0 : i32
    %dma_wait3A_26 = tpu.memref_slice %arg2[%dma_wait3A_24, %dma_wait3A_25] : memref<100000x128xf32, #tpu.memory_space<hbm>> -> memref<100000x128xf32, #tpu.memory_space<hbm>>
    tpu.wait_indirect_dma semaphore(%arg14 : memref<!tpu.dma_semaphore, #tpu.memory_space<semaphore_mem>>) src(%dma_wait3A_26 : memref<100000x128xf32, #tpu.memory_space<hbm>>) dst(%arg13 : memref<80x128xf32, #tpu.memory_space<vmem>>)
    %add3A_27 = arith.constant 80 : i32
    %add3A_28 = arith.addi %mul3A_2, %add3A_27 : i32
    %dma_start3A_29 = arith.constant 0 : i32
    %dma_start3A_30 = tpu.memref_slice %arg8[%add3A_28, %dma_start3A_29] : memref<25600x128xf32, #tpu.memory_space<hbm>> -> memref<80x128xf32, #tpu.memory_space<hbm>>
    %dma_start3A_31 = arith.constant 0 : i32
    %dma_start3A_32 = tpu.memref_slice %arg8[%add3A_28, %dma_start3A_31] : memref<25600x128xf32, #tpu.memory_space<hbm>> -> memref<80x128xf32, #tpu.memory_space<hbm>>
    tpu.enqueue_dma source(%arg13 : memref<80x128xf32, #tpu.memory_space<vmem>>) target(%dma_start3A_32 : memref<80x128xf32, #tpu.memory_space<hbm>>) target_semaphore(%arg16 : memref<!tpu.dma_semaphore, #tpu.memory_space<semaphore_mem>>)
    %scan3A = arith.constant 0 : i32
    %scan3A_33 = arith.constant 1 : i32
    %scan3A_34 = arith.constant 4 : i32
    %scan3A_35 = arith.addi %scan3A_33, %scan3A_34 : i32
    %scan3A_36 = arith.constant 1 : i32
    scf.for %scan3A_150 = %scan3A_33 to %scan3A_35 step %scan3A_36  : i32 {
      %mul3A_151 = arith.constant 2 : i32
      %mul3A_152 = arith.muli %mul3A_151, %scan3A_150 : i32
      %sub3A = arith.constant 2 : i32
      %sub3A_153 = arith.subi %mul3A_152, %sub3A : i32
      %mul3A_154 = arith.constant 80 : i32
      %mul3A_155 = arith.muli %sub3A_153, %mul3A_154 : i32
      %add3A_156 = arith.addi %mul3A_2, %mul3A_155 : i32
      %dma_wait3A_157 = arith.constant 0 : i32
      %dma_wait3A_158 = tpu.memref_slice %arg8[%add3A_156, %dma_wait3A_157] : memref<25600x128xf32, #tpu.memory_space<hbm>> -> memref<80x128xf32, #tpu.memory_space<hbm>>
      %dma_wait3A_159 = arith.constant 0 : i32
      %dma_wait3A_160 = tpu.memref_slice %arg8[%add3A_156, %dma_wait3A_159] : memref<25600x128xf32, #tpu.memory_space<hbm>> -> memref<80x128xf32, #tpu.memory_space<hbm>>
      tpu.wait_dma2 semaphore(%arg15 : memref<!tpu.dma_semaphore, #tpu.memory_space<semaphore_mem>>) src(%arg12 : memref<80x128xf32, #tpu.memory_space<vmem>>) dst(%dma_wait3A_160 : memref<80x128xf32, #tpu.memory_space<hbm>>)
      %mul3A_161 = arith.constant 80 : i32
      %mul3A_162 = arith.muli %mul3A_152, %mul3A_161 : i32
      %dma_start3A_163 = tpu.memref_slice %arg11[%mul3A_162] : memref<800xi32, #tpu.memory_space<vmem>> -> memref<80xi32, #tpu.memory_space<vmem>>
      %dma_start3A_164 = arith.constant 0 : i32
      %dma_start3A_165 = arith.constant 0 : i32
      %dma_start3A_166 = tpu.memref_slice %arg2[%dma_start3A_164, %dma_start3A_165] : memref<100000x128xf32, #tpu.memory_space<hbm>> -> memref<100000x128xf32, #tpu.memory_space<hbm>>
      tpu.enqueue_indirect_dma source(%dma_start3A_166 : memref<100000x128xf32, #tpu.memory_space<hbm>>) target(%arg12 : memref<80x128xf32, #tpu.memory_space<vmem>>) offsets(%dma_start3A_163 : memref<80xi32, #tpu.memory_space<vmem>>) semaphore(%arg14 : memref<!tpu.dma_semaphore, #tpu.memory_space<semaphore_mem>>)
      %dma_wait3A_167 = tpu.memref_slice %arg11[%mul3A_162] : memref<800xi32, #tpu.memory_space<vmem>> -> memref<80xi32, #tpu.memory_space<vmem>>
      %dma_wait3A_168 = arith.constant 0 : i32
      %dma_wait3A_169 = arith.constant 0 : i32
      %dma_wait3A_170 = tpu.memref_slice %arg2[%dma_wait3A_168, %dma_wait3A_169] : memref<100000x128xf32, #tpu.memory_space<hbm>> -> memref<100000x128xf32, #tpu.memory_space<hbm>>
      tpu.wait_indirect_dma semaphore(%arg14 : memref<!tpu.dma_semaphore, #tpu.memory_space<semaphore_mem>>) src(%dma_wait3A_170 : memref<100000x128xf32, #tpu.memory_space<hbm>>) dst(%arg12 : memref<80x128xf32, #tpu.memory_space<vmem>>)
      %mul3A_171 = arith.constant 80 : i32
      %mul3A_172 = arith.muli %mul3A_152, %mul3A_171 : i32
      %add3A_173 = arith.addi %mul3A_2, %mul3A_172 : i32
      %dma_start3A_174 = arith.constant 0 : i32
      %dma_start3A_175 = tpu.memref_slice %arg8[%add3A_173, %dma_start3A_174] : memref<25600x128xf32, #tpu.memory_space<hbm>> -> memref<80x128xf32, #tpu.memory_space<hbm>>
      %dma_start3A_176 = arith.constant 0 : i32
      %dma_start3A_177 = tpu.memref_slice %arg8[%add3A_173, %dma_start3A_176] : memref<25600x128xf32, #tpu.memory_space<hbm>> -> memref<80x128xf32, #tpu.memory_space<hbm>>
      tpu.enqueue_dma source(%arg12 : memref<80x128xf32, #tpu.memory_space<vmem>>) target(%dma_start3A_177 : memref<80x128xf32, #tpu.memory_space<hbm>>) target_semaphore(%arg15 : memref<!tpu.dma_semaphore, #tpu.memory_space<semaphore_mem>>)
      %sub3A_178 = arith.constant 1 : i32
      %sub3A_179 = arith.subi %mul3A_152, %sub3A_178 : i32
      %mul3A_180 = arith.constant 80 : i32
      %mul3A_181 = arith.muli %sub3A_179, %mul3A_180 : i32
      %add3A_182 = arith.addi %mul3A_2, %mul3A_181 : i32
      %dma_wait3A_183 = arith.constant 0 : i32
      %dma_wait3A_184 = tpu.memref_slice %arg8[%add3A_182, %dma_wait3A_183] : memref<25600x128xf32, #tpu.memory_space<hbm>> -> memref<80x128xf32, #tpu.memory_space<hbm>>
      %dma_wait3A_185 = arith.constant 0 : i32
      %dma_wait3A_186 = tpu.memref_slice %arg8[%add3A_182, %dma_wait3A_185] : memref<25600x128xf32, #tpu.memory_space<hbm>> -> memref<80x128xf32, #tpu.memory_space<hbm>>
      tpu.wait_dma2 semaphore(%arg16 : memref<!tpu.dma_semaphore, #tpu.memory_space<semaphore_mem>>) src(%arg13 : memref<80x128xf32, #tpu.memory_space<vmem>>) dst(%dma_wait3A_186 : memref<80x128xf32, #tpu.memory_space<hbm>>)
      %add3A_187 = arith.constant 1 : i32
      %add3A_188 = arith.addi %mul3A_152, %add3A_187 : i32
      %mul3A_189 = arith.constant 80 : i32
      %mul3A_190 = arith.muli %add3A_188, %mul3A_189 : i32
      %dma_start3A_191 = tpu.memref_slice %arg11[%mul3A_190] : memref<800xi32, #tpu.memory_space<vmem>> -> memref<80xi32, #tpu.memory_space<vmem>>
      %dma_start3A_192 = arith.constant 0 : i32
      %dma_start3A_193 = arith.constant 0 : i32
      %dma_start3A_194 = tpu.memref_slice %arg2[%dma_start3A_192, %dma_start3A_193] : memref<100000x128xf32, #tpu.memory_space<hbm>> -> memref<100000x128xf32, #tpu.memory_space<hbm>>
      tpu.enqueue_indirect_dma source(%dma_start3A_194 : memref<100000x128xf32, #tpu.memory_space<hbm>>) target(%arg13 : memref<80x128xf32, #tpu.memory_space<vmem>>) offsets(%dma_start3A_191 : memref<80xi32, #tpu.memory_space<vmem>>) semaphore(%arg14 : memref<!tpu.dma_semaphore, #tpu.memory_space<semaphore_mem>>)
      %dma_wait3A_195 = tpu.memref_slice %arg11[%mul3A_190] : memref<800xi32, #tpu.memory_space<vmem>> -> memref<80xi32, #tpu.memory_space<vmem>>
      %dma_wait3A_196 = arith.constant 0 : i32
      %dma_wait3A_197 = arith.constant 0 : i32
      %dma_wait3A_198 = tpu.memref_slice %arg2[%dma_wait3A_196, %dma_wait3A_197] : memref<100000x128xf32, #tpu.memory_space<hbm>> -> memref<100000x128xf32, #tpu.memory_space<hbm>>
      tpu.wait_indirect_dma semaphore(%arg14 : memref<!tpu.dma_semaphore, #tpu.memory_space<semaphore_mem>>) src(%dma_wait3A_198 : memref<100000x128xf32, #tpu.memory_space<hbm>>) dst(%arg13 : memref<80x128xf32, #tpu.memory_space<vmem>>)
      %add3A_199 = arith.constant 1 : i32
      %add3A_200 = arith.addi %mul3A_152, %add3A_199 : i32
      %mul3A_201 = arith.constant 80 : i32
      %mul3A_202 = arith.muli %add3A_200, %mul3A_201 : i32
      %add3A_203 = arith.addi %mul3A_2, %mul3A_202 : i32
      %dma_start3A_204 = arith.constant 0 : i32
      %dma_start3A_205 = tpu.memref_slice %arg8[%add3A_203, %dma_start3A_204] : memref<25600x128xf32, #tpu.memory_space<hbm>> -> memref<80x128xf32, #tpu.memory_space<hbm>>
      %dma_start3A_206 = arith.constant 0 : i32
      %dma_start3A_207 = tpu.memref_slice %arg8[%add3A_203, %dma_start3A_206] : memref<25600x128xf32, #tpu.memory_space<hbm>> -> memref<80x128xf32, #tpu.memory_space<hbm>>
      tpu.enqueue_dma source(%arg13 : memref<80x128xf32, #tpu.memory_space<vmem>>) target(%dma_start3A_207 : memref<80x128xf32, #tpu.memory_space<hbm>>) target_semaphore(%arg16 : memref<!tpu.dma_semaphore, #tpu.memory_space<semaphore_mem>>)
    }
    %scan3A_37 = arith.constant 4 : i32
    %add3A_38 = arith.constant 640 : i32
    %add3A_39 = arith.addi %mul3A_2, %add3A_38 : i32
    %dma_wait3A_40 = arith.constant 0 : i32
    %dma_wait3A_41 = tpu.memref_slice %arg8[%add3A_39, %dma_wait3A_40] : memref<25600x128xf32, #tpu.memory_space<hbm>> -> memref<80x128xf32, #tpu.memory_space<hbm>>
    %dma_wait3A_42 = arith.constant 0 : i32
    %dma_wait3A_43 = tpu.memref_slice %arg8[%add3A_39, %dma_wait3A_42] : memref<25600x128xf32, #tpu.memory_space<hbm>> -> memref<80x128xf32, #tpu.memory_space<hbm>>
    tpu.wait_dma2 semaphore(%arg15 : memref<!tpu.dma_semaphore, #tpu.memory_space<semaphore_mem>>) src(%arg12 : memref<80x128xf32, #tpu.memory_space<vmem>>) dst(%dma_wait3A_43 : memref<80x128xf32, #tpu.memory_space<hbm>>)
    %add3A_44 = arith.constant 720 : i32
    %add3A_45 = arith.addi %mul3A_2, %add3A_44 : i32
    %dma_wait3A_46 = arith.constant 0 : i32
    %dma_wait3A_47 = tpu.memref_slice %arg8[%add3A_45, %dma_wait3A_46] : memref<25600x128xf32, #tpu.memory_space<hbm>> -> memref<80x128xf32, #tpu.memory_space<hbm>>
    %dma_wait3A_48 = arith.constant 0 : i32
    %dma_wait3A_49 = tpu.memref_slice %arg8[%add3A_45, %dma_wait3A_48] : memref<25600x128xf32, #tpu.memory_space<hbm>> -> memref<80x128xf32, #tpu.memory_space<hbm>>
    tpu.wait_dma2 semaphore(%arg16 : memref<!tpu.dma_semaphore, #tpu.memory_space<semaphore_mem>>) src(%arg13 : memref<80x128xf32, #tpu.memory_space<vmem>>) dst(%dma_wait3A_49 : memref<80x128xf32, #tpu.memory_space<hbm>>)
    "tpu.region"() ({
      %run_scoped3A = tpu.sem_alloc : memref<!tpu.dma_semaphore, #tpu.memory_space<semaphore_mem>>
      %dma_start3A_150 = tpu.memref_slice %arg6[%mul3A_2] : memref<25600xi32, #tpu.memory_space<hbm>> -> memref<800xi32, #tpu.memory_space<hbm>>
      %dma_start3A_151 = tpu.memref_slice %arg6[%mul3A_2] : memref<25600xi32, #tpu.memory_space<hbm>> -> memref<800xi32, #tpu.memory_space<hbm>>
      tpu.enqueue_dma source(%dma_start3A_151 : memref<800xi32, #tpu.memory_space<hbm>>) target(%arg11 : memref<800xi32, #tpu.memory_space<vmem>>) target_semaphore(%run_scoped3A : memref<!tpu.dma_semaphore, #tpu.memory_space<semaphore_mem>>)
      %dma_wait3A_152 = tpu.memref_slice %arg6[%mul3A_2] : memref<25600xi32, #tpu.memory_space<hbm>> -> memref<800xi32, #tpu.memory_space<hbm>>
      %dma_wait3A_153 = tpu.memref_slice %arg6[%mul3A_2] : memref<25600xi32, #tpu.memory_space<hbm>> -> memref<800xi32, #tpu.memory_space<hbm>>
      tpu.wait_dma2 semaphore(%run_scoped3A : memref<!tpu.dma_semaphore, #tpu.memory_space<semaphore_mem>>) src(%dma_wait3A_153 : memref<800xi32, #tpu.memory_space<hbm>>) dst(%arg11 : memref<800xi32, #tpu.memory_space<vmem>>)
      tpu.yield
    }) : () -> ()
    %dma_start3A_50 = arith.constant 0 : i32
    %dma_start3A_51 = tpu.memref_slice %arg11[%dma_start3A_50] : memref<800xi32, #tpu.memory_space<vmem>> -> memref<80xi32, #tpu.memory_space<vmem>>
    %dma_start3A_52 = arith.constant 0 : i32
    %dma_start3A_53 = arith.constant 0 : i32
    %dma_start3A_54 = tpu.memref_slice %arg3[%dma_start3A_52, %dma_start3A_53] : memref<100000x128xf32, #tpu.memory_space<hbm>> -> memref<100000x128xf32, #tpu.memory_space<hbm>>
    tpu.enqueue_indirect_dma source(%dma_start3A_54 : memref<100000x128xf32, #tpu.memory_space<hbm>>) target(%arg12 : memref<80x128xf32, #tpu.memory_space<vmem>>) offsets(%dma_start3A_51 : memref<80xi32, #tpu.memory_space<vmem>>) semaphore(%arg14 : memref<!tpu.dma_semaphore, #tpu.memory_space<semaphore_mem>>)
    %dma_wait3A_55 = arith.constant 0 : i32
    %dma_wait3A_56 = tpu.memref_slice %arg11[%dma_wait3A_55] : memref<800xi32, #tpu.memory_space<vmem>> -> memref<80xi32, #tpu.memory_space<vmem>>
    %dma_wait3A_57 = arith.constant 0 : i32
    %dma_wait3A_58 = arith.constant 0 : i32
    %dma_wait3A_59 = tpu.memref_slice %arg3[%dma_wait3A_57, %dma_wait3A_58] : memref<100000x128xf32, #tpu.memory_space<hbm>> -> memref<100000x128xf32, #tpu.memory_space<hbm>>
    tpu.wait_indirect_dma semaphore(%arg14 : memref<!tpu.dma_semaphore, #tpu.memory_space<semaphore_mem>>) src(%dma_wait3A_59 : memref<100000x128xf32, #tpu.memory_space<hbm>>) dst(%arg12 : memref<80x128xf32, #tpu.memory_space<vmem>>)
    %add3A_60 = arith.constant 0 : i32
    %add3A_61 = arith.addi %mul3A_2, %add3A_60 : i32
    %dma_start3A_62 = arith.constant 0 : i32
    %dma_start3A_63 = tpu.memref_slice %arg9[%add3A_61, %dma_start3A_62] : memref<25600x128xf32, #tpu.memory_space<hbm>> -> memref<80x128xf32, #tpu.memory_space<hbm>>
    %dma_start3A_64 = arith.constant 0 : i32
    %dma_start3A_65 = tpu.memref_slice %arg9[%add3A_61, %dma_start3A_64] : memref<25600x128xf32, #tpu.memory_space<hbm>> -> memref<80x128xf32, #tpu.memory_space<hbm>>
    tpu.enqueue_dma source(%arg12 : memref<80x128xf32, #tpu.memory_space<vmem>>) target(%dma_start3A_65 : memref<80x128xf32, #tpu.memory_space<hbm>>) target_semaphore(%arg15 : memref<!tpu.dma_semaphore, #tpu.memory_space<semaphore_mem>>)
    %dma_start3A_66 = arith.constant 80 : i32
    %dma_start3A_67 = tpu.memref_slice %arg11[%dma_start3A_66] : memref<800xi32, #tpu.memory_space<vmem>> -> memref<80xi32, #tpu.memory_space<vmem>>
    %dma_start3A_68 = arith.constant 0 : i32
    %dma_start3A_69 = arith.constant 0 : i32
    %dma_start3A_70 = tpu.memref_slice %arg3[%dma_start3A_68, %dma_start3A_69] : memref<100000x128xf32, #tpu.memory_space<hbm>> -> memref<100000x128xf32, #tpu.memory_space<hbm>>
    tpu.enqueue_indirect_dma source(%dma_start3A_70 : memref<100000x128xf32, #tpu.memory_space<hbm>>) target(%arg13 : memref<80x128xf32, #tpu.memory_space<vmem>>) offsets(%dma_start3A_67 : memref<80xi32, #tpu.memory_space<vmem>>) semaphore(%arg14 : memref<!tpu.dma_semaphore, #tpu.memory_space<semaphore_mem>>)
    %dma_wait3A_71 = arith.constant 80 : i32
    %dma_wait3A_72 = tpu.memref_slice %arg11[%dma_wait3A_71] : memref<800xi32, #tpu.memory_space<vmem>> -> memref<80xi32, #tpu.memory_space<vmem>>
    %dma_wait3A_73 = arith.constant 0 : i32
    %dma_wait3A_74 = arith.constant 0 : i32
    %dma_wait3A_75 = tpu.memref_slice %arg3[%dma_wait3A_73, %dma_wait3A_74] : memref<100000x128xf32, #tpu.memory_space<hbm>> -> memref<100000x128xf32, #tpu.memory_space<hbm>>
    tpu.wait_indirect_dma semaphore(%arg14 : memref<!tpu.dma_semaphore, #tpu.memory_space<semaphore_mem>>) src(%dma_wait3A_75 : memref<100000x128xf32, #tpu.memory_space<hbm>>) dst(%arg13 : memref<80x128xf32, #tpu.memory_space<vmem>>)
    %add3A_76 = arith.constant 80 : i32
    %add3A_77 = arith.addi %mul3A_2, %add3A_76 : i32
    %dma_start3A_78 = arith.constant 0 : i32
    %dma_start3A_79 = tpu.memref_slice %arg9[%add3A_77, %dma_start3A_78] : memref<25600x128xf32, #tpu.memory_space<hbm>> -> memref<80x128xf32, #tpu.memory_space<hbm>>
    %dma_start3A_80 = arith.constant 0 : i32
    %dma_start3A_81 = tpu.memref_slice %arg9[%add3A_77, %dma_start3A_80] : memref<25600x128xf32, #tpu.memory_space<hbm>> -> memref<80x128xf32, #tpu.memory_space<hbm>>
    tpu.enqueue_dma source(%arg13 : memref<80x128xf32, #tpu.memory_space<vmem>>) target(%dma_start3A_81 : memref<80x128xf32, #tpu.memory_space<hbm>>) target_semaphore(%arg16 : memref<!tpu.dma_semaphore, #tpu.memory_space<semaphore_mem>>)
    %scan3A_82 = arith.constant 0 : i32
    %scan3A_83 = arith.constant 1 : i32
    %scan3A_84 = arith.constant 4 : i32
    %scan3A_85 = arith.addi %scan3A_83, %scan3A_84 : i32
    %scan3A_86 = arith.constant 1 : i32
    scf.for %scan3A_150 = %scan3A_83 to %scan3A_85 step %scan3A_86  : i32 {
      %mul3A_151 = arith.constant 2 : i32
      %mul3A_152 = arith.muli %mul3A_151, %scan3A_150 : i32
      %sub3A = arith.constant 2 : i32
      %sub3A_153 = arith.subi %mul3A_152, %sub3A : i32
      %mul3A_154 = arith.constant 80 : i32
      %mul3A_155 = arith.muli %sub3A_153, %mul3A_154 : i32
      %add3A_156 = arith.addi %mul3A_2, %mul3A_155 : i32
      %dma_wait3A_157 = arith.constant 0 : i32
      %dma_wait3A_158 = tpu.memref_slice %arg9[%add3A_156, %dma_wait3A_157] : memref<25600x128xf32, #tpu.memory_space<hbm>> -> memref<80x128xf32, #tpu.memory_space<hbm>>
      %dma_wait3A_159 = arith.constant 0 : i32
      %dma_wait3A_160 = tpu.memref_slice %arg9[%add3A_156, %dma_wait3A_159] : memref<25600x128xf32, #tpu.memory_space<hbm>> -> memref<80x128xf32, #tpu.memory_space<hbm>>
      tpu.wait_dma2 semaphore(%arg15 : memref<!tpu.dma_semaphore, #tpu.memory_space<semaphore_mem>>) src(%arg12 : memref<80x128xf32, #tpu.memory_space<vmem>>) dst(%dma_wait3A_160 : memref<80x128xf32, #tpu.memory_space<hbm>>)
      %mul3A_161 = arith.constant 80 : i32
      %mul3A_162 = arith.muli %mul3A_152, %mul3A_161 : i32
      %dma_start3A_163 = tpu.memref_slice %arg11[%mul3A_162] : memref<800xi32, #tpu.memory_space<vmem>> -> memref<80xi32, #tpu.memory_space<vmem>>
      %dma_start3A_164 = arith.constant 0 : i32
      %dma_start3A_165 = arith.constant 0 : i32
      %dma_start3A_166 = tpu.memref_slice %arg3[%dma_start3A_164, %dma_start3A_165] : memref<100000x128xf32, #tpu.memory_space<hbm>> -> memref<100000x128xf32, #tpu.memory_space<hbm>>
      tpu.enqueue_indirect_dma source(%dma_start3A_166 : memref<100000x128xf32, #tpu.memory_space<hbm>>) target(%arg12 : memref<80x128xf32, #tpu.memory_space<vmem>>) offsets(%dma_start3A_163 : memref<80xi32, #tpu.memory_space<vmem>>) semaphore(%arg14 : memref<!tpu.dma_semaphore, #tpu.memory_space<semaphore_mem>>)
      %dma_wait3A_167 = tpu.memref_slice %arg11[%mul3A_162] : memref<800xi32, #tpu.memory_space<vmem>> -> memref<80xi32, #tpu.memory_space<vmem>>
      %dma_wait3A_168 = arith.constant 0 : i32
      %dma_wait3A_169 = arith.constant 0 : i32
      %dma_wait3A_170 = tpu.memref_slice %arg3[%dma_wait3A_168, %dma_wait3A_169] : memref<100000x128xf32, #tpu.memory_space<hbm>> -> memref<100000x128xf32, #tpu.memory_space<hbm>>
      tpu.wait_indirect_dma semaphore(%arg14 : memref<!tpu.dma_semaphore, #tpu.memory_space<semaphore_mem>>) src(%dma_wait3A_170 : memref<100000x128xf32, #tpu.memory_space<hbm>>) dst(%arg12 : memref<80x128xf32, #tpu.memory_space<vmem>>)
      %mul3A_171 = arith.constant 80 : i32
      %mul3A_172 = arith.muli %mul3A_152, %mul3A_171 : i32
      %add3A_173 = arith.addi %mul3A_2, %mul3A_172 : i32
      %dma_start3A_174 = arith.constant 0 : i32
      %dma_start3A_175 = tpu.memref_slice %arg9[%add3A_173, %dma_start3A_174] : memref<25600x128xf32, #tpu.memory_space<hbm>> -> memref<80x128xf32, #tpu.memory_space<hbm>>
      %dma_start3A_176 = arith.constant 0 : i32
      %dma_start3A_177 = tpu.memref_slice %arg9[%add3A_173, %dma_start3A_176] : memref<25600x128xf32, #tpu.memory_space<hbm>> -> memref<80x128xf32, #tpu.memory_space<hbm>>
      tpu.enqueue_dma source(%arg12 : memref<80x128xf32, #tpu.memory_space<vmem>>) target(%dma_start3A_177 : memref<80x128xf32, #tpu.memory_space<hbm>>) target_semaphore(%arg15 : memref<!tpu.dma_semaphore, #tpu.memory_space<semaphore_mem>>)
      %sub3A_178 = arith.constant 1 : i32
      %sub3A_179 = arith.subi %mul3A_152, %sub3A_178 : i32
      %mul3A_180 = arith.constant 80 : i32
      %mul3A_181 = arith.muli %sub3A_179, %mul3A_180 : i32
      %add3A_182 = arith.addi %mul3A_2, %mul3A_181 : i32
      %dma_wait3A_183 = arith.constant 0 : i32
      %dma_wait3A_184 = tpu.memref_slice %arg9[%add3A_182, %dma_wait3A_183] : memref<25600x128xf32, #tpu.memory_space<hbm>> -> memref<80x128xf32, #tpu.memory_space<hbm>>
      %dma_wait3A_185 = arith.constant 0 : i32
      %dma_wait3A_186 = tpu.memref_slice %arg9[%add3A_182, %dma_wait3A_185] : memref<25600x128xf32, #tpu.memory_space<hbm>> -> memref<80x128xf32, #tpu.memory_space<hbm>>
      tpu.wait_dma2 semaphore(%arg16 : memref<!tpu.dma_semaphore, #tpu.memory_space<semaphore_mem>>) src(%arg13 : memref<80x128xf32, #tpu.memory_space<vmem>>) dst(%dma_wait3A_186 : memref<80x128xf32, #tpu.memory_space<hbm>>)
      %add3A_187 = arith.constant 1 : i32
      %add3A_188 = arith.addi %mul3A_152, %add3A_187 : i32
      %mul3A_189 = arith.constant 80 : i32
      %mul3A_190 = arith.muli %add3A_188, %mul3A_189 : i32
      %dma_start3A_191 = tpu.memref_slice %arg11[%mul3A_190] : memref<800xi32, #tpu.memory_space<vmem>> -> memref<80xi32, #tpu.memory_space<vmem>>
      %dma_start3A_192 = arith.constant 0 : i32
      %dma_start3A_193 = arith.constant 0 : i32
      %dma_start3A_194 = tpu.memref_slice %arg3[%dma_start3A_192, %dma_start3A_193] : memref<100000x128xf32, #tpu.memory_space<hbm>> -> memref<100000x128xf32, #tpu.memory_space<hbm>>
      tpu.enqueue_indirect_dma source(%dma_start3A_194 : memref<100000x128xf32, #tpu.memory_space<hbm>>) target(%arg13 : memref<80x128xf32, #tpu.memory_space<vmem>>) offsets(%dma_start3A_191 : memref<80xi32, #tpu.memory_space<vmem>>) semaphore(%arg14 : memref<!tpu.dma_semaphore, #tpu.memory_space<semaphore_mem>>)
      %dma_wait3A_195 = tpu.memref_slice %arg11[%mul3A_190] : memref<800xi32, #tpu.memory_space<vmem>> -> memref<80xi32, #tpu.memory_space<vmem>>
      %dma_wait3A_196 = arith.constant 0 : i32
      %dma_wait3A_197 = arith.constant 0 : i32
      %dma_wait3A_198 = tpu.memref_slice %arg3[%dma_wait3A_196, %dma_wait3A_197] : memref<100000x128xf32, #tpu.memory_space<hbm>> -> memref<100000x128xf32, #tpu.memory_space<hbm>>
      tpu.wait_indirect_dma semaphore(%arg14 : memref<!tpu.dma_semaphore, #tpu.memory_space<semaphore_mem>>) src(%dma_wait3A_198 : memref<100000x128xf32, #tpu.memory_space<hbm>>) dst(%arg13 : memref<80x128xf32, #tpu.memory_space<vmem>>)
      %add3A_199 = arith.constant 1 : i32
      %add3A_200 = arith.addi %mul3A_152, %add3A_199 : i32
      %mul3A_201 = arith.constant 80 : i32
      %mul3A_202 = arith.muli %add3A_200, %mul3A_201 : i32
      %add3A_203 = arith.addi %mul3A_2, %mul3A_202 : i32
      %dma_start3A_204 = arith.constant 0 : i32
      %dma_start3A_205 = tpu.memref_slice %arg9[%add3A_203, %dma_start3A_204] : memref<25600x128xf32, #tpu.memory_space<hbm>> -> memref<80x128xf32, #tpu.memory_space<hbm>>
      %dma_start3A_206 = arith.constant 0 : i32
      %dma_start3A_207 = tpu.memref_slice %arg9[%add3A_203, %dma_start3A_206] : memref<25600x128xf32, #tpu.memory_space<hbm>> -> memref<80x128xf32, #tpu.memory_space<hbm>>
      tpu.enqueue_dma source(%arg13 : memref<80x128xf32, #tpu.memory_space<vmem>>) target(%dma_start3A_207 : memref<80x128xf32, #tpu.memory_space<hbm>>) target_semaphore(%arg16 : memref<!tpu.dma_semaphore, #tpu.memory_space<semaphore_mem>>)
    }
    %scan3A_87 = arith.constant 4 : i32
    %add3A_88 = arith.constant 640 : i32
    %add3A_89 = arith.addi %mul3A_2, %add3A_88 : i32
    %dma_wait3A_90 = arith.constant 0 : i32
    %dma_wait3A_91 = tpu.memref_slice %arg9[%add3A_89, %dma_wait3A_90] : memref<25600x128xf32, #tpu.memory_space<hbm>> -> memref<80x128xf32, #tpu.memory_space<hbm>>
    %dma_wait3A_92 = arith.constant 0 : i32
    %dma_wait3A_93 = tpu.memref_slice %arg9[%add3A_89, %dma_wait3A_92] : memref<25600x128xf32, #tpu.memory_space<hbm>> -> memref<80x128xf32, #tpu.memory_space<hbm>>
    tpu.wait_dma2 semaphore(%arg15 : memref<!tpu.dma_semaphore, #tpu.memory_space<semaphore_mem>>) src(%arg12 : memref<80x128xf32, #tpu.memory_space<vmem>>) dst(%dma_wait3A_93 : memref<80x128xf32, #tpu.memory_space<hbm>>)
    %add3A_94 = arith.constant 720 : i32
    %add3A_95 = arith.addi %mul3A_2, %add3A_94 : i32
    %dma_wait3A_96 = arith.constant 0 : i32
    %dma_wait3A_97 = tpu.memref_slice %arg9[%add3A_95, %dma_wait3A_96] : memref<25600x128xf32, #tpu.memory_space<hbm>> -> memref<80x128xf32, #tpu.memory_space<hbm>>
    %dma_wait3A_98 = arith.constant 0 : i32
    %dma_wait3A_99 = tpu.memref_slice %arg9[%add3A_95, %dma_wait3A_98] : memref<25600x128xf32, #tpu.memory_space<hbm>> -> memref<80x128xf32, #tpu.memory_space<hbm>>
    tpu.wait_dma2 semaphore(%arg16 : memref<!tpu.dma_semaphore, #tpu.memory_space<semaphore_mem>>) src(%arg13 : memref<80x128xf32, #tpu.memory_space<vmem>>) dst(%dma_wait3A_99 : memref<80x128xf32, #tpu.memory_space<hbm>>)
    "tpu.region"() ({
      %run_scoped3A = tpu.sem_alloc : memref<!tpu.dma_semaphore, #tpu.memory_space<semaphore_mem>>
      %dma_start3A_150 = tpu.memref_slice %arg7[%mul3A_2] : memref<25600xi32, #tpu.memory_space<hbm>> -> memref<800xi32, #tpu.memory_space<hbm>>
      %dma_start3A_151 = tpu.memref_slice %arg7[%mul3A_2] : memref<25600xi32, #tpu.memory_space<hbm>> -> memref<800xi32, #tpu.memory_space<hbm>>
      tpu.enqueue_dma source(%dma_start3A_151 : memref<800xi32, #tpu.memory_space<hbm>>) target(%arg11 : memref<800xi32, #tpu.memory_space<vmem>>) target_semaphore(%run_scoped3A : memref<!tpu.dma_semaphore, #tpu.memory_space<semaphore_mem>>)
      %dma_wait3A_152 = tpu.memref_slice %arg7[%mul3A_2] : memref<25600xi32, #tpu.memory_space<hbm>> -> memref<800xi32, #tpu.memory_space<hbm>>
      %dma_wait3A_153 = tpu.memref_slice %arg7[%mul3A_2] : memref<25600xi32, #tpu.memory_space<hbm>> -> memref<800xi32, #tpu.memory_space<hbm>>
      tpu.wait_dma2 semaphore(%run_scoped3A : memref<!tpu.dma_semaphore, #tpu.memory_space<semaphore_mem>>) src(%dma_wait3A_153 : memref<800xi32, #tpu.memory_space<hbm>>) dst(%arg11 : memref<800xi32, #tpu.memory_space<vmem>>)
      tpu.yield
    }) : () -> ()
    %dma_start3A_100 = arith.constant 0 : i32
    %dma_start3A_101 = tpu.memref_slice %arg11[%dma_start3A_100] : memref<800xi32, #tpu.memory_space<vmem>> -> memref<80xi32, #tpu.memory_space<vmem>>
    %dma_start3A_102 = arith.constant 0 : i32
    %dma_start3A_103 = arith.constant 0 : i32
    %dma_start3A_104 = tpu.memref_slice %arg4[%dma_start3A_102, %dma_start3A_103] : memref<100000x128xf32, #tpu.memory_space<hbm>> -> memref<100000x128xf32, #tpu.memory_space<hbm>>
    tpu.enqueue_indirect_dma source(%dma_start3A_104 : memref<100000x128xf32, #tpu.memory_space<hbm>>) target(%arg12 : memref<80x128xf32, #tpu.memory_space<vmem>>) offsets(%dma_start3A_101 : memref<80xi32, #tpu.memory_space<vmem>>) semaphore(%arg14 : memref<!tpu.dma_semaphore, #tpu.memory_space<semaphore_mem>>)
    %dma_wait3A_105 = arith.constant 0 : i32
    %dma_wait3A_106 = tpu.memref_slice %arg11[%dma_wait3A_105] : memref<800xi32, #tpu.memory_space<vmem>> -> memref<80xi32, #tpu.memory_space<vmem>>
    %dma_wait3A_107 = arith.constant 0 : i32
    %dma_wait3A_108 = arith.constant 0 : i32
    %dma_wait3A_109 = tpu.memref_slice %arg4[%dma_wait3A_107, %dma_wait3A_108] : memref<100000x128xf32, #tpu.memory_space<hbm>> -> memref<100000x128xf32, #tpu.memory_space<hbm>>
    tpu.wait_indirect_dma semaphore(%arg14 : memref<!tpu.dma_semaphore, #tpu.memory_space<semaphore_mem>>) src(%dma_wait3A_109 : memref<100000x128xf32, #tpu.memory_space<hbm>>) dst(%arg12 : memref<80x128xf32, #tpu.memory_space<vmem>>)
    %add3A_110 = arith.constant 0 : i32
    %add3A_111 = arith.addi %mul3A_2, %add3A_110 : i32
    %dma_start3A_112 = arith.constant 0 : i32
    %dma_start3A_113 = tpu.memref_slice %arg10[%add3A_111, %dma_start3A_112] : memref<25600x128xf32, #tpu.memory_space<hbm>> -> memref<80x128xf32, #tpu.memory_space<hbm>>
    %dma_start3A_114 = arith.constant 0 : i32
    %dma_start3A_115 = tpu.memref_slice %arg10[%add3A_111, %dma_start3A_114] : memref<25600x128xf32, #tpu.memory_space<hbm>> -> memref<80x128xf32, #tpu.memory_space<hbm>>
    tpu.enqueue_dma source(%arg12 : memref<80x128xf32, #tpu.memory_space<vmem>>) target(%dma_start3A_115 : memref<80x128xf32, #tpu.memory_space<hbm>>) target_semaphore(%arg15 : memref<!tpu.dma_semaphore, #tpu.memory_space<semaphore_mem>>)
    %dma_start3A_116 = arith.constant 80 : i32
    %dma_start3A_117 = tpu.memref_slice %arg11[%dma_start3A_116] : memref<800xi32, #tpu.memory_space<vmem>> -> memref<80xi32, #tpu.memory_space<vmem>>
    %dma_start3A_118 = arith.constant 0 : i32
    %dma_start3A_119 = arith.constant 0 : i32
    %dma_start3A_120 = tpu.memref_slice %arg4[%dma_start3A_118, %dma_start3A_119] : memref<100000x128xf32, #tpu.memory_space<hbm>> -> memref<100000x128xf32, #tpu.memory_space<hbm>>
    tpu.enqueue_indirect_dma source(%dma_start3A_120 : memref<100000x128xf32, #tpu.memory_space<hbm>>) target(%arg13 : memref<80x128xf32, #tpu.memory_space<vmem>>) offsets(%dma_start3A_117 : memref<80xi32, #tpu.memory_space<vmem>>) semaphore(%arg14 : memref<!tpu.dma_semaphore, #tpu.memory_space<semaphore_mem>>)
    %dma_wait3A_121 = arith.constant 80 : i32
    %dma_wait3A_122 = tpu.memref_slice %arg11[%dma_wait3A_121] : memref<800xi32, #tpu.memory_space<vmem>> -> memref<80xi32, #tpu.memory_space<vmem>>
    %dma_wait3A_123 = arith.constant 0 : i32
    %dma_wait3A_124 = arith.constant 0 : i32
    %dma_wait3A_125 = tpu.memref_slice %arg4[%dma_wait3A_123, %dma_wait3A_124] : memref<100000x128xf32, #tpu.memory_space<hbm>> -> memref<100000x128xf32, #tpu.memory_space<hbm>>
    tpu.wait_indirect_dma semaphore(%arg14 : memref<!tpu.dma_semaphore, #tpu.memory_space<semaphore_mem>>) src(%dma_wait3A_125 : memref<100000x128xf32, #tpu.memory_space<hbm>>) dst(%arg13 : memref<80x128xf32, #tpu.memory_space<vmem>>)
    %add3A_126 = arith.constant 80 : i32
    %add3A_127 = arith.addi %mul3A_2, %add3A_126 : i32
    %dma_start3A_128 = arith.constant 0 : i32
    %dma_start3A_129 = tpu.memref_slice %arg10[%add3A_127, %dma_start3A_128] : memref<25600x128xf32, #tpu.memory_space<hbm>> -> memref<80x128xf32, #tpu.memory_space<hbm>>
    %dma_start3A_130 = arith.constant 0 : i32
    %dma_start3A_131 = tpu.memref_slice %arg10[%add3A_127, %dma_start3A_130] : memref<25600x128xf32, #tpu.memory_space<hbm>> -> memref<80x128xf32, #tpu.memory_space<hbm>>
    tpu.enqueue_dma source(%arg13 : memref<80x128xf32, #tpu.memory_space<vmem>>) target(%dma_start3A_131 : memref<80x128xf32, #tpu.memory_space<hbm>>) target_semaphore(%arg16 : memref<!tpu.dma_semaphore, #tpu.memory_space<semaphore_mem>>)
    %scan3A_132 = arith.constant 0 : i32
    %scan3A_133 = arith.constant 1 : i32
    %scan3A_134 = arith.constant 4 : i32
    %scan3A_135 = arith.addi %scan3A_133, %scan3A_134 : i32
    %scan3A_136 = arith.constant 1 : i32
    scf.for %scan3A_150 = %scan3A_133 to %scan3A_135 step %scan3A_136  : i32 {
      %mul3A_151 = arith.constant 2 : i32
      %mul3A_152 = arith.muli %mul3A_151, %scan3A_150 : i32
      %sub3A = arith.constant 2 : i32
      %sub3A_153 = arith.subi %mul3A_152, %sub3A : i32
      %mul3A_154 = arith.constant 80 : i32
      %mul3A_155 = arith.muli %sub3A_153, %mul3A_154 : i32
      %add3A_156 = arith.addi %mul3A_2, %mul3A_155 : i32
      %dma_wait3A_157 = arith.constant 0 : i32
      %dma_wait3A_158 = tpu.memref_slice %arg10[%add3A_156, %dma_wait3A_157] : memref<25600x128xf32, #tpu.memory_space<hbm>> -> memref<80x128xf32, #tpu.memory_space<hbm>>
      %dma_wait3A_159 = arith.constant 0 : i32
      %dma_wait3A_160 = tpu.memref_slice %arg10[%add3A_156, %dma_wait3A_159] : memref<25600x128xf32, #tpu.memory_space<hbm>> -> memref<80x128xf32, #tpu.memory_space<hbm>>
      tpu.wait_dma2 semaphore(%arg15 : memref<!tpu.dma_semaphore, #tpu.memory_space<semaphore_mem>>) src(%arg12 : memref<80x128xf32, #tpu.memory_space<vmem>>) dst(%dma_wait3A_160 : memref<80x128xf32, #tpu.memory_space<hbm>>)
      %mul3A_161 = arith.constant 80 : i32
      %mul3A_162 = arith.muli %mul3A_152, %mul3A_161 : i32
      %dma_start3A_163 = tpu.memref_slice %arg11[%mul3A_162] : memref<800xi32, #tpu.memory_space<vmem>> -> memref<80xi32, #tpu.memory_space<vmem>>
      %dma_start3A_164 = arith.constant 0 : i32
      %dma_start3A_165 = arith.constant 0 : i32
      %dma_start3A_166 = tpu.memref_slice %arg4[%dma_start3A_164, %dma_start3A_165] : memref<100000x128xf32, #tpu.memory_space<hbm>> -> memref<100000x128xf32, #tpu.memory_space<hbm>>
      tpu.enqueue_indirect_dma source(%dma_start3A_166 : memref<100000x128xf32, #tpu.memory_space<hbm>>) target(%arg12 : memref<80x128xf32, #tpu.memory_space<vmem>>) offsets(%dma_start3A_163 : memref<80xi32, #tpu.memory_space<vmem>>) semaphore(%arg14 : memref<!tpu.dma_semaphore, #tpu.memory_space<semaphore_mem>>)
      %dma_wait3A_167 = tpu.memref_slice %arg11[%mul3A_162] : memref<800xi32, #tpu.memory_space<vmem>> -> memref<80xi32, #tpu.memory_space<vmem>>
      %dma_wait3A_168 = arith.constant 0 : i32
      %dma_wait3A_169 = arith.constant 0 : i32
      %dma_wait3A_170 = tpu.memref_slice %arg4[%dma_wait3A_168, %dma_wait3A_169] : memref<100000x128xf32, #tpu.memory_space<hbm>> -> memref<100000x128xf32, #tpu.memory_space<hbm>>
      tpu.wait_indirect_dma semaphore(%arg14 : memref<!tpu.dma_semaphore, #tpu.memory_space<semaphore_mem>>) src(%dma_wait3A_170 : memref<100000x128xf32, #tpu.memory_space<hbm>>) dst(%arg12 : memref<80x128xf32, #tpu.memory_space<vmem>>)
      %mul3A_171 = arith.constant 80 : i32
      %mul3A_172 = arith.muli %mul3A_152, %mul3A_171 : i32
      %add3A_173 = arith.addi %mul3A_2, %mul3A_172 : i32
      %dma_start3A_174 = arith.constant 0 : i32
      %dma_start3A_175 = tpu.memref_slice %arg10[%add3A_173, %dma_start3A_174] : memref<25600x128xf32, #tpu.memory_space<hbm>> -> memref<80x128xf32, #tpu.memory_space<hbm>>
      %dma_start3A_176 = arith.constant 0 : i32
      %dma_start3A_177 = tpu.memref_slice %arg10[%add3A_173, %dma_start3A_176] : memref<25600x128xf32, #tpu.memory_space<hbm>> -> memref<80x128xf32, #tpu.memory_space<hbm>>
      tpu.enqueue_dma source(%arg12 : memref<80x128xf32, #tpu.memory_space<vmem>>) target(%dma_start3A_177 : memref<80x128xf32, #tpu.memory_space<hbm>>) target_semaphore(%arg15 : memref<!tpu.dma_semaphore, #tpu.memory_space<semaphore_mem>>)
      %sub3A_178 = arith.constant 1 : i32
      %sub3A_179 = arith.subi %mul3A_152, %sub3A_178 : i32
      %mul3A_180 = arith.constant 80 : i32
      %mul3A_181 = arith.muli %sub3A_179, %mul3A_180 : i32
      %add3A_182 = arith.addi %mul3A_2, %mul3A_181 : i32
      %dma_wait3A_183 = arith.constant 0 : i32
      %dma_wait3A_184 = tpu.memref_slice %arg10[%add3A_182, %dma_wait3A_183] : memref<25600x128xf32, #tpu.memory_space<hbm>> -> memref<80x128xf32, #tpu.memory_space<hbm>>
      %dma_wait3A_185 = arith.constant 0 : i32
      %dma_wait3A_186 = tpu.memref_slice %arg10[%add3A_182, %dma_wait3A_185] : memref<25600x128xf32, #tpu.memory_space<hbm>> -> memref<80x128xf32, #tpu.memory_space<hbm>>
      tpu.wait_dma2 semaphore(%arg16 : memref<!tpu.dma_semaphore, #tpu.memory_space<semaphore_mem>>) src(%arg13 : memref<80x128xf32, #tpu.memory_space<vmem>>) dst(%dma_wait3A_186 : memref<80x128xf32, #tpu.memory_space<hbm>>)
      %add3A_187 = arith.constant 1 : i32
      %add3A_188 = arith.addi %mul3A_152, %add3A_187 : i32
      %mul3A_189 = arith.constant 80 : i32
      %mul3A_190 = arith.muli %add3A_188, %mul3A_189 : i32
      %dma_start3A_191 = tpu.memref_slice %arg11[%mul3A_190] : memref<800xi32, #tpu.memory_space<vmem>> -> memref<80xi32, #tpu.memory_space<vmem>>
      %dma_start3A_192 = arith.constant 0 : i32
      %dma_start3A_193 = arith.constant 0 : i32
      %dma_start3A_194 = tpu.memref_slice %arg4[%dma_start3A_192, %dma_start3A_193] : memref<100000x128xf32, #tpu.memory_space<hbm>> -> memref<100000x128xf32, #tpu.memory_space<hbm>>
      tpu.enqueue_indirect_dma source(%dma_start3A_194 : memref<100000x128xf32, #tpu.memory_space<hbm>>) target(%arg13 : memref<80x128xf32, #tpu.memory_space<vmem>>) offsets(%dma_start3A_191 : memref<80xi32, #tpu.memory_space<vmem>>) semaphore(%arg14 : memref<!tpu.dma_semaphore, #tpu.memory_space<semaphore_mem>>)
      %dma_wait3A_195 = tpu.memref_slice %arg11[%mul3A_190] : memref<800xi32, #tpu.memory_space<vmem>> -> memref<80xi32, #tpu.memory_space<vmem>>
      %dma_wait3A_196 = arith.constant 0 : i32
      %dma_wait3A_197 = arith.constant 0 : i32
      %dma_wait3A_198 = tpu.memref_slice %arg4[%dma_wait3A_196, %dma_wait3A_197] : memref<100000x128xf32, #tpu.memory_space<hbm>> -> memref<100000x128xf32, #tpu.memory_space<hbm>>
      tpu.wait_indirect_dma semaphore(%arg14 : memref<!tpu.dma_semaphore, #tpu.memory_space<semaphore_mem>>) src(%dma_wait3A_198 : memref<100000x128xf32, #tpu.memory_space<hbm>>) dst(%arg13 : memref<80x128xf32, #tpu.memory_space<vmem>>)
      %add3A_199 = arith.constant 1 : i32
      %add3A_200 = arith.addi %mul3A_152, %add3A_199 : i32
      %mul3A_201 = arith.constant 80 : i32
      %mul3A_202 = arith.muli %add3A_200, %mul3A_201 : i32
      %add3A_203 = arith.addi %mul3A_2, %mul3A_202 : i32
      %dma_start3A_204 = arith.constant 0 : i32
      %dma_start3A_205 = tpu.memref_slice %arg10[%add3A_203, %dma_start3A_204] : memref<25600x128xf32, #tpu.memory_space<hbm>> -> memref<80x128xf32, #tpu.memory_space<hbm>>
      %dma_start3A_206 = arith.constant 0 : i32
      %dma_start3A_207 = tpu.memref_slice %arg10[%add3A_203, %dma_start3A_206] : memref<25600x128xf32, #tpu.memory_space<hbm>> -> memref<80x128xf32, #tpu.memory_space<hbm>>
      tpu.enqueue_dma source(%arg13 : memref<80x128xf32, #tpu.memory_space<vmem>>) target(%dma_start3A_207 : memref<80x128xf32, #tpu.memory_space<hbm>>) target_semaphore(%arg16 : memref<!tpu.dma_semaphore, #tpu.memory_space<semaphore_mem>>)
    }
    %scan3A_137 = arith.constant 4 : i32
    %add3A_138 = arith.constant 640 : i32
    %add3A_139 = arith.addi %mul3A_2, %add3A_138 : i32
    %dma_wait3A_140 = arith.constant 0 : i32
    %dma_wait3A_141 = tpu.memref_slice %arg10[%add3A_139, %dma_wait3A_140] : memref<25600x128xf32, #tpu.memory_space<hbm>> -> memref<80x128xf32, #tpu.memory_space<hbm>>
    %dma_wait3A_142 = arith.constant 0 : i32
    %dma_wait3A_143 = tpu.memref_slice %arg10[%add3A_139, %dma_wait3A_142] : memref<25600x128xf32, #tpu.memory_space<hbm>> -> memref<80x128xf32, #tpu.memory_space<hbm>>
    tpu.wait_dma2 semaphore(%arg15 : memref<!tpu.dma_semaphore, #tpu.memory_space<semaphore_mem>>) src(%arg12 : memref<80x128xf32, #tpu.memory_space<vmem>>) dst(%dma_wait3A_143 : memref<80x128xf32, #tpu.memory_space<hbm>>)
    %add3A_144 = arith.constant 720 : i32
    %add3A_145 = arith.addi %mul3A_2, %add3A_144 : i32
    %dma_wait3A_146 = arith.constant 0 : i32
    %dma_wait3A_147 = tpu.memref_slice %arg10[%add3A_145, %dma_wait3A_146] : memref<25600x128xf32, #tpu.memory_space<hbm>> -> memref<80x128xf32, #tpu.memory_space<hbm>>
    %dma_wait3A_148 = arith.constant 0 : i32
    %dma_wait3A_149 = tpu.memref_slice %arg10[%add3A_145, %dma_wait3A_148] : memref<25600x128xf32, #tpu.memory_space<hbm>> -> memref<80x128xf32, #tpu.memory_space<hbm>>
    tpu.wait_dma2 semaphore(%arg16 : memref<!tpu.dma_semaphore, #tpu.memory_space<semaphore_mem>>) src(%arg13 : memref<80x128xf32, #tpu.memory_space<vmem>>) dst(%dma_wait3A_149 : memref<80x128xf32, #tpu.memory_space<hbm>>)
    return
  }
}

module attributes {stable_mosaic.version = 14 : i64} {
  func.func @_fold_body(%arg0: memref<1x64xf32, #tpu.memory_space<vmem>>, %arg1: memref<2x64xf32, #tpu.memory_space<vmem>>, %arg2: memref<1x64xf32, #tpu.memory_space<vmem>>, %arg3: memref<1x64xf32, #tpu.memory_space<vmem>>, %arg4: memref<64x128xf32, #tpu.memory_space<vmem>>, %arg5: memref<64x128xf32, #tpu.memory_space<vmem>>, %arg6: memref<512x128xf32, #tpu.memory_space<vmem>>, %arg7: memref<1x128xf32, #tpu.memory_space<vmem>>, %arg8: memref<1x128xf32, #tpu.memory_space<vmem>>, %arg9: memref<4x128xf32, #tpu.memory_space<vmem>>, %arg10: memref<1x128xf32, #tpu.memory_space<vmem>>, %arg11: memref<128x128xf32, #tpu.memory_space<vmem>>, %arg12: memref<1x128xf32, #tpu.memory_space<vmem>>) attributes {dimension_semantics = [], scalar_prefetch = 0 : i64, scratch_operands = 0 : i64, tpu.core_type = #tpu.core_type<tc>} {
    %get3A = arith.constant 256 : index
    %get3A_0 = arith.constant 0 : index
    %get3A_1 = vector.load %arg6[%get3A, %get3A_0] : memref<512x128xf32, #tpu.memory_space<vmem>>, vector<128x128xf32>
    %get3A_2 = arith.constant 384 : index
    %get3A_3 = arith.constant 0 : index
    %get3A_4 = vector.load %arg6[%get3A_2, %get3A_3] : memref<512x128xf32, #tpu.memory_space<vmem>>, vector<128x128xf32>
    %broadcast_in_dim3A = arith.constant 0.000000e+00 : f32
    %broadcast_in_dim3A_5 = vector.broadcast %broadcast_in_dim3A : f32 to vector<1x64xf32>
    %concatenate3A = tpu.concatenate %broadcast_in_dim3A_5, %broadcast_in_dim3A_5 in 1 : vector<1x64xf32>, vector<1x64xf32> -> vector<1x128xf32>
    %get3A_6 = arith.constant 0 : index
    %get3A_7 = arith.constant 0 : index
    %get3A_8 = vector.load %arg0[%get3A_6, %get3A_7] : memref<1x64xf32, #tpu.memory_space<vmem>>, vector<1x64xf32>
    %concatenate3A_9 = tpu.concatenate %get3A_8, %broadcast_in_dim3A_5 in 1 : vector<1x64xf32>, vector<1x64xf32> -> vector<1x128xf32>
    %get3A_10 = arith.constant 0 : index
    %get3A_11 = arith.constant 0 : index
    %get3A_12 = vector.load %arg1[%get3A_10, %get3A_11] : memref<2x64xf32, #tpu.memory_space<vmem>>, vector<1x64xf32>
    %concatenate3A_13 = tpu.concatenate %broadcast_in_dim3A_5, %get3A_12 in 1 : vector<1x64xf32>, vector<1x64xf32> -> vector<1x128xf32>
    %get3A_14 = arith.constant 1 : index
    %get3A_15 = arith.constant 0 : index
    %get3A_16 = vector.load %arg1[%get3A_14, %get3A_15] : memref<2x64xf32, #tpu.memory_space<vmem>>, vector<1x64xf32>
    %concatenate3A_17 = tpu.concatenate %broadcast_in_dim3A_5, %get3A_16 in 1 : vector<1x64xf32>, vector<1x64xf32> -> vector<1x128xf32>
    %concatenate3A_18 = tpu.concatenate %concatenate3A, %concatenate3A_9, %concatenate3A_13, %concatenate3A_17 in 0 : vector<1x128xf32>, vector<1x128xf32>, vector<1x128xf32>, vector<1x128xf32> -> vector<4x128xf32>
    %swap3A = arith.constant 0 : index
    %swap3A_19 = arith.constant 0 : index
    %swap3A_20 = vector.load %arg9[%swap3A, %swap3A_19] : memref<4x128xf32, #tpu.memory_space<vmem>>, vector<4x128xf32>
    tpu.vector_store %arg9[%swap3A, %swap3A_19], %concatenate3A_18 {strides = array<i32>} : memref<4x128xf32, #tpu.memory_space<vmem>>, vector<4x128xf32>,
    %get3A_21 = arith.constant 0 : index
    %get3A_22 = arith.constant 0 : index
    %get3A_23 = vector.load %arg2[%get3A_21, %get3A_22] : memref<1x64xf32, #tpu.memory_space<vmem>>, vector<1x64xf32>
    %get3A_24 = arith.constant 0 : index
    %get3A_25 = arith.constant 0 : index
    %get3A_26 = vector.load %arg3[%get3A_24, %get3A_25] : memref<1x64xf32, #tpu.memory_space<vmem>>, vector<1x64xf32>
    %concatenate3A_27 = tpu.concatenate %get3A_23, %get3A_26 in 1 : vector<1x64xf32>, vector<1x64xf32> -> vector<1x128xf32>
    %swap3A_28 = arith.constant 0 : index
    %swap3A_29 = arith.constant 0 : index
    %swap3A_30 = vector.load %arg10[%swap3A_28, %swap3A_29] : memref<1x128xf32, #tpu.memory_space<vmem>>, vector<1x128xf32>
    tpu.vector_store %arg10[%swap3A_28, %swap3A_29], %concatenate3A_27 {strides = array<i32>} : memref<1x128xf32, #tpu.memory_space<vmem>>, vector<1x128xf32>,
    %get3A_31 = arith.constant 0 : index
    %get3A_32 = arith.constant 0 : index
    %get3A_33 = vector.load %arg4[%get3A_31, %get3A_32] : memref<64x128xf32, #tpu.memory_space<vmem>>, vector<64x128xf32>
    %dot_general3A = arith.constant dense<0.000000e+00> : vector<64x128xf32>
    %dot_general3A_34 = tpu.matmul %get3A_33, %get3A_1, %dot_general3A {dimension_numbers = #tpu.dot_dimension_numbers<[1], [0], [0], [1], [0, 0, 1, 1], [], []>, transpose_lhs_hint = false} : vector<64x128xf32>, vector<128x128xf32>, vector<64x128xf32> -> vector<64x128xf32>
    %get3A_35 = arith.constant 0 : index
    %get3A_36 = arith.constant 0 : index
    %get3A_37 = vector.load %arg5[%get3A_35, %get3A_36] : memref<64x128xf32, #tpu.memory_space<vmem>>, vector<64x128xf32>
    %dot_general3A_38 = arith.constant dense<0.000000e+00> : vector<64x128xf32>
    %dot_general3A_39 = tpu.matmul %get3A_37, %get3A_4, %dot_general3A_38 {dimension_numbers = #tpu.dot_dimension_numbers<[1], [0], [0], [1], [0, 0, 1, 1], [], []>, transpose_lhs_hint = false} : vector<64x128xf32>, vector<128x128xf32>, vector<64x128xf32> -> vector<64x128xf32>
    %concatenate3A_40 = tpu.concatenate %dot_general3A_34, %dot_general3A_39 in 0 : vector<64x128xf32>, vector<64x128xf32> -> vector<128x128xf32>
    %swap3A_41 = arith.constant 0 : index
    %swap3A_42 = arith.constant 0 : index
    %swap3A_43 = vector.load %arg11[%swap3A_41, %swap3A_42] : memref<128x128xf32, #tpu.memory_space<vmem>>, vector<128x128xf32>
    tpu.vector_store %arg11[%swap3A_41, %swap3A_42], %concatenate3A_40 {strides = array<i32>} : memref<128x128xf32, #tpu.memory_space<vmem>>, vector<128x128xf32>,
    %get3A_44 = arith.constant 0 : index
    %get3A_45 = arith.constant 0 : index
    %get3A_46 = vector.load %arg7[%get3A_44, %get3A_45] : memref<1x128xf32, #tpu.memory_space<vmem>>, vector<1x128xf32>
    %dot_general3A_47 = arith.constant dense<0.000000e+00> : vector<1x128xf32>
    %dot_general3A_48 = tpu.matmul %get3A_46, %get3A_1, %dot_general3A_47 {dimension_numbers = #tpu.dot_dimension_numbers<[1], [0], [0], [1], [0, 0, 1, 1], [], []>, transpose_lhs_hint = false} : vector<1x128xf32>, vector<128x128xf32>, vector<1x128xf32> -> vector<1x128xf32>
    %get3A_49 = arith.constant 0 : index
    %get3A_50 = arith.constant 0 : index
    %get3A_51 = vector.load %arg8[%get3A_49, %get3A_50] : memref<1x128xf32, #tpu.memory_space<vmem>>, vector<1x128xf32>
    %dot_general3A_52 = arith.constant dense<0.000000e+00> : vector<1x128xf32>
    %dot_general3A_53 = tpu.matmul %get3A_51, %get3A_4, %dot_general3A_52 {dimension_numbers = #tpu.dot_dimension_numbers<[1], [0], [0], [1], [0, 0, 1, 1], [], []>, transpose_lhs_hint = false} : vector<1x128xf32>, vector<128x128xf32>, vector<1x128xf32> -> vector<1x128xf32>
    %add3A = arith.addf %dot_general3A_48, %dot_general3A_53 : vector<1x128xf32>
    %swap3A_54 = arith.constant 0 : index
    %swap3A_55 = arith.constant 0 : index
    %swap3A_56 = vector.load %arg12[%swap3A_54, %swap3A_55] : memref<1x128xf32, #tpu.memory_space<vmem>>, vector<1x128xf32>
    tpu.vector_store %arg12[%swap3A_54, %swap3A_55], %add3A {strides = array<i32>} : memref<1x128xf32, #tpu.memory_space<vmem>>, vector<1x128xf32>,
    return
  }
}

module attributes {stable_mosaic.version = 14 : i64} {
  func.func @_tc_body(%arg0: i32, %arg1: memref<5120x4xf32, #tpu.memory_space<vmem>>, %arg2: memref<5120x128xf32, #tpu.memory_space<vmem>>, %arg3: memref<5120x128xf32, #tpu.memory_space<vmem>>, %arg4: memref<5120x128xf32, #tpu.memory_space<vmem>>, %arg5: memref<4x128xf32, #tpu.memory_space<vmem>>, %arg6: memref<1x128xf32, #tpu.memory_space<vmem>>, %arg7: memref<256x128xf32, #tpu.memory_space<vmem>>, %arg8: memref<128x128xf32, #tpu.memory_space<vmem>>, %arg9: memref<1x128xf32, #tpu.memory_space<vmem>>, %arg10: memref<1x5x128xf32, #tpu.memory_space<vmem>>, %arg11: memref<5120x128xf32, #tpu.memory_space<vmem>>) attributes {dimension_semantics = [#tpu.dimension_semantics<arbitrary>], iteration_bounds = array<i64: 5>, scalar_prefetch = 0 : i64, scratch_operands = 0 : i64, tpu.core_type = #tpu.core_type<tc>, window_params = [{transform_indices = @transform_0, window_bounds = array<i64: 5120, 4>}, {transform_indices = @transform_1, window_bounds = array<i64: 5120, 128>}, {transform_indices = @transform_2, window_bounds = array<i64: 5120, 128>}, {transform_indices = @transform_3, window_bounds = array<i64: 5120, 128>}, {pipeline_mode = #tpu.pipeline_mode<synchronous>, transform_indices = @transform_4, window_bounds = array<i64: 4, 128>}, {pipeline_mode = #tpu.pipeline_mode<synchronous>, transform_indices = @transform_5, window_bounds = array<i64: 1, 128>}, {transform_indices = @transform_6, window_bounds = array<i64: 256, 128>}, {pipeline_mode = #tpu.pipeline_mode<synchronous>, transform_indices = @transform_7, window_bounds = array<i64: 128, 128>}, {pipeline_mode = #tpu.pipeline_mode<synchronous>, transform_indices = @transform_8, window_bounds = array<i64: 1, 128>}, {transform_indices = @transform_9, window_bounds = array<i64: 1, 5, 128>}, {transform_indices = @transform_10, window_bounds = array<i64: 5120, 128>}]} {
    %get3A = arith.constant 0 : index
    %get3A_0 = arith.constant 0 : index
    %get3A_1 = vector.load %arg1[%get3A, %get3A_0] : memref<5120x4xf32, #tpu.memory_space<vmem>>, vector<5120x4xf32>
    %slice3A = vector.extract_strided_slice %get3A_1 {offsets = [0, 0], sizes = [5120, 1], strides = [1, 1]} : vector<5120x4xf32> to vector<5120x1xf32>
    %get3A_2 = arith.constant 0 : index
    %get3A_3 = arith.constant 0 : index
    %get3A_4 = vector.load %arg5[%get3A_2, %get3A_3] : memref<4x128xf32, #tpu.memory_space<vmem>>, vector<4x128xf32>
    %dot_general3A = arith.constant dense<0.000000e+00> : vector<5120x128xf32>
    %dot_general3A_5 = tpu.matmul %get3A_1, %get3A_4, %dot_general3A {dimension_numbers = #tpu.dot_dimension_numbers<[1], [0], [0], [1], [0, 0, 1, 1], [], []>, transpose_lhs_hint = false} : vector<5120x4xf32>, vector<4x128xf32>, vector<5120x128xf32> -> vector<5120x128xf32>
    %get3A_6 = arith.constant 0 : index
    %get3A_7 = arith.constant 0 : index
    %get3A_8 = vector.load %arg6[%get3A_6, %get3A_7] : memref<1x128xf32, #tpu.memory_space<vmem>>, vector<1x128xf32>
    %add3A = vector.broadcast %get3A_8 : vector<1x128xf32> to vector<5120x128xf32>
    %add3A_9 = arith.addf %dot_general3A_5, %add3A : vector<5120x128xf32>
    %max3A = arith.constant 0.000000e+00 : f32
    %max3A_10 = vector.broadcast %max3A : f32 to vector<5120x128xf32>
    %max3A_11 = arith.maximumf %add3A_9, %max3A_10 : vector<5120x128xf32>
    %get3A_12 = arith.constant 0 : index
    %get3A_13 = arith.constant 0 : index
    %get3A_14 = vector.load %arg7[%get3A_12, %get3A_13] : memref<256x128xf32, #tpu.memory_space<vmem>>, vector<256x128xf32>
    %get3A_15 = arith.constant 0 : index
    %get3A_16 = arith.constant 0 : index
    %get3A_17 = vector.load %arg3[%get3A_15, %get3A_16] : memref<5120x128xf32, #tpu.memory_space<vmem>>, vector<5120x128xf32>
    %slice3A_18 = vector.extract_strided_slice %get3A_14 {offsets = [0, 0], sizes = [128, 128], strides = [1, 1]} : vector<256x128xf32> to vector<128x128xf32>
    %dot_general3A_19 = arith.constant dense<0.000000e+00> : vector<5120x128xf32>
    %dot_general3A_20 = tpu.matmul %get3A_17, %slice3A_18, %dot_general3A_19 {dimension_numbers = #tpu.dot_dimension_numbers<[1], [0], [0], [1], [0, 0, 1, 1], [], []>, transpose_lhs_hint = false} : vector<5120x128xf32>, vector<128x128xf32>, vector<5120x128xf32> -> vector<5120x128xf32>
    %get3A_21 = arith.constant 0 : index
    %get3A_22 = arith.constant 0 : index
    %get3A_23 = vector.load %arg4[%get3A_21, %get3A_22] : memref<5120x128xf32, #tpu.memory_space<vmem>>, vector<5120x128xf32>
    %slice3A_24 = vector.extract_strided_slice %get3A_14 {offsets = [128, 0], sizes = [128, 128], strides = [1, 1]} : vector<256x128xf32> to vector<128x128xf32>
    %dot_general3A_25 = arith.constant dense<0.000000e+00> : vector<5120x128xf32>
    %dot_general3A_26 = tpu.matmul %get3A_23, %slice3A_24, %dot_general3A_25 {dimension_numbers = #tpu.dot_dimension_numbers<[1], [0], [0], [1], [0, 0, 1, 1], [], []>, transpose_lhs_hint = false} : vector<5120x128xf32>, vector<128x128xf32>, vector<5120x128xf32> -> vector<5120x128xf32>
    %add3A_27 = arith.addf %dot_general3A_20, %dot_general3A_26 : vector<5120x128xf32>
    %get3A_28 = arith.constant 0 : index
    %get3A_29 = arith.constant 0 : index
    %get3A_30 = vector.load %arg8[%get3A_28, %get3A_29] : memref<128x128xf32, #tpu.memory_space<vmem>>, vector<128x128xf32>
    %dot_general3A_31 = arith.constant dense<0.000000e+00> : vector<5120x128xf32>
    %dot_general3A_32 = tpu.matmul %max3A_11, %get3A_30, %dot_general3A_31 {dimension_numbers = #tpu.dot_dimension_numbers<[1], [0], [0], [1], [0, 0, 1, 1], [], []>, transpose_lhs_hint = false} : vector<5120x128xf32>, vector<128x128xf32>, vector<5120x128xf32> -> vector<5120x128xf32>
    %add3A_33 = arith.addf %add3A_27, %dot_general3A_32 : vector<5120x128xf32>
    %get3A_34 = arith.constant 0 : index
    %get3A_35 = arith.constant 0 : index
    %get3A_36 = vector.load %arg9[%get3A_34, %get3A_35] : memref<1x128xf32, #tpu.memory_space<vmem>>, vector<1x128xf32>
    %add3A_37 = vector.broadcast %get3A_36 : vector<1x128xf32> to vector<5120x128xf32>
    %add3A_38 = arith.addf %add3A_33, %add3A_37 : vector<5120x128xf32>
    %get3A_39 = arith.constant 0 : index
    %get3A_40 = arith.constant 0 : index
    %get3A_41 = arith.constant 0 : index
    %get3A_42 = vector.load %arg10[%get3A_39, %get3A_40, %get3A_41] : memref<1x5x128xf32, #tpu.memory_space<vmem>>, vector<1x5x128xf32>
    %get3A_43 = vector.shape_cast %get3A_42 : vector<1x5x128xf32> to vector<5x128xf32>
    %broadcast_in_dim3A = vector.shape_cast %get3A_43 : vector<5x128xf32> to vector<5x1x128xf32>
    %broadcast_in_dim3A_44 = vector.shape_cast %broadcast_in_dim3A : vector<5x1x128xf32> to vector<5x1x128xf32>
    %broadcast_in_dim3A_45 = vector.broadcast %broadcast_in_dim3A_44 : vector<5x1x128xf32> to vector<5x1024x128xf32>
    %reshape3A = vector.shape_cast %broadcast_in_dim3A_45 : vector<5x1024x128xf32> to vector<5120x128xf32>
    %mul3A = vector.broadcast %slice3A : vector<5120x1xf32> to vector<5120x128xf32>
    %mul3A_46 = arith.mulf %mul3A, %add3A_38 : vector<5120x128xf32>
    %get3A_47 = arith.constant 0 : index
    %get3A_48 = arith.constant 0 : index
    %get3A_49 = vector.load %arg2[%get3A_47, %get3A_48] : memref<5120x128xf32, #tpu.memory_space<vmem>>, vector<5120x128xf32>
    %add3A_50 = arith.addf %mul3A_46, %get3A_49 : vector<5120x128xf32>
    %add3A_51 = arith.addf %add3A_50, %reshape3A : vector<5120x128xf32>
    %swap3A = arith.constant 0 : index
    %swap3A_52 = arith.constant 0 : index
    %swap3A_53 = vector.load %arg11[%swap3A, %swap3A_52] : memref<5120x128xf32, #tpu.memory_space<vmem>>, vector<5120x128xf32>
    tpu.vector_store %arg11[%swap3A, %swap3A_52], %add3A_51 {strides = array<i32>} : memref<5120x128xf32, #tpu.memory_space<vmem>>, vector<5120x128xf32>,
    return
  }
  func.func @transform_0(%arg0: i32) -> (i32, i32) {
    %c0_i32 = arith.constant 0 : i32
    %c0_i32_0 = arith.constant 0 : i32
    return %arg0, %c0_i32 : i32, i32
  }
  func.func @transform_1(%arg0: i32) -> (i32, i32) {
    %c0_i32 = arith.constant 0 : i32
    %c0_i32_0 = arith.constant 0 : i32
    return %arg0, %c0_i32 : i32, i32
  }
  func.func @transform_2(%arg0: i32) -> (i32, i32) {
    %c0_i32 = arith.constant 0 : i32
    %c0_i32_0 = arith.constant 0 : i32
    return %arg0, %c0_i32 : i32, i32
  }
  func.func @transform_3(%arg0: i32) -> (i32, i32) {
    %c0_i32 = arith.constant 0 : i32
    %c0_i32_0 = arith.constant 0 : i32
    return %arg0, %c0_i32 : i32, i32
  }
  func.func @transform_4(%arg0: i32) -> (i32, i32) {
    %c0_i32 = arith.constant 0 : i32
    %c0_i32_0 = arith.constant 0 : i32
    %c0_i32_1 = arith.constant 0 : i32
    return %c0_i32, %c0_i32_0 : i32, i32
  }
  func.func @transform_5(%arg0: i32) -> (i32, i32) {
    %c0_i32 = arith.constant 0 : i32
    %c0_i32_0 = arith.constant 0 : i32
    %c0_i32_1 = arith.constant 0 : i32
    return %c0_i32, %c0_i32_0 : i32, i32
  }
  func.func @transform_6(%arg0: i32) -> (i32, i32) {
    %c0_i32 = arith.constant 0 : i32
    %c0_i32_0 = arith.constant 0 : i32
    %c0_i32_1 = arith.constant 0 : i32
    return %c0_i32, %c0_i32_0 : i32, i32
  }
  func.func @transform_7(%arg0: i32) -> (i32, i32) {
    %c0_i32 = arith.constant 0 : i32
    %c0_i32_0 = arith.constant 0 : i32
    %c0_i32_1 = arith.constant 0 : i32
    return %c0_i32, %c0_i32_0 : i32, i32
  }
  func.func @transform_8(%arg0: i32) -> (i32, i32) {
    %c0_i32 = arith.constant 0 : i32
    %c0_i32_0 = arith.constant 0 : i32
    %c0_i32_1 = arith.constant 0 : i32
    return %c0_i32, %c0_i32_0 : i32, i32
  }
  func.func @transform_9(%arg0: i32) -> (i32, i32, i32) {
    %c0_i32 = arith.constant 0 : i32
    %c0_i32_0 = arith.constant 0 : i32
    %c0_i32_1 = arith.constant 0 : i32
    return %arg0, %c0_i32, %c0_i32_0 : i32, i32, i32
  }
  func.func @transform_10(%arg0: i32) -> (i32, i32) {
    %add3A = arith.constant 0 : i32
    %add3A_0 = arith.addi %arg0, %add3A : i32
    %c0_i32 = arith.constant 0 : i32
    %c0_i32_1 = arith.constant 0 : i32
    return %add3A_0, %c0_i32 : i32, i32
  }
}

module attributes {stable_mosaic.version = 14 : i64} {
  func.func @body(%arg0: i32, %arg1: memref<51200x128xf32, #tpu.memory_space<any>>, %arg2: memref<5120x4xf32, #tpu.memory_space<vmem>>, %arg3: memref<5120x128xf32, #tpu.memory_space<vmem>>, %arg4: memref<5120x128xf32, #tpu.memory_space<vmem>>, %arg5: memref<5120x128xf32, #tpu.memory_space<vmem>>, %arg6: memref<4x128xf32, #tpu.memory_space<vmem>>, %arg7: memref<1x128xf32, #tpu.memory_space<vmem>>, %arg8: memref<256x128xf32, #tpu.memory_space<vmem>>, %arg9: memref<128x128xf32, #tpu.memory_space<vmem>>, %arg10: memref<1x128xf32, #tpu.memory_space<vmem>>, %arg11: memref<1x5x128xf32, #tpu.memory_space<vmem>>, %arg12: memref<5120x128xf32, #tpu.memory_space<vmem>>) attributes {dimension_semantics = [#tpu.dimension_semantics<arbitrary>], iteration_bounds = array<i64: 5>, scalar_prefetch = 0 : i64, scratch_operands = 0 : i64, tpu.core_type = #tpu.core_type<tc>, window_params = [{}, {transform_indices = @transform_1, window_bounds = array<i64: 5120, 4>}, {transform_indices = @transform_2, window_bounds = array<i64: 5120, 128>}, {transform_indices = @transform_3, window_bounds = array<i64: 5120, 128>}, {transform_indices = @transform_4, window_bounds = array<i64: 5120, 128>}, {pipeline_mode = #tpu.pipeline_mode<synchronous>, transform_indices = @transform_5, window_bounds = array<i64: 4, 128>}, {pipeline_mode = #tpu.pipeline_mode<synchronous>, transform_indices = @transform_6, window_bounds = array<i64: 1, 128>}, {transform_indices = @transform_7, window_bounds = array<i64: 256, 128>}, {pipeline_mode = #tpu.pipeline_mode<synchronous>, transform_indices = @transform_8, window_bounds = array<i64: 128, 128>}, {pipeline_mode = #tpu.pipeline_mode<synchronous>, transform_indices = @transform_9, window_bounds = array<i64: 1, 128>}, {transform_indices = @transform_10, window_bounds = array<i64: 1, 5, 128>}, {transform_indices = @transform_11, window_bounds = array<i64: 5120, 128>}]} {
    %get3A = arith.constant 0 : index
    %get3A_0 = arith.constant 0 : index
    %get3A_1 = vector.load %arg2[%get3A, %get3A_0] : memref<5120x4xf32, #tpu.memory_space<vmem>>, vector<5120x4xf32>
    %slice3A = vector.extract_strided_slice %get3A_1 {offsets = [0, 0], sizes = [5120, 1], strides = [1, 1]} : vector<5120x4xf32> to vector<5120x1xf32>
    %get3A_2 = arith.constant 0 : index
    %get3A_3 = arith.constant 0 : index
    %get3A_4 = vector.load %arg6[%get3A_2, %get3A_3] : memref<4x128xf32, #tpu.memory_space<vmem>>, vector<4x128xf32>
    %dot_general3A = arith.constant dense<0.000000e+00> : vector<5120x128xf32>
    %dot_general3A_5 = tpu.matmul %get3A_1, %get3A_4, %dot_general3A {dimension_numbers = #tpu.dot_dimension_numbers<[1], [0], [0], [1], [0, 0, 1, 1], [], []>, transpose_lhs_hint = false} : vector<5120x4xf32>, vector<4x128xf32>, vector<5120x128xf32> -> vector<5120x128xf32>
    %get3A_6 = arith.constant 0 : index
    %get3A_7 = arith.constant 0 : index
    %get3A_8 = vector.load %arg7[%get3A_6, %get3A_7] : memref<1x128xf32, #tpu.memory_space<vmem>>, vector<1x128xf32>
    %add3A = vector.broadcast %get3A_8 : vector<1x128xf32> to vector<5120x128xf32>
    %add3A_9 = arith.addf %dot_general3A_5, %add3A : vector<5120x128xf32>
    %max3A = arith.constant 0.000000e+00 : f32
    %max3A_10 = vector.broadcast %max3A : f32 to vector<5120x128xf32>
    %max3A_11 = arith.maximumf %add3A_9, %max3A_10 : vector<5120x128xf32>
    %get3A_12 = arith.constant 0 : index
    %get3A_13 = arith.constant 0 : index
    %get3A_14 = vector.load %arg8[%get3A_12, %get3A_13] : memref<256x128xf32, #tpu.memory_space<vmem>>, vector<256x128xf32>
    %get3A_15 = arith.constant 0 : index
    %get3A_16 = arith.constant 0 : index
    %get3A_17 = vector.load %arg4[%get3A_15, %get3A_16] : memref<5120x128xf32, #tpu.memory_space<vmem>>, vector<5120x128xf32>
    %slice3A_18 = vector.extract_strided_slice %get3A_14 {offsets = [0, 0], sizes = [128, 128], strides = [1, 1]} : vector<256x128xf32> to vector<128x128xf32>
    %dot_general3A_19 = arith.constant dense<0.000000e+00> : vector<5120x128xf32>
    %dot_general3A_20 = tpu.matmul %get3A_17, %slice3A_18, %dot_general3A_19 {dimension_numbers = #tpu.dot_dimension_numbers<[1], [0], [0], [1], [0, 0, 1, 1], [], []>, transpose_lhs_hint = false} : vector<5120x128xf32>, vector<128x128xf32>, vector<5120x128xf32> -> vector<5120x128xf32>
    %get3A_21 = arith.constant 0 : index
    %get3A_22 = arith.constant 0 : index
    %get3A_23 = vector.load %arg5[%get3A_21, %get3A_22] : memref<5120x128xf32, #tpu.memory_space<vmem>>, vector<5120x128xf32>
    %slice3A_24 = vector.extract_strided_slice %get3A_14 {offsets = [128, 0], sizes = [128, 128], strides = [1, 1]} : vector<256x128xf32> to vector<128x128xf32>
    %dot_general3A_25 = arith.constant dense<0.000000e+00> : vector<5120x128xf32>
    %dot_general3A_26 = tpu.matmul %get3A_23, %slice3A_24, %dot_general3A_25 {dimension_numbers = #tpu.dot_dimension_numbers<[1], [0], [0], [1], [0, 0, 1, 1], [], []>, transpose_lhs_hint = false} : vector<5120x128xf32>, vector<128x128xf32>, vector<5120x128xf32> -> vector<5120x128xf32>
    %add3A_27 = arith.addf %dot_general3A_20, %dot_general3A_26 : vector<5120x128xf32>
    %get3A_28 = arith.constant 0 : index
    %get3A_29 = arith.constant 0 : index
    %get3A_30 = vector.load %arg9[%get3A_28, %get3A_29] : memref<128x128xf32, #tpu.memory_space<vmem>>, vector<128x128xf32>
    %dot_general3A_31 = arith.constant dense<0.000000e+00> : vector<5120x128xf32>
    %dot_general3A_32 = tpu.matmul %max3A_11, %get3A_30, %dot_general3A_31 {dimension_numbers = #tpu.dot_dimension_numbers<[1], [0], [0], [1], [0, 0, 1, 1], [], []>, transpose_lhs_hint = false} : vector<5120x128xf32>, vector<128x128xf32>, vector<5120x128xf32> -> vector<5120x128xf32>
    %add3A_33 = arith.addf %add3A_27, %dot_general3A_32 : vector<5120x128xf32>
    %get3A_34 = arith.constant 0 : index
    %get3A_35 = arith.constant 0 : index
    %get3A_36 = vector.load %arg10[%get3A_34, %get3A_35] : memref<1x128xf32, #tpu.memory_space<vmem>>, vector<1x128xf32>
    %add3A_37 = vector.broadcast %get3A_36 : vector<1x128xf32> to vector<5120x128xf32>
    %add3A_38 = arith.addf %add3A_33, %add3A_37 : vector<5120x128xf32>
    %get3A_39 = arith.constant 0 : index
    %get3A_40 = arith.constant 0 : index
    %get3A_41 = arith.constant 0 : index
    %get3A_42 = vector.load %arg11[%get3A_39, %get3A_40, %get3A_41] : memref<1x5x128xf32, #tpu.memory_space<vmem>>, vector<1x5x128xf32>
    %get3A_43 = vector.shape_cast %get3A_42 : vector<1x5x128xf32> to vector<5x128xf32>
    %broadcast_in_dim3A = vector.shape_cast %get3A_43 : vector<5x128xf32> to vector<5x1x128xf32>
    %broadcast_in_dim3A_44 = vector.shape_cast %broadcast_in_dim3A : vector<5x1x128xf32> to vector<5x1x128xf32>
    %broadcast_in_dim3A_45 = vector.broadcast %broadcast_in_dim3A_44 : vector<5x1x128xf32> to vector<5x1024x128xf32>
    %reshape3A = vector.shape_cast %broadcast_in_dim3A_45 : vector<5x1024x128xf32> to vector<5120x128xf32>
    %mul3A = vector.broadcast %slice3A : vector<5120x1xf32> to vector<5120x128xf32>
    %mul3A_46 = arith.mulf %mul3A, %add3A_38 : vector<5120x128xf32>
    %get3A_47 = arith.constant 0 : index
    %get3A_48 = arith.constant 0 : index
    %get3A_49 = vector.load %arg3[%get3A_47, %get3A_48] : memref<5120x128xf32, #tpu.memory_space<vmem>>, vector<5120x128xf32>
    %add3A_50 = arith.addf %mul3A_46, %get3A_49 : vector<5120x128xf32>
    %add3A_51 = arith.addf %add3A_50, %reshape3A : vector<5120x128xf32>
    %swap3A = arith.constant 0 : index
    %swap3A_52 = arith.constant 0 : index
    %swap3A_53 = vector.load %arg12[%swap3A, %swap3A_52] : memref<5120x128xf32, #tpu.memory_space<vmem>>, vector<5120x128xf32>
    tpu.vector_store %arg12[%swap3A, %swap3A_52], %add3A_51 {strides = array<i32>} : memref<5120x128xf32, #tpu.memory_space<vmem>>, vector<5120x128xf32>,
    return
  }
  func.func @transform_1(%arg0: i32) -> (i32, i32) {
    %c0_i32 = arith.constant 0 : i32
    %c0_i32_0 = arith.constant 0 : i32
    return %arg0, %c0_i32 : i32, i32
  }
  func.func @transform_2(%arg0: i32) -> (i32, i32) {
    %c0_i32 = arith.constant 0 : i32
    %c0_i32_0 = arith.constant 0 : i32
    return %arg0, %c0_i32 : i32, i32
  }
  func.func @transform_3(%arg0: i32) -> (i32, i32) {
    %c0_i32 = arith.constant 0 : i32
    %c0_i32_0 = arith.constant 0 : i32
    return %arg0, %c0_i32 : i32, i32
  }
  func.func @transform_4(%arg0: i32) -> (i32, i32) {
    %c0_i32 = arith.constant 0 : i32
    %c0_i32_0 = arith.constant 0 : i32
    return %arg0, %c0_i32 : i32, i32
  }
  func.func @transform_5(%arg0: i32) -> (i32, i32) {
    %c0_i32 = arith.constant 0 : i32
    %c0_i32_0 = arith.constant 0 : i32
    %c0_i32_1 = arith.constant 0 : i32
    return %c0_i32, %c0_i32_0 : i32, i32
  }
  func.func @transform_6(%arg0: i32) -> (i32, i32) {
    %c0_i32 = arith.constant 0 : i32
    %c0_i32_0 = arith.constant 0 : i32
    %c0_i32_1 = arith.constant 0 : i32
    return %c0_i32, %c0_i32_0 : i32, i32
  }
  func.func @transform_7(%arg0: i32) -> (i32, i32) {
    %c0_i32 = arith.constant 0 : i32
    %c0_i32_0 = arith.constant 0 : i32
    %c0_i32_1 = arith.constant 0 : i32
    return %c0_i32, %c0_i32_0 : i32, i32
  }
  func.func @transform_8(%arg0: i32) -> (i32, i32) {
    %c0_i32 = arith.constant 0 : i32
    %c0_i32_0 = arith.constant 0 : i32
    %c0_i32_1 = arith.constant 0 : i32
    return %c0_i32, %c0_i32_0 : i32, i32
  }
  func.func @transform_9(%arg0: i32) -> (i32, i32) {
    %c0_i32 = arith.constant 0 : i32
    %c0_i32_0 = arith.constant 0 : i32
    %c0_i32_1 = arith.constant 0 : i32
    return %c0_i32, %c0_i32_0 : i32, i32
  }
  func.func @transform_10(%arg0: i32) -> (i32, i32, i32) {
    %c0_i32 = arith.constant 0 : i32
    %c0_i32_0 = arith.constant 0 : i32
    %c0_i32_1 = arith.constant 0 : i32
    return %arg0, %c0_i32, %c0_i32_0 : i32, i32, i32
  }
  func.func @transform_11(%arg0: i32) -> (i32, i32) {
    %add3A = arith.constant 5 : i32
    %add3A_0 = arith.addi %arg0, %add3A : i32
    %c0_i32 = arith.constant 0 : i32
    %c0_i32_1 = arith.constant 0 : i32
    return %add3A_0, %c0_i32 : i32, i32
  }
}

</mosaic_0001>

<sc_bundles>
// kernel: kernel.10.cloned.1.call-start
scs
__scs_entry_jumppad:
0x0: {  	(pc) =	sbr.rel $0x88, $3  }
0x1: {  	(tag) =	ssettag $0x0;
	lr =	simm.s32 $0x1  }
0x2: {  	[smem:$0x3F8F] =	sst lr;
	_ =	strace $0xD0000000  }
0x3: {  	_ = 	snop  }
0x4: {  	_ = 	snop  }
0x5: {  	_ = 	snop  }
0x6: {  	_ = 	snop  }
0x7: {  	_ = 	snop  }
__scs_overlays_trampoline_lowered:
0x8: {  	[smem:$0x3F9E] =	sst s0  }
0x9: {  	[smem:$0x3F9F] =	sst s1  }
0xa: {  	[smem:$0x3FA0] =	sst s2  }
0xb: {  	[smem:$0x3FA1] =	sst s3  }
0xc: {  	[smem:$0x3FA2] =	sst s4  }
0xd: {  	[smem:$0x3FA3] =	sst s5  }
0xe: {  	[smem:$0x3FA4] =	sst s6  }
0xf: {  	[smem:$0x3FA5] =	sst s7  }
0x10: {  	[smem:$0x3FA6] =	sst s8  }
0x11: {  	[smem:$0x3FA7] =	sst s9;
	s0 =	simm.s32 @!p0 $0x0  }
0x12: {  	s1 =	sld [smem:$0x3F8D];
	s0 =	simm.s32 @p0 $0x1  }
0x13: {  	[smem:$0x3FA8] =	sst s0;
	s0 =	simm.s32 @!p1 $0x0  }
0x14: {  	s2 =	sld [smem:$0x3F8C];
	s0 =	simm.s32 @p1 $0x1  }
0x15: {  	[smem:$0x3FA9] =	sst s0;
	s0 =	simm.s32 @!p2 $0x0  }
0x16: {  	s3 =	sld [smem:$0x3FDB];
	s0 =	simm.s32 @p2 $0x1  }
0x17: {  	s4 =	simm.s32 $0x1BF5;
	[smem:$0x3FAB] =	sst s0  }
0x18: {  	s0 =	sld [smem:$0x3F8E];
	_ =	swait.ge [sflag:s4], $0x0  }
0x19: {  	s7 =	sld [smem:$0x3F8F]  }
0x1a: {  	s8 =	sadd.s32 $0xFFFFE003, lr  }
0x1b: {  	s9 =	sadd.s32 $0xFFFFFEF7, lr;
	s5 =	simm.s32 $0xFFFFFFFF;
	p2 =	slt.u32 s8, $0xFFFFF086  }
0x1c: {  	p1 =	slt.u32 s9, $0xF7A;
	s5 =	simm.s32 @!p2 $0x0  }
0x1d: {  	s5 =	simm.s32 @p1 $0x1;
	p0 =	seq.s32 s7, s2  }
0x1e: {  	s7 =	smul.u32 @!p0 $0xF7A, s2;
	p2 =	seq.s32 @!p0 s5, $0x0  }
0x1f: {  	s9 =	smul.u32 $0xF7A, s1;
	s8 =	simm.s32 @!p0 $0x1BF5;
	p2 =	por !p2, p0  }
0x20: {  	[sflag:s8] =	ssyncset.s32 @!p0 $0xFFFFF086;
	s6 =	sadd.s32 @!p0 s3, s7;
	s7 =	simm.s32 @!p0 $0x108  }
0x21: {  	s3 =	sadd.s32 s3, s9;
	s6 =	sadd.s32 @!p0 $0x88, s6;
	s7 =	simm.s32 @p2 $0x1082  }
0x22: {  	[simem:s7], [sflag:s8] =	dma.local @!p0 [hbm:s6], $0xF7A  }
0x23: {  	s9 =	sor.u32 $0xD0000000, s2;
	s6 =	simm.s32 $0x108;
	_ =	swait.ge @!p0 [sflag:s8], $0x0  }
0x24: {  	s3 =	sadd.s32 $0x88, s3;
	s6 =	simm.s32 @!p1 $0x1082;
	[sflag:s4] =	ssyncset.s32 $0xFFFFF086  }
0x25: {  	[simem:s6], [sflag:s4] =	dma.local [hbm:s3], $0xF7A  }
0x26: {  	[smem:$0x3F8F] =	sst s1;
	(tag) =	ssettag s2;
	_ =	strace s9  }
0x27: {  	s1 =	sld [smem:$0x3F9F]  }
0x28: {  	s2 =	sld [smem:$0x3FA0]  }
0x29: {  	s4 =	sld [smem:$0x3FA2]  }
0x2a: {  	p0 =	seq.s32 s5, $0x0;
	s5 =	sld [smem:$0x3FA3]  }
0x2b: {  	s6 =	sld [smem:$0x3FA4]  }
0x2c: {  	s7 =	sld [smem:$0x3FA5]  }
0x2d: {  	s3 =	simm.s32 $0x108;
	s8 =	sld [smem:$0x3FA6]  }
0x2e: {  	s3 =	simm.s32 @!p0 $0x1082;
	s9 =	sld [smem:$0x3FA7]  }
0x2f: {  	lr =	sadd.s32 s0, s3;
	s0 =	sld [smem:$0x3F9E]  }
0x30: {  	s3 =	sld [smem:$0x3FA1]  }
0x31: {  	[smem:$0x3FAA] =	sst s10  }
0x32: {  	s10 =	sld [smem:$0x3FA8];
	_ =	sdelay $0x3  }
0x33: {  	p0 =	seq.s32 s10, $0x1;
	s10 =	sld [smem:$0x3FAA];
	_ =	sdelay $0x3  }
0x34: {  	[smem:$0x3FAA] =	sst s10  }
0x35: {  	s10 =	sld [smem:$0x3FA9];
	_ =	sdelay $0x3  }
0x36: {  	p1 =	seq.s32 s10, $0x1;
	s10 =	sld [smem:$0x3FAA];
	_ =	sdelay $0x3  }
0x37: {  	[smem:$0x3FAA] =	sst s10  }
0x38: {  	s10 =	sld [smem:$0x3FAB]  }
0x39: {  	_ = 	snop;
	(pc) =	sbr.ind lr, $3  }
0x3a: {  	_ = 	snop  }
0x3b: {  	_ = 	snop  }
0x3c: {  	p2 =	seq.s32 s10, $0x1;
	s10 =	sld [smem:$0x3FAA]  }
0x3d: {  	_ =	shalt  }
0x3e: {  	_ =	shalt  }
0x3f: {  	_ =	shalt  }
0x40: {  	_ =	shalt  }
0x41: {  	_ =	shalt  }
0x42: {  	_ =	shalt  }
0x43: {  	_ =	shalt  }
0x44: {  	_ =	shalt  }
0x45: {  	_ =	shalt  }
0x46: {  	_ =	shalt  }
0x47: {  	_ =	shalt  }
0x48: {  	_ =	shalt  }
0x49: {  	_ =	shalt  }
0x4a: {  	_ =	shalt  }
0x4b: {  	_ =	shalt  }
0x4c: {  	_ =	shalt  }
0x4d: {  	_ =	shalt  }
0x4e: {  	_ =	shalt  }
0x4f: {  	_ =	shalt  }
0x50: {  	_ =	shalt  }
0x51: {  	_ =	shalt  }
0x52: {  	_ =	shalt  }
0x53: {  	_ =	shalt  }
0x54: {  	_ =	shalt  }
0x55: {  	_ =	shalt  }
0x56: {  	_ =	shalt  }
0x57: {  	_ =	shalt  }
0x58: {  	_ =	shalt  }
0x59: {  	_ =	shalt  }
0x5a: {  	_ =	shalt  }
0x5b: {  	_ =	shalt  }
0x5c: {  	_ =	shalt  }
0x5d: {  	_ =	shalt  }
0x5e: {  	_ =	shalt  }
0x5f: {  	_ =	shalt  }
0x60: {  	_ =	shalt  }
0x61: {  	_ =	shalt  }
0x62: {  	_ =	shalt  }
0x63: {  	_ =	shalt  }
0x64: {  	_ =	shalt  }
0x65: {  	_ =	shalt  }
0x66: {  	_ =	shalt  }
0x67: {  	_ =	shalt  }
0x68: {  	_ =	shalt  }
0x69: {  	_ =	shalt  }
0x6a: {  	_ =	shalt  }
0x6b: {  	_ =	shalt  }
0x6c: {  	_ =	shalt  }
0x6d: {  	_ =	shalt  }
0x6e: {  	_ =	shalt  }
0x6f: {  	_ =	shalt  }
0x70: {  	_ =	shalt  }
0x71: {  	_ =	shalt  }
0x72: {  	_ =	shalt  }
0x73: {  	_ =	shalt  }
0x74: {  	_ =	shalt  }
0x75: {  	_ =	shalt  }
0x76: {  	_ =	shalt  }
0x77: {  	_ =	shalt  }
0x78: {  	_ =	shalt  }
0x79: {  	_ =	shalt  }
0x7a: {  	_ =	shalt  }
0x7b: {  	_ =	shalt  }
0x7c: {  	_ =	shalt  }
0x7d: {  	_ =	shalt  }
0x7e: {  	_ =	shalt  }
0x7f: {  	_ =	shalt  }
0x80: {  	_ =	shalt  }
0x81: {  	_ =	shalt  }
0x82: {  	_ =	shalt  }
0x83: {  	_ =	shalt  }
0x84: {  	_ =	shalt  }
0x85: {  	_ =	shalt  }
0x86: {  	_ =	shalt  }
0x87: {  	_ =	shalt  }
.Lfunc_end0:
.L_simem_size_0:
called_computation.1_lowered:
.L_overlay_start_0:
0x88: {  	s2 =	sld [smem:$0x3FD9]  }
0x89: {  	s3 =	sld [smem:$0x3FFE];
	_ =	sdelay $0x1  }
0x8a: {  	s1 =	srdreg.scid  }
0x8b: {  	s0 =	sand.u32 $0x1, s1  }
0x8c: {  	s17 =	sshll.u32 s0, $0xA;
	s2 =	sadd.s32 s3, s2  }
0x8d: {  	s2 =	sadd.s32 s2, s17  }
0x8e: {  	[smem:$0x3FB6] =	sst s2  }
0x8f: {  	_ = 	snop  }
0x90: {  	s18 =	sld [smem:$0x3FC4]  }
0x91: {  	s4 =	sld [smem:$0x3FC3]  }
0x92: {  	s5 =	sld [smem:$0x3FC2];
	(tm) =	ssettm $0x1  }
0x93: {  	s19 =	sld [smem:$0x3FFB];
	_ =	sdelay $0x3  }
0x94: {  	_ =	strace s19  }
0x95: {  	s2 =	sld [smem:$0x3FFC];
	_ =	sdelay $0x3  }
0x96: {  	_ =	strace s2  }
0x97: {  	s2 =	sld [smem:$0x3FFD];
	_ =	sdelay $0x3  }
0x98: {  	_ =	strace s2  }
0x99: {  	_ =	strace $0x8FFFFFFF  }
0x9a: {  	s20 =	sld [smem:$0x3FDB];
	_ =	sdelay $0x1  }
0x9b: {  	s6 =	simm.s32 $_scs_section_size  }
0x9c: {  	s7 =	simm.s32 $_size__tile_overlayer_lowered;
	s8 =	simm.s32 $_tile_overlayer_lowered  }
0x9d: {  	s9 =	simm.s32 $0x1BFF;
	s21 =	sshll.u32 s8, $0x1;
	s6 =	sadd.s32 s6, s20  }
0x9e: {  	s22 =	simm.s32 $0x0;
	s7 =	sshll.u32 s7, $0x1;
	s8 =	sadd.s32 s21, s6  }
0x9f: {  	[timem:s22], [sflag:s9] =	dma.local [hbm:s8], s7  }
0xa0: {  	_ =	swait.ge [sflag:s9], s7  }
0xa1: {  	s7 =	ssub.s32 $0x0, s7;
	[sflag:s9] =	ssyncset.done $0x0  }
0xa2: {  	[sflag:s9] =	ssyncadd.s32 s7;
	_ =	sdelay $0x1  }
0xa3: {  	s23 =	simm.s32 $0x1B8B  }
0xa4: {  	_ =	swait.ge [sflag:s23], $0x1  }
0xa5: {  	[sflag:s23] =	ssyncset.done $0x0  }
0xa6: {  	[sflag:s23] =	ssyncadd.s32 $0xFFFFFFFF  }
0xa7: {  	s7 =	sld [smem:$0x0]  }
0xa8: {  	s8 =	sand.u32 $0xFFFFFFFE, s1  }
0xa9: {  	p0 =	sne.s32 s1, s8  }
0xaa: {  	s8 =	sshll.u32 @p0 s8, $0xE  }
0xab: {  	s8 =	sadd.s32 @p0 $0x11B8D, s8;
	s9 =	sshll.u32 @p0 s7, $0x11  }
0xac: {  	s8 =	sor.u32 @p0 s9, s8  }
0xad: {  	[sflag:s8] =	ssyncadd.remote.s32 @p0 $0x1;
	_ =	sdelay $0x1  }
0xae: {  	s8 =	simm.s32 @p0 $0x1B8D  }
0xaf: {  	_ =	swait.eq @p0 [sflag:s8], $0x1  }
0xb0: {  	[sflag:s8] =	ssyncadd.s32 @p0 $0xFFFFFFFF  }
0xb1: {  	s9 =	sshll.u32 @!p0 s1, $0xE  }
0xb2: {  	s9 =	sor.u32 @!p0 $0x4000, s9;
	s8 =	simm.s32 @!p0 $0x1B8D  }
0xb3: {  	s7 =	sshll.u32 @!p0 s7, $0x11;
	s9 =	sadd.s32 @!p0 $0x11B8D, s9;
	_ =	swait.eq @!p0 [sflag:s8], $0x1  }
0xb4: {  	s7 =	sor.u32 @!p0 s7, s9;
	[sflag:s8] =	ssyncadd.s32 @!p0 $0xFFFFFFFF  }
0xb5: {  	s25 =	simm.s32 $0x1B8E;
	s24 =	sld [smem:$0x3FFE];
	[sflag:s7] =	ssyncadd.remote.s32 @!p0 $0x1  }
0xb6: {  	s26 =	simm.s32 $execute0_lowered;
	[smem:$0x3FD2] =	sst s25  }
0xb7: {  	s8 =	sshll.u32 s26, $0x1;
	_ =	strace $0x80000049;
	[dreg:$0x1] =	wrdreg $0xFFFFFFFF  }
0xb8: {  	s28 =	simm.s32 $_size_execute0_lowered;
	s6 =	sadd.s32 s6, s8;
	[dreg:$0x0] =	wrdreg $0x0  }
0xb9: {  	s8 =	sshll.u32 s28, $0x1;
	[dreg:$0x2] =	wrdreg s6  }
0xba: {  	[dreg:$0x3] =	wrdreg s8  }
0xbb: {  	[dreg:$0x4] =	wrdreg $0xC0  }
0xbc: {  	_ =	task [dreg:s22], $0x5FFFF  }
0xbd: {  	[dreg:$0x1] =	wrdreg $0xFFFFFFFF  }
0xbe: {  	[dreg:$0x0] =	wrdreg $0x60  }
0xbf: {  	[dreg:$0x2] =	wrdreg s18  }
0xc0: {  	[dreg:$0x3] =	wrdreg s4  }
0xc1: {  	[dreg:$0x4] =	wrdreg s5  }
0xc2: {  	[dreg:$0x5] =	wrdreg s24  }
0xc3: {  	[dreg:$0x6] =	wrdreg $0xA  }
0xc4: {  	_ =	task.clear_ibuf [dreg:s22], $0x7FFFF;
	_ =	strace $0x90000049  }
0xc5: {  	s29 =	simm.s32 $0xA;
	_ =	strace $0x8000004B  }
0xc6: {  	_ =	swait.ge [sflag:s29], $0x1  }
0xc7: {  	[sflag:s29] =	ssyncadd.s32 $0xFFFFFFFF  }
0xc8: {  	_ =	strace $0x9000004B  }
0xc9: {  	_ =	sfence  }
0xca: {  	s30 =	sld [smem:$0x0];
	_ =	sdelay $0x2  }
0xcb: {  	s31 =	sshll.u32 s1, $0xD;
	s1 =	sshrl.u32 s1, $0x2  }
0xcc: {  	s4 =	sand.u32 $0x4000, s31;
	s1 =	sadd.s32 s1, s30  }
0xcd: {  	s0 =	sor.u32 s4, s0;
	s1 =	sshll.u32 s1, $0x11  }
0xce: {  	s0 =	sor.u32 s1, s0  }
0xcf: {  	s0 =	sadd.s32 $0x8F2B, s0  }
0xd0: {  	[sflag:s0] =	ssyncadd.remote.s32 $0x1  }
0xd1: {  	_ =	sfence.sel $0xFFFF  }
0xd2: {  	[dreg:$0x0] =	wrdreg $0xFFFFFFFF;
	(pc) =	sbr.abs _section_cstart, $3  }
0xd3: {  	[dreg:$0x1] =	wrdreg $0xFFFFFFFF  }
0xd4: {  	_ =	task.clear_ibuf [dreg:s22], $0x2FFFF;
	_ =	strace $0x9FFFFFFF  }
0xd5: {  	(tm) =	ssettm $0x7FFFFFFF  }
tec
execute0_lowered:
.L_overlay_start_1:
0x0: {  	(tag) =	ssettag $0x1  }
0x1: {  	s0 =	srdreg.scid;
	s3 =	stileid.u32  }
0x2: {  	s5 =	sand.u32 $0x1, s0;
	s16 =	sshll.u32 s3, $0x1  }
0x3: {  	s1 =	rddreg [dreg:$0x0];
	s0 =	sor.u32 s5, s16  }
0x4: {  	s2 =	rddreg [dreg:$0x1];
	s7 =	smul.u32 $0x64, s0  }
0x5: {  	s6 =	rddreg [dreg:$0x3];
	s8 =	smul.u32 $0x19000, s0  }
0x6: {  	s4 =	rddreg [dreg:$0x2];
	s9 =	sadd.s32 $0x134C00, s6;
	s0 =	smul.u32 $0x3200, s0  }
0x7: {  	s22 =	sadd.s32 $0x198C00, s6;
	[dreg:$0x1c] =	wrdreg s5;
	s5 =	simm.s32 $0x0  }
0x8: {  	s31 =	sadd.s32 $0x1FCC00, s6;
	[smem:$0x7FF] =	sst s5;
	s17 =	sadd.s32 s9, s0  }
0x9: {  	_ =	strace $0x8000004A;
	s20 =	sadd.s32 s22, s0;
	[dreg:$0x6] =	wrdreg s17  }
0xa: {  	s7 =	sadd.s32 s7, s6;
	s24 =	sadd.s32 s31, s0;
	[dreg:$0x9] =	wrdreg s20  }
0xb: {  	s10 =	sadd.s32 $0x133E00, s7;
	[dreg:$0xc] =	wrdreg s24  }
0xc: {  	s19 =	sadd.s32 $0x132200, s7;
	[dreg:$0x5] =	wrdreg s10  }
0xd: {  	s29 =	sadd.s32 $0x2300, s0;
	s23 =	sadd.s32 $0x133000, s7;
	[dreg:$0x8] =	wrdreg s19  }
0xe: {  	s30 =	sadd.s32 $0x2800, s0;
	s11 =	sadd.s32 s9, s29;
	[dreg:$0xb] =	wrdreg s23  }
0xf: {  	s8 =	sshrl.u32 s8, $0x3;
	s12 =	sadd.s32 s9, s30;
	[dreg:$0x13] =	wrdreg s11  }
0x10: {  	s8 =	sadd.s32 $0x500, s8;
	s20 =	sadd.s32 s22, s29;
	[dreg:$0x14] =	wrdreg s12  }
0x11: {  	s18 =	sadd.s32 s9, s8;
	[dreg:$0x1b] =	wrdreg s20  }
0x12: {  	s21 =	sadd.s32 s22, s8;
	[dreg:$0x7] =	wrdreg s18  }
0x13: {  	s24 =	sadd.s32 $0xF00, s0;
	s25 =	sadd.s32 s31, s8;
	[dreg:$0xa] =	wrdreg s21  }
0x14: {  	s28 =	sadd.s32 $0x1E00, s0;
	s3 =	sadd.s32 s9, s24;
	[dreg:$0xd] =	wrdreg s25  }
0x15: {  	s10 =	sadd.s32 s9, s28;
	[dreg:$0xf] =	wrdreg s3  }
0x16: {  	s15 =	sadd.s32 s22, s24;
	[dreg:$0x12] =	wrdreg s10  }
0x17: {  	s23 =	sadd.s32 $0xA00, s0;
	[dreg:$0x17] =	wrdreg s15  }
0x18: {  	s26 =	sadd.s32 s9, s23;
	s19 =	rddreg [dreg:$0x5]  }
0x19: {  	s14 =	sadd.s32 s22, s23;
	[dreg:$0xe] =	wrdreg s26  }
0x1a: {  	s25 =	sadd.s32 $0x1400, s0;
	s18 =	sadd.s32 s22, s28;
	[dreg:$0x16] =	wrdreg s14  }
0x1b: {  	s3 =	sadd.s32 $0x2D00, s0;
	s7 =	sadd.s32 s9, s25;
	[dreg:$0x1a] =	wrdreg s18  }
0x1c: {  	[tilespmem:s5], [sflag:$0x4] =	stream.linear.gather [hbm4b:s19+s5], $0x320, $0x38;
	[tilespmem:$0x5380] =	vst v63  }
0x1d: {  	s13 =	sadd.s32 s9, s3;
	[dreg:$0x10] =	wrdreg s7  }
0x1e: {  	s26 =	sadd.s32 $0x1900, s0;
	s16 =	sadd.s32 s22, s25;
	[dreg:$0x15] =	wrdreg s13  }
0x1f: {  	s8 =	sadd.s32 s9, s26;
	[dreg:$0x18] =	wrdreg s16  }
0x20: {  	s17 =	sadd.s32 s22, s26;
	[dreg:$0x11] =	wrdreg s8  }
0x21: {  	s6 =	simm.s32 $0x4;
	[dreg:$0x19] =	wrdreg s17  }
0x22: {  	_ =	swait.ge [sflag:s6], $0x320  }
0x23: {  	s7 =	simm.s32 $0x50;
	[sflag:s6] =	ssyncset.done $0x0  }
0x24: {  	s9 =	simm.s32 $0x1;
	s8 =	simm.s32 $0x380;
	[sflag:s6] =	ssyncadd.s32 $0xFFFFFCE0  }
0x25: {  	[tilespmem:s8], [sflag:$0x1] =	stream.indirect.gather [hbm4b:s1+s7], $0x80, s5, s7, $0xb8;
	[tilespmem:$0x5380] =	vst v63  }
0x26: {  	_ =	swait.ge [sflag:s9], $0x2800  }
0x27: {  	[sflag:s9] =	ssyncset.done $0x0  }
0x28: {  	s21 =	rddreg [dreg:$0x6];
	[sflag:s9] =	ssyncadd.s32 $0xFFFFD800  }
0x29: {  	[hbm4b:s21+s5] =	stream.linear.scatter [tilespmem:s8], [sflag:$0x2], $0x2800, $0x38;
	[tilespmem:$0x5380] =	vst v63  }
0x2a: {  	s10 =	simm.s32 $0x2B80  }
0x2b: {  	[tilespmem:s10], [sflag:$0x1] =	stream.indirect.gather [hbm4b:s1+s7], $0x80, s7, s7, $0xb8;
	[tilespmem:$0x5380] =	vst v63  }
0x2c: {  	_ =	swait.ge [sflag:s9], $0x2800  }
0x2d: {  	[sflag:s9] =	ssyncset.done $0x0  }
0x2e: {  	s11 =	simm.s32 $0x2;
	s12 =	rddreg [dreg:$0x7];
	[sflag:s9] =	ssyncadd.s32 $0xFFFFD800  }
0x2f: {  	[hbm4b:s12+s5] =	stream.linear.scatter [tilespmem:s10], [sflag:$0x3], $0x2800, $0x38;
	[tilespmem:$0x5380] =	vst v63  }
0x30: {  	_ =	swait.ge [sflag:s11], $0x2800  }
0x31: {  	[sflag:s11] =	ssyncset.done $0x0  }
0x32: {  	s12 =	simm.s32 $0xA0;
	[sflag:s11] =	ssyncadd.s32 $0xFFFFD800  }
0x33: {  	[tilespmem:s8], [sflag:$0x1] =	stream.indirect.gather [hbm4b:s1+s7], $0x80, s12, s7, $0xb8;
	[tilespmem:$0x5380] =	vst v63  }
0x34: {  	_ =	swait.ge [sflag:s9], $0x2800  }
0x35: {  	[sflag:s9] =	ssyncset.done $0x0  }
0x36: {  	s13 =	simm.s32 $0x3;
	s14 =	rddreg [dreg:$0xe];
	[sflag:s9] =	ssyncadd.s32 $0xFFFFD800  }
0x37: {  	[hbm4b:s14+s5] =	stream.linear.scatter [tilespmem:s8], [sflag:$0x2], $0x2800, $0x38;
	[tilespmem:$0x5380] =	vst v63  }
0x38: {  	_ =	swait.ge [sflag:s13], $0x2800  }
0x39: {  	[sflag:s13] =	ssyncset.done $0x0  }
0x3a: {  	s14 =	simm.s32 $0xF0;
	[sflag:s13] =	ssyncadd.s32 $0xFFFFD800  }
0x3b: {  	[tilespmem:s10], [sflag:$0x1] =	stream.indirect.gather [hbm4b:s1+s7], $0x80, s14, s7, $0xb8;
	[tilespmem:$0x5380] =	vst v63  }
0x3c: {  	_ =	swait.ge [sflag:s9], $0x2800  }
0x3d: {  	[sflag:s9] =	ssyncset.done $0x0  }
0x3e: {  	s15 =	rddreg [dreg:$0xf];
	[sflag:s9] =	ssyncadd.s32 $0xFFFFD800  }
0x3f: {  	[hbm4b:s15+s5] =	stream.linear.scatter [tilespmem:s10], [sflag:$0x3], $0x2800, $0x38;
	[tilespmem:$0x5380] =	vst v63  }
0x40: {  	_ =	swait.ge [sflag:s11], $0x2800  }
0x41: {  	[sflag:s11] =	ssyncset.done $0x0  }
0x42: {  	s15 =	simm.s32 $0x140;
	[sflag:s11] =	ssyncadd.s32 $0xFFFFD800  }
0x43: {  	[tilespmem:s8], [sflag:$0x1] =	stream.indirect.gather [hbm4b:s1+s7], $0x80, s15, s7, $0xb8;
	[tilespmem:$0x5380] =	vst v63  }
0x44: {  	_ =	swait.ge [sflag:s9], $0x2800  }
0x45: {  	[sflag:s9] =	ssyncset.done $0x0  }
0x46: {  	s16 =	rddreg [dreg:$0x10];
	[sflag:s9] =	ssyncadd.s32 $0xFFFFD800  }
0x47: {  	[hbm4b:s16+s5] =	stream.linear.scatter [tilespmem:s8], [sflag:$0x2], $0x2800, $0x38;
	[tilespmem:$0x5380] =	vst v63  }
0x48: {  	_ =	swait.ge [sflag:s13], $0x2800  }
0x49: {  	[sflag:s13] =	ssyncset.done $0x0  }
0x4a: {  	s16 =	simm.s32 $0x190;
	[sflag:s13] =	ssyncadd.s32 $0xFFFFD800  }
0x4b: {  	[tilespmem:s10], [sflag:$0x1] =	stream.indirect.gather [hbm4b:s1+s7], $0x80, s16, s7, $0xb8;
	[tilespmem:$0x5380] =	vst v63  }
0x4c: {  	_ =	swait.ge [sflag:s9], $0x2800  }
0x4d: {  	[sflag:s9] =	ssyncset.done $0x0  }
0x4e: {  	s17 =	rddreg [dreg:$0x11];
	[sflag:s9] =	ssyncadd.s32 $0xFFFFD800  }
0x4f: {  	[hbm4b:s17+s5] =	stream.linear.scatter [tilespmem:s10], [sflag:$0x3], $0x2800, $0x38;
	[tilespmem:$0x5380] =	vst v63  }
0x50: {  	_ =	swait.ge [sflag:s11], $0x2800  }
0x51: {  	[sflag:s11] =	ssyncset.done $0x0  }
0x52: {  	s17 =	simm.s32 $0x1E0;
	[sflag:s11] =	ssyncadd.s32 $0xFFFFD800  }
0x53: {  	[tilespmem:s8], [sflag:$0x1] =	stream.indirect.gather [hbm4b:s1+s7], $0x80, s17, s7, $0xb8;
	[tilespmem:$0x5380] =	vst v63  }
0x54: {  	_ =	swait.ge [sflag:s9], $0x2800  }
0x55: {  	[sflag:s9] =	ssyncset.done $0x0  }
0x56: {  	s18 =	rddreg [dreg:$0x12];
	[sflag:s9] =	ssyncadd.s32 $0xFFFFD800  }
0x57: {  	[hbm4b:s18+s5] =	stream.linear.scatter [tilespmem:s8], [sflag:$0x2], $0x2800, $0x38;
	[tilespmem:$0x5380] =	vst v63  }
0x58: {  	_ =	swait.ge [sflag:s13], $0x2800  }
0x59: {  	[sflag:s13] =	ssyncset.done $0x0  }
0x5a: {  	s18 =	simm.s32 $0x230;
	[sflag:s13] =	ssyncadd.s32 $0xFFFFD800  }
0x5b: {  	[tilespmem:s10], [sflag:$0x1] =	stream.indirect.gather [hbm4b:s1+s7], $0x80, s18, s7, $0xb8;
	[tilespmem:$0x5380] =	vst v63  }
0x5c: {  	_ =	swait.ge [sflag:s9], $0x2800  }
0x5d: {  	[sflag:s9] =	ssyncset.done $0x0  }
0x5e: {  	s19 =	rddreg [dreg:$0x13];
	[sflag:s9] =	ssyncadd.s32 $0xFFFFD800  }
0x5f: {  	[hbm4b:s19+s5] =	stream.linear.scatter [tilespmem:s10], [sflag:$0x3], $0x2800, $0x38;
	[tilespmem:$0x5380] =	vst v63  }
0x60: {  	_ =	swait.ge [sflag:s11], $0x2800  }
0x61: {  	[sflag:s11] =	ssyncset.done $0x0  }
0x62: {  	s19 =	simm.s32 $0x280;
	[sflag:s11] =	ssyncadd.s32 $0xFFFFD800  }
0x63: {  	[tilespmem:s8], [sflag:$0x1] =	stream.indirect.gather [hbm4b:s1+s7], $0x80, s19, s7, $0xb8;
	[tilespmem:$0x5380] =	vst v63  }
0x64: {  	_ =	swait.ge [sflag:s9], $0x2800  }
0x65: {  	[sflag:s9] =	ssyncset.done $0x0  }
0x66: {  	s20 =	rddreg [dreg:$0x14];
	[sflag:s9] =	ssyncadd.s32 $0xFFFFD800  }
0x67: {  	[hbm4b:s20+s5] =	stream.linear.scatter [tilespmem:s8], [sflag:$0x2], $0x2800, $0x38;
	[tilespmem:$0x5380] =	vst v63  }
0x68: {  	_ =	swait.ge [sflag:s13], $0x2800  }
0x69: {  	[sflag:s13] =	ssyncset.done $0x0  }
0x6a: {  	s20 =	simm.s32 $0x2D0;
	[sflag:s13] =	ssyncadd.s32 $0xFFFFD800  }
0x6b: {  	[tilespmem:s10], [sflag:$0x1] =	stream.indirect.gather [hbm4b:s1+s7], $0x80, s20, s7, $0xb8;
	[tilespmem:$0x5380] =	vst v63  }
0x6c: {  	_ =	swait.ge [sflag:s9], $0x2800  }
0x6d: {  	[sflag:s9] =	ssyncset.done $0x0  }
0x6e: {  	s21 =	rddreg [dreg:$0x15];
	[sflag:s9] =	ssyncadd.s32 $0xFFFFD800  }
0x6f: {  	[hbm4b:s21+s5] =	stream.linear.scatter [tilespmem:s10], [sflag:$0x3], $0x2800, $0x38;
	[tilespmem:$0x5380] =	vst v63  }
0x70: {  	_ =	swait.ge [sflag:s11], $0x2800  }
0x71: {  	[sflag:s11] =	ssyncset.done $0x0  }
0x72: {  	[sflag:s11] =	ssyncadd.s32 $0xFFFFD800  }
0x73: {  	_ =	swait.ge [sflag:s13], $0x2800  }
0x74: {  	[sflag:s13] =	ssyncset.done $0x0  }
0x75: {  	s0 =	rddreg [dreg:$0x8];
	[sflag:s13] =	ssyncadd.s32 $0xFFFFD800  }
0x76: {  	[tilespmem:s5], [sflag:$0x4] =	stream.linear.gather [hbm4b:s0+s5], $0x320, $0x38;
	[tilespmem:$0x5380] =	vst v63  }
0x77: {  	_ =	swait.ge [sflag:s6], $0x320  }
0x78: {  	[sflag:s6] =	ssyncset.done $0x0  }
0x79: {  	[sflag:s6] =	ssyncadd.s32 $0xFFFFFCE0  }
0x7a: {  	[tilespmem:s8], [sflag:$0x1] =	stream.indirect.gather [hbm4b:s2+s7], $0x80, s5, s7, $0xb8;
	[tilespmem:$0x5380] =	vst v63  }
0x7b: {  	_ =	swait.ge [sflag:s9], $0x2800  }
0x7c: {  	[sflag:s9] =	ssyncset.done $0x0  }
0x7d: {  	s0 =	rddreg [dreg:$0x9];
	[sflag:s9] =	ssyncadd.s32 $0xFFFFD800  }
0x7e: {  	[hbm4b:s0+s5] =	stream.linear.scatter [tilespmem:s8], [sflag:$0x2], $0x2800, $0x38;
	[tilespmem:$0x5380] =	vst v63  }
0x7f: {  	_ = 	snop  }
0x80: {  	[tilespmem:s10], [sflag:$0x1] =	stream.indirect.gather [hbm4b:s2+s7], $0x80, s7, s7, $0xb8;
	[tilespmem:$0x5380] =	vst v63  }
0x81: {  	_ =	swait.ge [sflag:s9], $0x2800  }
0x82: {  	[sflag:s9] =	ssyncset.done $0x0  }
0x83: {  	s0 =	rddreg [dreg:$0xa];
	[sflag:s9] =	ssyncadd.s32 $0xFFFFD800  }
0x84: {  	[hbm4b:s0+s5] =	stream.linear.scatter [tilespmem:s10], [sflag:$0x3], $0x2800, $0x38;
	[tilespmem:$0x5380] =	vst v63  }
0x85: {  	_ =	swait.ge [sflag:s11], $0x2800  }
0x86: {  	[sflag:s11] =	ssyncset.done $0x0  }
0x87: {  	[sflag:s11] =	ssyncadd.s32 $0xFFFFD800  }
0x88: {  	[tilespmem:s8], [sflag:$0x1] =	stream.indirect.gather [hbm4b:s2+s7], $0x80, s12, s7, $0xb8;
	[tilespmem:$0x5380] =	vst v63  }
0x89: {  	_ =	swait.ge [sflag:s9], $0x2800  }
0x8a: {  	[sflag:s9] =	ssyncset.done $0x0  }
0x8b: {  	s0 =	rddreg [dreg:$0x16];
	[sflag:s9] =	ssyncadd.s32 $0xFFFFD800  }
0x8c: {  	[hbm4b:s0+s5] =	stream.linear.scatter [tilespmem:s8], [sflag:$0x2], $0x2800, $0x38;
	[tilespmem:$0x5380] =	vst v63  }
0x8d: {  	_ =	swait.ge [sflag:s13], $0x2800  }
0x8e: {  	[sflag:s13] =	ssyncset.done $0x0  }
0x8f: {  	[sflag:s13] =	ssyncadd.s32 $0xFFFFD800  }
0x90: {  	[tilespmem:s10], [sflag:$0x1] =	stream.indirect.gather [hbm4b:s2+s7], $0x80, s14, s7, $0xb8;
	[tilespmem:$0x5380] =	vst v63  }
0x91: {  	_ =	swait.ge [sflag:s9], $0x2800  }
0x92: {  	[sflag:s9] =	ssyncset.done $0x0  }
0x93: {  	s0 =	rddreg [dreg:$0x17];
	[sflag:s9] =	ssyncadd.s32 $0xFFFFD800  }
0x94: {  	[hbm4b:s0+s5] =	stream.linear.scatter [tilespmem:s10], [sflag:$0x3], $0x2800, $0x38;
	[tilespmem:$0x5380] =	vst v63  }
0x95: {  	_ =	swait.ge [sflag:s11], $0x2800  }
0x96: {  	[sflag:s11] =	ssyncset.done $0x0  }
0x97: {  	[sflag:s11] =	ssyncadd.s32 $0xFFFFD800  }
0x98: {  	[tilespmem:s8], [sflag:$0x1] =	stream.indirect.gather [hbm4b:s2+s7], $0x80, s15, s7, $0xb8;
	[tilespmem:$0x5380] =	vst v63  }
0x99: {  	_ =	swait.ge [sflag:s9], $0x2800  }
0x9a: {  	[sflag:s9] =	ssyncset.done $0x0  }
0x9b: {  	s0 =	rddreg [dreg:$0x18];
	[sflag:s9] =	ssyncadd.s32 $0xFFFFD800  }
0x9c: {  	[hbm4b:s0+s5] =	stream.linear.scatter [tilespmem:s8], [sflag:$0x2], $0x2800, $0x38;
	[tilespmem:$0x5380] =	vst v63  }
0x9d: {  	_ =	swait.ge [sflag:s13], $0x2800  }
0x9e: {  	[sflag:s13] =	ssyncset.done $0x0  }
0x9f: {  	[sflag:s13] =	ssyncadd.s32 $0xFFFFD800  }
0xa0: {  	[tilespmem:s10], [sflag:$0x1] =	stream.indirect.gather [hbm4b:s2+s7], $0x80, s16, s7, $0xb8;
	[tilespmem:$0x5380] =	vst v63  }
0xa1: {  	_ =	swait.ge [sflag:s9], $0x2800  }
0xa2: {  	[sflag:s9] =	ssyncset.done $0x0  }
0xa3: {  	s0 =	rddreg [dreg:$0x19];
	[sflag:s9] =	ssyncadd.s32 $0xFFFFD800  }
0xa4: {  	[hbm4b:s0+s5] =	stream.linear.scatter [tilespmem:s10], [sflag:$0x3], $0x2800, $0x38;
	[tilespmem:$0x5380] =	vst v63  }
0xa5: {  	_ =	swait.ge [sflag:s11], $0x2800  }
0xa6: {  	[sflag:s11] =	ssyncset.done $0x0  }
0xa7: {  	[sflag:s11] =	ssyncadd.s32 $0xFFFFD800  }
0xa8: {  	[tilespmem:s8], [sflag:$0x1] =	stream.indirect.gather [hbm4b:s2+s7], $0x80, s17, s7, $0xb8;
	[tilespmem:$0x5380] =	vst v63  }
0xa9: {  	_ =	swait.ge [sflag:s9], $0x2800  }
0xaa: {  	[sflag:s9] =	ssyncset.done $0x0  }
0xab: {  	s0 =	rddreg [dreg:$0x1a];
	[sflag:s9] =	ssyncadd.s32 $0xFFFFD800  }
0xac: {  	[hbm4b:s0+s5] =	stream.linear.scatter [tilespmem:s8], [sflag:$0x2], $0x2800, $0x38;
	[tilespmem:$0x5380] =	vst v63  }
0xad: {  	_ =	swait.ge [sflag:s13], $0x2800  }
0xae: {  	[sflag:s13] =	ssyncset.done $0x0  }
0xaf: {  	[sflag:s13] =	ssyncadd.s32 $0xFFFFD800  }
0xb0: {  	[tilespmem:s10], [sflag:$0x1] =	stream.indirect.gather [hbm4b:s2+s7], $0x80, s18, s7, $0xb8;
	[tilespmem:$0x5380] =	vst v63  }
0xb1: {  	_ =	swait.ge [sflag:s9], $0x2800  }
0xb2: {  	[sflag:s9] =	ssyncset.done $0x0  }
0xb3: {  	s0 =	rddreg [dreg:$0x1b];
	[sflag:s9] =	ssyncadd.s32 $0xFFFFD800  }
0xb4: {  	[hbm4b:s0+s5] =	stream.linear.scatter [tilespmem:s10], [sflag:$0x3], $0x2800, $0x38;
	[tilespmem:$0x5380] =	vst v63  }
0xb5: {  	_ =	swait.ge [sflag:s11], $0x2800  }
0xb6: {  	[sflag:s11] =	ssyncset.done $0x0  }
0xb7: {  	[sflag:s11] =	ssyncadd.s32 $0xFFFFD800  }
0xb8: {  	[tilespmem:s8], [sflag:$0x1] =	stream.indirect.gather [hbm4b:s2+s7], $0x80, s19, s7, $0xb8;
	[tilespmem:$0x5380] =	vst v63  }
0xb9: {  	_ =	swait.ge [sflag:s9], $0x2800  }
0xba: {  	[sflag:s9] =	ssyncset.done $0x0  }
0xbb: {  	s21 =	sadd.s32 s22, s30;
	[sflag:s9] =	ssyncadd.s32 $0xFFFFD800  }
0xbc: {  	[hbm4b:s21+s5] =	stream.linear.scatter [tilespmem:s8], [sflag:$0x2], $0x2800, $0x38;
	[tilespmem:$0x5380] =	vst v63  }
0xbd: {  	_ =	swait.ge [sflag:s13], $0x2800  }
0xbe: {  	[sflag:s13] =	ssyncset.done $0x0  }
0xbf: {  	[sflag:s13] =	ssyncadd.s32 $0xFFFFD800  }
0xc0: {  	[tilespmem:s10], [sflag:$0x1] =	stream.indirect.gather [hbm4b:s2+s7], $0x80, s20, s7, $0xb8;
	[tilespmem:$0x5380] =	vst v63  }
0xc1: {  	_ =	swait.ge [sflag:s9], $0x2800  }
0xc2: {  	[sflag:s9] =	ssyncset.done $0x0  }
0xc3: {  	s22 =	sadd.s32 s22, s3;
	[sflag:s9] =	ssyncadd.s32 $0xFFFFD800  }
0xc4: {  	[hbm4b:s22+s5] =	stream.linear.scatter [tilespmem:s10], [sflag:$0x3], $0x2800, $0x38;
	[tilespmem:$0x5380] =	vst v63  }
0xc5: {  	_ =	swait.ge [sflag:s11], $0x2800  }
0xc6: {  	[sflag:s11] =	ssyncset.done $0x0  }
0xc7: {  	[sflag:s11] =	ssyncadd.s32 $0xFFFFD800  }
0xc8: {  	_ =	swait.ge [sflag:s13], $0x2800  }
0xc9: {  	[sflag:s13] =	ssyncset.done $0x0  }
0xca: {  	s0 =	rddreg [dreg:$0xb];
	[sflag:s13] =	ssyncadd.s32 $0xFFFFD800  }
0xcb: {  	[tilespmem:s5], [sflag:$0x4] =	stream.linear.gather [hbm4b:s0+s5], $0x320, $0x38;
	[tilespmem:$0x5380] =	vst v63  }
0xcc: {  	_ =	swait.ge [sflag:s6], $0x320  }
0xcd: {  	[sflag:s6] =	ssyncset.done $0x0  }
0xce: {  	[sflag:s6] =	ssyncadd.s32 $0xFFFFFCE0  }
0xcf: {  	[tilespmem:s8], [sflag:$0x1] =	stream.indirect.gather [hbm4b:s4+s7], $0x80, s5, s7, $0xb8;
	[tilespmem:$0x5380] =	vst v63  }
0xd0: {  	_ =	swait.ge [sflag:s9], $0x2800  }
0xd1: {  	[sflag:s9] =	ssyncset.done $0x0  }
0xd2: {  	s0 =	rddreg [dreg:$0xc];
	[sflag:s9] =	ssyncadd.s32 $0xFFFFD800  }
0xd3: {  	[hbm4b:s0+s5] =	stream.linear.scatter [tilespmem:s8], [sflag:$0x2], $0x2800, $0x38;
	[tilespmem:$0x5380] =	vst v63  }
0xd4: {  	_ = 	snop  }
0xd5: {  	[tilespmem:s10], [sflag:$0x1] =	stream.indirect.gather [hbm4b:s4+s7], $0x80, s7, s7, $0xb8;
	[tilespmem:$0x5380] =	vst v63  }
0xd6: {  	_ =	swait.ge [sflag:s9], $0x2800  }
0xd7: {  	[sflag:s9] =	ssyncset.done $0x0  }
0xd8: {  	s0 =	rddreg [dreg:$0xd];
	[sflag:s9] =	ssyncadd.s32 $0xFFFFD800  }
0xd9: {  	[hbm4b:s0+s5] =	stream.linear.scatter [tilespmem:s10], [sflag:$0x3], $0x2800, $0x38;
	[tilespmem:$0x5380] =	vst v63  }
0xda: {  	_ =	swait.ge [sflag:s11], $0x2800  }
0xdb: {  	[sflag:s11] =	ssyncset.done $0x0  }
0xdc: {  	[sflag:s11] =	ssyncadd.s32 $0xFFFFD800  }
0xdd: {  	[tilespmem:s8], [sflag:$0x1] =	stream.indirect.gather [hbm4b:s4+s7], $0x80, s12, s7, $0xb8;
	[tilespmem:$0x5380] =	vst v63  }
0xde: {  	_ =	swait.ge [sflag:s9], $0x2800  }
0xdf: {  	[sflag:s9] =	ssyncset.done $0x0  }
0xe0: {  	s23 =	sadd.s32 s31, s23;
	[sflag:s9] =	ssyncadd.s32 $0xFFFFD800  }
0xe1: {  	[hbm4b:s23+s5] =	stream.linear.scatter [tilespmem:s8], [sflag:$0x2], $0x2800, $0x38;
	[tilespmem:$0x5380] =	vst v63  }
0xe2: {  	_ =	swait.ge [sflag:s13], $0x2800  }
0xe3: {  	[sflag:s13] =	ssyncset.done $0x0  }
0xe4: {  	[sflag:s13] =	ssyncadd.s32 $0xFFFFD800  }
0xe5: {  	[tilespmem:s10], [sflag:$0x1] =	stream.indirect.gather [hbm4b:s4+s7], $0x80, s14, s7, $0xb8;
	[tilespmem:$0x5380] =	vst v63  }
0xe6: {  	_ =	swait.ge [sflag:s9], $0x2800  }
0xe7: {  	[sflag:s9] =	ssyncset.done $0x0  }
0xe8: {  	s24 =	sadd.s32 s31, s24;
	[sflag:s9] =	ssyncadd.s32 $0xFFFFD800  }
0xe9: {  	[hbm4b:s24+s5] =	stream.linear.scatter [tilespmem:s10], [sflag:$0x3], $0x2800, $0x38;
	[tilespmem:$0x5380] =	vst v63  }
0xea: {  	_ =	swait.ge [sflag:s11], $0x2800  }
0xeb: {  	[sflag:s11] =	ssyncset.done $0x0  }
0xec: {  	[sflag:s11] =	ssyncadd.s32 $0xFFFFD800  }
0xed: {  	[tilespmem:s8], [sflag:$0x1] =	stream.indirect.gather [hbm4b:s4+s7], $0x80, s15, s7, $0xb8;
	[tilespmem:$0x5380] =	vst v63  }
0xee: {  	_ =	swait.ge [sflag:s9], $0x2800  }
0xef: {  	[sflag:s9] =	ssyncset.done $0x0  }
0xf0: {  	s25 =	sadd.s32 s31, s25;
	[sflag:s9] =	ssyncadd.s32 $0xFFFFD800  }
0xf1: {  	[hbm4b:s25+s5] =	stream.linear.scatter [tilespmem:s8], [sflag:$0x2], $0x2800, $0x38;
	[tilespmem:$0x5380] =	vst v63  }
0xf2: {  	_ =	swait.ge [sflag:s13], $0x2800  }
0xf3: {  	[sflag:s13] =	ssyncset.done $0x0  }
0xf4: {  	[sflag:s13] =	ssyncadd.s32 $0xFFFFD800  }
0xf5: {  	[tilespmem:s10], [sflag:$0x1] =	stream.indirect.gather [hbm4b:s4+s7], $0x80, s16, s7, $0xb8;
	[tilespmem:$0x5380] =	vst v63  }
0xf6: {  	_ =	swait.ge [sflag:s9], $0x2800  }
0xf7: {  	[sflag:s9] =	ssyncset.done $0x0  }
0xf8: {  	s26 =	sadd.s32 s31, s26;
	[sflag:s9] =	ssyncadd.s32 $0xFFFFD800  }
0xf9: {  	[hbm4b:s26+s5] =	stream.linear.scatter [tilespmem:s10], [sflag:$0x3], $0x2800, $0x38;
	[tilespmem:$0x5380] =	vst v63  }
0xfa: {  	_ =	swait.ge [sflag:s11], $0x2800  }
0xfb: {  	[sflag:s11] =	ssyncset.done $0x0  }
0xfc: {  	[sflag:s11] =	ssyncadd.s32 $0xFFFFD800  }
0xfd: {  	[tilespmem:s8], [sflag:$0x1] =	stream.indirect.gather [hbm4b:s4+s7], $0x80, s17, s7, $0xb8;
	[tilespmem:$0x5380] =	vst v63  }
0xfe: {  	_ =	swait.ge [sflag:s9], $0x2800  }
0xff: {  	[sflag:s9] =	ssyncset.done $0x0  }
0x100: {  	s28 =	sadd.s32 s31, s28;
	[sflag:s9] =	ssyncadd.s32 $0xFFFFD800  }
0x101: {  	[hbm4b:s28+s5] =	stream.linear.scatter [tilespmem:s8], [sflag:$0x2], $0x2800, $0x38;
	[tilespmem:$0x5380] =	vst v63  }
0x102: {  	_ =	swait.ge [sflag:s13], $0x2800  }
0x103: {  	[sflag:s13] =	ssyncset.done $0x0  }
0x104: {  	[sflag:s13] =	ssyncadd.s32 $0xFFFFD800  }
0x105: {  	[tilespmem:s10], [sflag:$0x1] =	stream.indirect.gather [hbm4b:s4+s7], $0x80, s18, s7, $0xb8;
	[tilespmem:$0x5380] =	vst v63  }
0x106: {  	_ =	swait.ge [sflag:s9], $0x2800  }
0x107: {  	[sflag:s9] =	ssyncset.done $0x0  }
0x108: {  	s29 =	sadd.s32 s31, s29;
	[sflag:s9] =	ssyncadd.s32 $0xFFFFD800  }
0x109: {  	[hbm4b:s29+s5] =	stream.linear.scatter [tilespmem:s10], [sflag:$0x3], $0x2800, $0x38;
	[tilespmem:$0x5380] =	vst v63  }
0x10a: {  	_ =	swait.ge [sflag:s11], $0x2800  }
0x10b: {  	[sflag:s11] =	ssyncset.done $0x0  }
0x10c: {  	[sflag:s11] =	ssyncadd.s32 $0xFFFFD800  }
0x10d: {  	[tilespmem:s8], [sflag:$0x1] =	stream.indirect.gather [hbm4b:s4+s7], $0x80, s19, s7, $0xb8;
	[tilespmem:$0x5380] =	vst v63  }
0x10e: {  	_ =	swait.ge [sflag:s9], $0x2800  }
0x10f: {  	[sflag:s9] =	ssyncset.done $0x0  }
0x110: {  	s30 =	sadd.s32 s31, s30;
	[sflag:s9] =	ssyncadd.s32 $0xFFFFD800  }
0x111: {  	[hbm4b:s30+s5] =	stream.linear.scatter [tilespmem:s8], [sflag:$0x2], $0x2800, $0x38;
	[tilespmem:$0x5380] =	vst v63  }
0x112: {  	_ =	swait.ge [sflag:s13], $0x2800  }
0x113: {  	[sflag:s13] =	ssyncset.done $0x0  }
0x114: {  	[sflag:s13] =	ssyncadd.s32 $0xFFFFD800  }
0x115: {  	[tilespmem:s10], [sflag:$0x1] =	stream.indirect.gather [hbm4b:s4+s7], $0x80, s20, s7, $0xb8;
	[tilespmem:$0x5380] =	vst v63  }
0x116: {  	_ =	swait.ge [sflag:s9], $0x2800  }
0x117: {  	s31 =	sadd.s32 s31, s3;
	[sflag:s9] =	ssyncset.done $0x0;
	s3 =	rddreg [dreg:$0x1c]  }
0x118: {  	s0 =	ssub.s32 $0x2, s3;
	[sflag:s9] =	ssyncadd.s32 $0xFFFFD800  }
0x119: {  	[hbm4b:s31+s5] =	stream.linear.scatter [tilespmem:s10], [sflag:$0x3], $0x2800, $0x38;
	[tilespmem:$0x5380] =	vst v63  }
0x11a: {  	s3 =	sshrl.u32 s0, $0x1  }
0x11b: {  	s0 =	ssub.s32 s0, s3  }
0x11c: {  	s0 =	smax.u32 s0, $0x1  }
0x11d: {  	p0 =	sne.s32 s0, $0x1  }
.Ltmp0:
0x11e: {  	_ =	swait.ge [sflag:s11], $0x2800;
	(pc) =	sbr.rel @!p0 .LBB2_2-.Ltmp0, $4  }
0x11f: {  	[sflag:s11] =	ssyncset.done $0x0  }
0x120: {  	[sflag:s11] =	ssyncadd.s32 $0xFFFFD800  }
0x121: {  	_ =	swait.ge [sflag:s13], $0x2800  }
0x122: {  	s3 =	sadd.s32 $0xFFFFFFFF, s0;
	[sflag:s13] =	ssyncset.done $0x0  }
.LBB2_1:
0x123: {  	s0 =	rddreg [dreg:$0x5];
	[sflag:s13] =	ssyncadd.s32 $0xFFFFD800  }
0x124: {  	[tilespmem:s5], [sflag:$0x4] =	stream.linear.gather [hbm4b:s0+s5], $0x320, $0x38;
	[tilespmem:$0x5380] =	vst v63  }
0x125: {  	_ =	swait.ge [sflag:s6], $0x320  }
0x126: {  	[sflag:s6] =	ssyncset.done $0x0  }
0x127: {  	[sflag:s6] =	ssyncadd.s32 $0xFFFFFCE0  }
0x128: {  	[tilespmem:s8], [sflag:$0x1] =	stream.indirect.gather [hbm4b:s1+s7], $0x80, s5, s7, $0xb8;
	[tilespmem:$0x5380] =	vst v63  }
0x129: {  	_ =	swait.ge [sflag:s9], $0x2800  }
0x12a: {  	[sflag:s9] =	ssyncset.done $0x0  }
0x12b: {  	s0 =	rddreg [dreg:$0x6];
	[sflag:s9] =	ssyncadd.s32 $0xFFFFD800  }
0x12c: {  	[hbm4b:s0+s5] =	stream.linear.scatter [tilespmem:s8], [sflag:$0x2], $0x2800, $0x38;
	[tilespmem:$0x5380] =	vst v63  }
0x12d: {  	_ = 	snop  }
0x12e: {  	[tilespmem:s10], [sflag:$0x1] =	stream.indirect.gather [hbm4b:s1+s7], $0x80, s7, s7, $0xb8;
	[tilespmem:$0x5380] =	vst v63  }
0x12f: {  	_ =	swait.ge [sflag:s9], $0x2800  }
0x130: {  	[sflag:s9] =	ssyncset.done $0x0  }
0x131: {  	s0 =	rddreg [dreg:$0x7];
	[sflag:s9] =	ssyncadd.s32 $0xFFFFD800  }
0x132: {  	[hbm4b:s0+s5] =	stream.linear.scatter [tilespmem:s10], [sflag:$0x3], $0x2800, $0x38;
	[tilespmem:$0x5380] =	vst v63  }
0x133: {  	_ =	swait.ge [sflag:s11], $0x2800  }
0x134: {  	[sflag:s11] =	ssyncset.done $0x0  }
0x135: {  	[sflag:s11] =	ssyncadd.s32 $0xFFFFD800  }
0x136: {  	[tilespmem:s8], [sflag:$0x1] =	stream.indirect.gather [hbm4b:s1+s7], $0x80, s12, s7, $0xb8;
	[tilespmem:$0x5380] =	vst v63  }
0x137: {  	_ =	swait.ge [sflag:s9], $0x2800  }
0x138: {  	[sflag:s9] =	ssyncset.done $0x0  }
0x139: {  	s0 =	rddreg [dreg:$0xe];
	[sflag:s9] =	ssyncadd.s32 $0xFFFFD800  }
0x13a: {  	[hbm4b:s0+s5] =	stream.linear.scatter [tilespmem:s8], [sflag:$0x2], $0x2800, $0x38;
	[tilespmem:$0x5380] =	vst v63  }
0x13b: {  	_ =	swait.ge [sflag:s13], $0x2800  }
0x13c: {  	[sflag:s13] =	ssyncset.done $0x0  }
0x13d: {  	[sflag:s13] =	ssyncadd.s32 $0xFFFFD800  }
0x13e: {  	[tilespmem:s10], [sflag:$0x1] =	stream.indirect.gather [hbm4b:s1+s7], $0x80, s14, s7, $0xb8;
	[tilespmem:$0x5380] =	vst v63  }
0x13f: {  	_ =	swait.ge [sflag:s9], $0x2800  }
0x140: {  	[sflag:s9] =	ssyncset.done $0x0  }
0x141: {  	s0 =	rddreg [dreg:$0xf];
	[sflag:s9] =	ssyncadd.s32 $0xFFFFD800  }
0x142: {  	[hbm4b:s0+s5] =	stream.linear.scatter [tilespmem:s10], [sflag:$0x3], $0x2800, $0x38;
	[tilespmem:$0x5380] =	vst v63  }
0x143: {  	_ =	swait.ge [sflag:s11], $0x2800  }
0x144: {  	[sflag:s11] =	ssyncset.done $0x0  }
0x145: {  	[sflag:s11] =	ssyncadd.s32 $0xFFFFD800  }
0x146: {  	[tilespmem:s8], [sflag:$0x1] =	stream.indirect.gather [hbm4b:s1+s7], $0x80, s15, s7, $0xb8;
	[tilespmem:$0x5380] =	vst v63  }
0x147: {  	_ =	swait.ge [sflag:s9], $0x2800  }
0x148: {  	[sflag:s9] =	ssyncset.done $0x0  }
0x149: {  	s0 =	rddreg [dreg:$0x10];
	[sflag:s9] =	ssyncadd.s32 $0xFFFFD800  }
0x14a: {  	[hbm4b:s0+s5] =	stream.linear.scatter [tilespmem:s8], [sflag:$0x2], $0x2800, $0x38;
	[tilespmem:$0x5380] =	vst v63  }
0x14b: {  	_ =	swait.ge [sflag:s13], $0x2800  }
0x14c: {  	[sflag:s13] =	ssyncset.done $0x0  }
0x14d: {  	[sflag:s13] =	ssyncadd.s32 $0xFFFFD800  }
0x14e: {  	[tilespmem:s10], [sflag:$0x1] =	stream.indirect.gather [hbm4b:s1+s7], $0x80, s16, s7, $0xb8;
	[tilespmem:$0x5380] =	vst v63  }
0x14f: {  	_ =	swait.ge [sflag:s9], $0x2800  }
0x150: {  	[sflag:s9] =	ssyncset.done $0x0  }
0x151: {  	s0 =	rddreg [dreg:$0x11];
	[sflag:s9] =	ssyncadd.s32 $0xFFFFD800  }
0x152: {  	[hbm4b:s0+s5] =	stream.linear.scatter [tilespmem:s10], [sflag:$0x3], $0x2800, $0x38;
	[tilespmem:$0x5380] =	vst v63  }
0x153: {  	_ =	swait.ge [sflag:s11], $0x2800  }
0x154: {  	[sflag:s11] =	ssyncset.done $0x0  }
0x155: {  	[sflag:s11] =	ssyncadd.s32 $0xFFFFD800  }
0x156: {  	[tilespmem:s8], [sflag:$0x1] =	stream.indirect.gather [hbm4b:s1+s7], $0x80, s17, s7, $0xb8;
	[tilespmem:$0x5380] =	vst v63  }
0x157: {  	_ =	swait.ge [sflag:s9], $0x2800  }
0x158: {  	[sflag:s9] =	ssyncset.done $0x0  }
0x159: {  	s0 =	rddreg [dreg:$0x12];
	[sflag:s9] =	ssyncadd.s32 $0xFFFFD800  }
0x15a: {  	[hbm4b:s0+s5] =	stream.linear.scatter [tilespmem:s8], [sflag:$0x2], $0x2800, $0x38;
	[tilespmem:$0x5380] =	vst v63  }
0x15b: {  	_ =	swait.ge [sflag:s13], $0x2800  }
0x15c: {  	[sflag:s13] =	ssyncset.done $0x0  }
0x15d: {  	[sflag:s13] =	ssyncadd.s32 $0xFFFFD800  }
0x15e: {  	[tilespmem:s10], [sflag:$0x1] =	stream.indirect.gather [hbm4b:s1+s7], $0x80, s18, s7, $0xb8;
	[tilespmem:$0x5380] =	vst v63  }
0x15f: {  	_ =	swait.ge [sflag:s9], $0x2800  }
0x160: {  	[sflag:s9] =	ssyncset.done $0x0  }
0x161: {  	s0 =	rddreg [dreg:$0x13];
	[sflag:s9] =	ssyncadd.s32 $0xFFFFD800  }
0x162: {  	[hbm4b:s0+s5] =	stream.linear.scatter [tilespmem:s10], [sflag:$0x3], $0x2800, $0x38;
	[tilespmem:$0x5380] =	vst v63  }
0x163: {  	_ =	swait.ge [sflag:s11], $0x2800  }
0x164: {  	[sflag:s11] =	ssyncset.done $0x0  }
0x165: {  	[sflag:s11] =	ssyncadd.s32 $0xFFFFD800  }
0x166: {  	[tilespmem:s8], [sflag:$0x1] =	stream.indirect.gather [hbm4b:s1+s7], $0x80, s19, s7, $0xb8;
	[tilespmem:$0x5380] =	vst v63  }
0x167: {  	_ =	swait.ge [sflag:s9], $0x2800  }
0x168: {  	[sflag:s9] =	ssyncset.done $0x0  }
0x169: {  	s0 =	rddreg [dreg:$0x14];
	[sflag:s9] =	ssyncadd.s32 $0xFFFFD800  }
0x16a: {  	[hbm4b:s0+s5] =	stream.linear.scatter [tilespmem:s8], [sflag:$0x2], $0x2800, $0x38;
	[tilespmem:$0x5380] =	vst v63  }
0x16b: {  	_ =	swait.ge [sflag:s13], $0x2800  }
0x16c: {  	[sflag:s13] =	ssyncset.done $0x0  }
0x16d: {  	[sflag:s13] =	ssyncadd.s32 $0xFFFFD800  }
0x16e: {  	[tilespmem:s10], [sflag:$0x1] =	stream.indirect.gather [hbm4b:s1+s7], $0x80, s20, s7, $0xb8;
	[tilespmem:$0x5380] =	vst v63  }
0x16f: {  	_ =	swait.ge [sflag:s9], $0x2800  }
0x170: {  	[sflag:s9] =	ssyncset.done $0x0  }
0x171: {  	s0 =	rddreg [dreg:$0x15];
	[sflag:s9] =	ssyncadd.s32 $0xFFFFD800  }
0x172: {  	[hbm4b:s0+s5] =	stream.linear.scatter [tilespmem:s10], [sflag:$0x3], $0x2800, $0x38;
	[tilespmem:$0x5380] =	vst v63  }
0x173: {  	_ =	swait.ge [sflag:s11], $0x2800  }
0x174: {  	[sflag:s11] =	ssyncset.done $0x0  }
0x175: {  	[sflag:s11] =	ssyncadd.s32 $0xFFFFD800  }
0x176: {  	_ =	swait.ge [sflag:s13], $0x2800  }
0x177: {  	[sflag:s13] =	ssyncset.done $0x0  }
0x178: {  	s0 =	rddreg [dreg:$0x8];
	[sflag:s13] =	ssyncadd.s32 $0xFFFFD800  }
0x179: {  	[tilespmem:s5], [sflag:$0x4] =	stream.linear.gather [hbm4b:s0+s5], $0x320, $0x38;
	[tilespmem:$0x5380] =	vst v63  }
0x17a: {  	_ =	swait.ge [sflag:s6], $0x320  }
0x17b: {  	[sflag:s6] =	ssyncset.done $0x0  }
0x17c: {  	[sflag:s6] =	ssyncadd.s32 $0xFFFFFCE0  }
0x17d: {  	[tilespmem:s8], [sflag:$0x1] =	stream.indirect.gather [hbm4b:s2+s7], $0x80, s5, s7, $0xb8;
	[tilespmem:$0x5380] =	vst v63  }
0x17e: {  	_ =	swait.ge [sflag:s9], $0x2800  }
0x17f: {  	[sflag:s9] =	ssyncset.done $0x0  }
0x180: {  	s0 =	rddreg [dreg:$0x9];
	[sflag:s9] =	ssyncadd.s32 $0xFFFFD800  }
0x181: {  	[hbm4b:s0+s5] =	stream.linear.scatter [tilespmem:s8], [sflag:$0x2], $0x2800, $0x38;
	[tilespmem:$0x5380] =	vst v63  }
0x182: {  	_ = 	snop  }
0x183: {  	[tilespmem:s10], [sflag:$0x1] =	stream.indirect.gather [hbm4b:s2+s7], $0x80, s7, s7, $0xb8;
	[tilespmem:$0x5380] =	vst v63  }
0x184: {  	_ =	swait.ge [sflag:s9], $0x2800  }
0x185: {  	[sflag:s9] =	ssyncset.done $0x0  }
0x186: {  	s0 =	rddreg [dreg:$0xa];
	[sflag:s9] =	ssyncadd.s32 $0xFFFFD800  }
0x187: {  	[hbm4b:s0+s5] =	stream.linear.scatter [tilespmem:s10], [sflag:$0x3], $0x2800, $0x38;
	[tilespmem:$0x5380] =	vst v63  }
0x188: {  	_ =	swait.ge [sflag:s11], $0x2800  }
0x189: {  	[sflag:s11] =	ssyncset.done $0x0  }
0x18a: {  	[sflag:s11] =	ssyncadd.s32 $0xFFFFD800  }
0x18b: {  	[tilespmem:s8], [sflag:$0x1] =	stream.indirect.gather [hbm4b:s2+s7], $0x80, s12, s7, $0xb8;
	[tilespmem:$0x5380] =	vst v63  }
0x18c: {  	_ =	swait.ge [sflag:s9], $0x2800  }
0x18d: {  	[sflag:s9] =	ssyncset.done $0x0  }
0x18e: {  	s0 =	rddreg [dreg:$0x16];
	[sflag:s9] =	ssyncadd.s32 $0xFFFFD800  }
0x18f: {  	[hbm4b:s0+s5] =	stream.linear.scatter [tilespmem:s8], [sflag:$0x2], $0x2800, $0x38;
	[tilespmem:$0x5380] =	vst v63  }
0x190: {  	_ =	swait.ge [sflag:s13], $0x2800  }
0x191: {  	[sflag:s13] =	ssyncset.done $0x0  }
0x192: {  	[sflag:s13] =	ssyncadd.s32 $0xFFFFD800  }
0x193: {  	[tilespmem:s10], [sflag:$0x1] =	stream.indirect.gather [hbm4b:s2+s7], $0x80, s14, s7, $0xb8;
	[tilespmem:$0x5380] =	vst v63  }
0x194: {  	_ =	swait.ge [sflag:s9], $0x2800  }
0x195: {  	[sflag:s9] =	ssyncset.done $0x0  }
0x196: {  	s0 =	rddreg [dreg:$0x17];
	[sflag:s9] =	ssyncadd.s32 $0xFFFFD800  }
0x197: {  	[hbm4b:s0+s5] =	stream.linear.scatter [tilespmem:s10], [sflag:$0x3], $0x2800, $0x38;
	[tilespmem:$0x5380] =	vst v63  }
0x198: {  	_ =	swait.ge [sflag:s11], $0x2800  }
0x199: {  	[sflag:s11] =	ssyncset.done $0x0  }
0x19a: {  	[sflag:s11] =	ssyncadd.s32 $0xFFFFD800  }
0x19b: {  	[tilespmem:s8], [sflag:$0x1] =	stream.indirect.gather [hbm4b:s2+s7], $0x80, s15, s7, $0xb8;
	[tilespmem:$0x5380] =	vst v63  }
0x19c: {  	_ =	swait.ge [sflag:s9], $0x2800  }
0x19d: {  	[sflag:s9] =	ssyncset.done $0x0  }
0x19e: {  	s0 =	rddreg [dreg:$0x18];
	[sflag:s9] =	ssyncadd.s32 $0xFFFFD800  }
0x19f: {  	[hbm4b:s0+s5] =	stream.linear.scatter [tilespmem:s8], [sflag:$0x2], $0x2800, $0x38;
	[tilespmem:$0x5380] =	vst v63  }
0x1a0: {  	_ =	swait.ge [sflag:s13], $0x2800  }
0x1a1: {  	[sflag:s13] =	ssyncset.done $0x0  }
0x1a2: {  	[sflag:s13] =	ssyncadd.s32 $0xFFFFD800  }
0x1a3: {  	[tilespmem:s10], [sflag:$0x1] =	stream.indirect.gather [hbm4b:s2+s7], $0x80, s16, s7, $0xb8;
	[tilespmem:$0x5380] =	vst v63  }
0x1a4: {  	_ =	swait.ge [sflag:s9], $0x2800  }
0x1a5: {  	[sflag:s9] =	ssyncset.done $0x0  }
0x1a6: {  	s0 =	rddreg [dreg:$0x19];
	[sflag:s9] =	ssyncadd.s32 $0xFFFFD800  }
0x1a7: {  	[hbm4b:s0+s5] =	stream.linear.scatter [tilespmem:s10], [sflag:$0x3], $0x2800, $0x38;
	[tilespmem:$0x5380] =	vst v63  }
0x1a8: {  	_ =	swait.ge [sflag:s11], $0x2800  }
0x1a9: {  	[sflag:s11] =	ssyncset.done $0x0  }
0x1aa: {  	[sflag:s11] =	ssyncadd.s32 $0xFFFFD800  }
0x1ab: {  	[tilespmem:s8], [sflag:$0x1] =	stream.indirect.gather [hbm4b:s2+s7], $0x80, s17, s7, $0xb8;
	[tilespmem:$0x5380] =	vst v63  }
0x1ac: {  	_ =	swait.ge [sflag:s9], $0x2800  }
0x1ad: {  	[sflag:s9] =	ssyncset.done $0x0  }
0x1ae: {  	s0 =	rddreg [dreg:$0x1a];
	[sflag:s9] =	ssyncadd.s32 $0xFFFFD800  }
0x1af: {  	[hbm4b:s0+s5] =	stream.linear.scatter [tilespmem:s8], [sflag:$0x2], $0x2800, $0x38;
	[tilespmem:$0x5380] =	vst v63  }
0x1b0: {  	_ =	swait.ge [sflag:s13], $0x2800  }
0x1b1: {  	[sflag:s13] =	ssyncset.done $0x0  }
0x1b2: {  	[sflag:s13] =	ssyncadd.s32 $0xFFFFD800  }
0x1b3: {  	[tilespmem:s10], [sflag:$0x1] =	stream.indirect.gather [hbm4b:s2+s7], $0x80, s18, s7, $0xb8;
	[tilespmem:$0x5380] =	vst v63  }
0x1b4: {  	_ =	swait.ge [sflag:s9], $0x2800  }
0x1b5: {  	[sflag:s9] =	ssyncset.done $0x0  }
0x1b6: {  	s0 =	rddreg [dreg:$0x1b];
	[sflag:s9] =	ssyncadd.s32 $0xFFFFD800  }
0x1b7: {  	[hbm4b:s0+s5] =	stream.linear.scatter [tilespmem:s10], [sflag:$0x3], $0x2800, $0x38;
	[tilespmem:$0x5380] =	vst v63  }
0x1b8: {  	_ =	swait.ge [sflag:s11], $0x2800  }
0x1b9: {  	[sflag:s11] =	ssyncset.done $0x0  }
0x1ba: {  	[sflag:s11] =	ssyncadd.s32 $0xFFFFD800  }
0x1bb: {  	[tilespmem:s8], [sflag:$0x1] =	stream.indirect.gather [hbm4b:s2+s7], $0x80, s19, s7, $0xb8;
	[tilespmem:$0x5380] =	vst v63  }
0x1bc: {  	_ =	swait.ge [sflag:s9], $0x2800  }
0x1bd: {  	[sflag:s9] =	ssyncset.done $0x0  }
0x1be: {  	[sflag:s9] =	ssyncadd.s32 $0xFFFFD800  }
0x1bf: {  	[hbm4b:s21+s5] =	stream.linear.scatter [tilespmem:s8], [sflag:$0x2], $0x2800, $0x38;
	[tilespmem:$0x5380] =	vst v63  }
0x1c0: {  	_ =	swait.ge [sflag:s13], $0x2800  }
0x1c1: {  	[sflag:s13] =	ssyncset.done $0x0  }
0x1c2: {  	[sflag:s13] =	ssyncadd.s32 $0xFFFFD800  }
0x1c3: {  	[tilespmem:s10], [sflag:$0x1] =	stream.indirect.gather [hbm4b:s2+s7], $0x80, s20, s7, $0xb8;
	[tilespmem:$0x5380] =	vst v63  }
0x1c4: {  	_ =	swait.ge [sflag:s9], $0x2800  }
0x1c5: {  	[sflag:s9] =	ssyncset.done $0x0  }
0x1c6: {  	[sflag:s9] =	ssyncadd.s32 $0xFFFFD800  }
0x1c7: {  	[hbm4b:s22+s5] =	stream.linear.scatter [tilespmem:s10], [sflag:$0x3], $0x2800, $0x38;
	[tilespmem:$0x5380] =	vst v63  }
0x1c8: {  	_ =	swait.ge [sflag:s11], $0x2800  }
0x1c9: {  	[sflag:s11] =	ssyncset.done $0x0  }
0x1ca: {  	[sflag:s11] =	ssyncadd.s32 $0xFFFFD800  }
0x1cb: {  	_ =	swait.ge [sflag:s13], $0x2800  }
0x1cc: {  	[sflag:s13] =	ssyncset.done $0x0  }
0x1cd: {  	s0 =	rddreg [dreg:$0xb];
	[sflag:s13] =	ssyncadd.s32 $0xFFFFD800  }
0x1ce: {  	[tilespmem:s5], [sflag:$0x4] =	stream.linear.gather [hbm4b:s0+s5], $0x320, $0x38;
	[tilespmem:$0x5380] =	vst v63  }
0x1cf: {  	_ =	swait.ge [sflag:s6], $0x320  }
0x1d0: {  	[sflag:s6] =	ssyncset.done $0x0  }
0x1d1: {  	[sflag:s6] =	ssyncadd.s32 $0xFFFFFCE0  }
0x1d2: {  	[tilespmem:s8], [sflag:$0x1] =	stream.indirect.gather [hbm4b:s4+s7], $0x80, s5, s7, $0xb8;
	[tilespmem:$0x5380] =	vst v63  }
0x1d3: {  	_ =	swait.ge [sflag:s9], $0x2800  }
0x1d4: {  	[sflag:s9] =	ssyncset.done $0x0  }
0x1d5: {  	s0 =	rddreg [dreg:$0xc];
	[sflag:s9] =	ssyncadd.s32 $0xFFFFD800  }
0x1d6: {  	[hbm4b:s0+s5] =	stream.linear.scatter [tilespmem:s8], [sflag:$0x2], $0x2800, $0x38;
	[tilespmem:$0x5380] =	vst v63  }
0x1d7: {  	_ = 	snop  }
0x1d8: {  	[tilespmem:s10], [sflag:$0x1] =	stream.indirect.gather [hbm4b:s4+s7], $0x80, s7, s7, $0xb8;
	[tilespmem:$0x5380] =	vst v63  }
0x1d9: {  	_ =	swait.ge [sflag:s9], $0x2800  }
0x1da: {  	[sflag:s9] =	ssyncset.done $0x0  }
0x1db: {  	s0 =	rddreg [dreg:$0xd];
	[sflag:s9] =	ssyncadd.s32 $0xFFFFD800  }
0x1dc: {  	[hbm4b:s0+s5] =	stream.linear.scatter [tilespmem:s10], [sflag:$0x3], $0x2800, $0x38;
	[tilespmem:$0x5380] =	vst v63  }
0x1dd: {  	_ =	swait.ge [sflag:s11], $0x2800  }
0x1de: {  	[sflag:s11] =	ssyncset.done $0x0  }
0x1df: {  	[sflag:s11] =	ssyncadd.s32 $0xFFFFD800  }
0x1e0: {  	[tilespmem:s8], [sflag:$0x1] =	stream.indirect.gather [hbm4b:s4+s7], $0x80, s12, s7, $0xb8;
	[tilespmem:$0x5380] =	vst v63  }
0x1e1: {  	_ =	swait.ge [sflag:s9], $0x2800  }
0x1e2: {  	[sflag:s9] =	ssyncset.done $0x0  }
0x1e3: {  	[sflag:s9] =	ssyncadd.s32 $0xFFFFD800  }
0x1e4: {  	[hbm4b:s23+s5] =	stream.linear.scatter [tilespmem:s8], [sflag:$0x2], $0x2800, $0x38;
	[tilespmem:$0x5380] =	vst v63  }
0x1e5: {  	_ =	swait.ge [sflag:s13], $0x2800  }
0x1e6: {  	[sflag:s13] =	ssyncset.done $0x0  }
0x1e7: {  	[sflag:s13] =	ssyncadd.s32 $0xFFFFD800  }
0x1e8: {  	[tilespmem:s10], [sflag:$0x1] =	stream.indirect.gather [hbm4b:s4+s7], $0x80, s14, s7, $0xb8;
	[tilespmem:$0x5380] =	vst v63  }
0x1e9: {  	_ =	swait.ge [sflag:s9], $0x2800  }
0x1ea: {  	[sflag:s9] =	ssyncset.done $0x0  }
0x1eb: {  	[sflag:s9] =	ssyncadd.s32 $0xFFFFD800  }
0x1ec: {  	[hbm4b:s24+s5] =	stream.linear.scatter [tilespmem:s10], [sflag:$0x3], $0x2800, $0x38;
	[tilespmem:$0x5380] =	vst v63  }
0x1ed: {  	_ =	swait.ge [sflag:s11], $0x2800  }
0x1ee: {  	[sflag:s11] =	ssyncset.done $0x0  }
0x1ef: {  	[sflag:s11] =	ssyncadd.s32 $0xFFFFD800  }
0x1f0: {  	[tilespmem:s8], [sflag:$0x1] =	stream.indirect.gather [hbm4b:s4+s7], $0x80, s15, s7, $0xb8;
	[tilespmem:$0x5380] =	vst v63  }
0x1f1: {  	_ =	swait.ge [sflag:s9], $0x2800  }
0x1f2: {  	[sflag:s9] =	ssyncset.done $0x0  }
0x1f3: {  	[sflag:s9] =	ssyncadd.s32 $0xFFFFD800  }
0x1f4: {  	[hbm4b:s25+s5] =	stream.linear.scatter [tilespmem:s8], [sflag:$0x2], $0x2800, $0x38;
	[tilespmem:$0x5380] =	vst v63  }
0x1f5: {  	_ =	swait.ge [sflag:s13], $0x2800  }
0x1f6: {  	[sflag:s13] =	ssyncset.done $0x0  }
0x1f7: {  	[sflag:s13] =	ssyncadd.s32 $0xFFFFD800  }
0x1f8: {  	[tilespmem:s10], [sflag:$0x1] =	stream.indirect.gather [hbm4b:s4+s7], $0x80, s16, s7, $0xb8;
	[tilespmem:$0x5380] =	vst v63  }
0x1f9: {  	_ =	swait.ge [sflag:s9], $0x2800  }
0x1fa: {  	[sflag:s9] =	ssyncset.done $0x0  }
0x1fb: {  	[sflag:s9] =	ssyncadd.s32 $0xFFFFD800  }
0x1fc: {  	[hbm4b:s26+s5] =	stream.linear.scatter [tilespmem:s10], [sflag:$0x3], $0x2800, $0x38;
	[tilespmem:$0x5380] =	vst v63  }
0x1fd: {  	_ =	swait.ge [sflag:s11], $0x2800  }
0x1fe: {  	[sflag:s11] =	ssyncset.done $0x0  }
0x1ff: {  	[sflag:s11] =	ssyncadd.s32 $0xFFFFD800  }
0x200: {  	[tilespmem:s8], [sflag:$0x1] =	stream.indirect.gather [hbm4b:s4+s7], $0x80, s17, s7, $0xb8;
	[tilespmem:$0x5380] =	vst v63  }
0x201: {  	_ =	swait.ge [sflag:s9], $0x2800  }
0x202: {  	[sflag:s9] =	ssyncset.done $0x0  }
0x203: {  	[sflag:s9] =	ssyncadd.s32 $0xFFFFD800  }
0x204: {  	[hbm4b:s28+s5] =	stream.linear.scatter [tilespmem:s8], [sflag:$0x2], $0x2800, $0x38;
	[tilespmem:$0x5380] =	vst v63  }
0x205: {  	_ =	swait.ge [sflag:s13], $0x2800  }
0x206: {  	[sflag:s13] =	ssyncset.done $0x0  }
0x207: {  	[sflag:s13] =	ssyncadd.s32 $0xFFFFD800  }
0x208: {  	[tilespmem:s10], [sflag:$0x1] =	stream.indirect.gather [hbm4b:s4+s7], $0x80, s18, s7, $0xb8;
	[tilespmem:$0x5380] =	vst v63  }
0x209: {  	_ =	swait.ge [sflag:s9], $0x2800  }
0x20a: {  	[sflag:s9] =	ssyncset.done $0x0  }
0x20b: {  	[sflag:s9] =	ssyncadd.s32 $0xFFFFD800  }
0x20c: {  	[hbm4b:s29+s5] =	stream.linear.scatter [tilespmem:s10], [sflag:$0x3], $0x2800, $0x38;
	[tilespmem:$0x5380] =	vst v63  }
0x20d: {  	_ =	swait.ge [sflag:s11], $0x2800  }
0x20e: {  	[sflag:s11] =	ssyncset.done $0x0  }
0x20f: {  	[sflag:s11] =	ssyncadd.s32 $0xFFFFD800  }
0x210: {  	[tilespmem:s8], [sflag:$0x1] =	stream.indirect.gather [hbm4b:s4+s7], $0x80, s19, s7, $0xb8;
	[tilespmem:$0x5380] =	vst v63  }
0x211: {  	_ =	swait.ge [sflag:s9], $0x2800  }
0x212: {  	[sflag:s9] =	ssyncset.done $0x0  }
0x213: {  	[sflag:s9] =	ssyncadd.s32 $0xFFFFD800  }
0x214: {  	[hbm4b:s30+s5] =	stream.linear.scatter [tilespmem:s8], [sflag:$0x2], $0x2800, $0x38;
	[tilespmem:$0x5380] =	vst v63  }
0x215: {  	_ =	swait.ge [sflag:s13], $0x2800  }
0x216: {  	[sflag:s13] =	ssyncset.done $0x0  }
0x217: {  	[sflag:s13] =	ssyncadd.s32 $0xFFFFD800  }
0x218: {  	[tilespmem:s10], [sflag:$0x1] =	stream.indirect.gather [hbm4b:s4+s7], $0x80, s20, s7, $0xb8;
	[tilespmem:$0x5380] =	vst v63  }
0x219: {  	_ =	swait.ge [sflag:s9], $0x2800  }
0x21a: {  	[sflag:s9] =	ssyncset.done $0x0  }
0x21b: {  	p0 =	sne.s32 s3, $0x1;
	[sflag:s9] =	ssyncadd.s32 $0xFFFFD800  }
0x21c: {  	[hbm4b:s31+s5] =	stream.linear.scatter [tilespmem:s10], [sflag:$0x3], $0x2800, $0x38;
	[tilespmem:$0x5380] =	vst v63  }
.Ltmp1:
0x21d: {  	_ =	swait.ge [sflag:s11], $0x2800;
	(pc) =	sbr.rel @p0 .LBB2_1-.Ltmp1, $4  }
0x21e: {  	[sflag:s11] =	ssyncset.done $0x0  }
0x21f: {  	[sflag:s11] =	ssyncadd.s32 $0xFFFFD800  }
0x220: {  	_ =	swait.ge [sflag:s13], $0x2800  }
0x221: {  	s3 =	sadd.s32 $0xFFFFFFFF, s3;
	[sflag:s13] =	ssyncset.done $0x0  }
.LBB2_2:
0x222: {  	[sflag:s13] =	ssyncadd.s32 $0xFFFFD800  }
0x223: {  	_ =	sfence.sel $0x180000  }
0x224: {  	[bflag:$0x0] =	sbarrier.arrive $0xFFFF  }
0x225: {  	_ =	strace $0x9000004A  }
0x226: {  	s0 =	stileid.u32;
	[bflag:$0x2] =	sbarrier.arrive $0xFFFF  }
0x227: {  	p0 =	sne.s32 s0, $0x0;
	s0 =	rddreg [dreg:$0x4]  }
0x228: {  	s0 =	sadd.s32 @!p0 $0x100000, s0  }
0x229: {  	[sflag:s0] =	ssyncadd.tile.s32 @!p0 $0x1;
	_ =	shalt  }
.Lfunc_end2:
_tile_overlayer_lowered:
.L_overlay_start_2:
0x22a: {  	(tag) =	ssettag $0x2  }
0x22b: {  	s0 =	rddreg [dreg:$0x0];
	s2 =	stileid.u32  }
0x22c: {  	s1 =	rddreg [dreg:$0x1];
	p0 =	sne.s32 s2, $0x0  }
0x22d: {  	s3 =	rddreg [dreg:$0x2];
	[bflag:$0x3] =	sbarrier.arrive $0xFFFF;
	s2 =	simm.s32 @!p0 $0x1C04  }
0x22e: {  	[timem:s3], [sflag:s2] =	dma.local @!p0 [hbm:s0], s1  }
0x22f: {  	s0 =	simm.s32 @!p0 $0x4  }
0x230: {  	_ =	swait.ge @!p0 [sflag:s0], s1  }
0x231: {  	s1 =	ssub.s32 @!p0 $0x0, s1;
	[sflag:s0] =	ssyncset.done @!p0 $0x0  }
0x232: {  	[sflag:s0] =	ssyncadd.s32 @!p0 s1  }
0x233: {  	[bflag:$0x3] =	sbarrier.arrive $0xFFFF  }
0x234: {  	_ =	shalt  }

// kernel: kernel.7.cloned.1.call-start
scs
__scs_entry_jumppad:
0x0: {  	(pc) =	sbr.rel $0x88, $3  }
0x1: {  	(tag) =	ssettag $0x0;
	lr =	simm.s32 $0x1  }
0x2: {  	[smem:$0x3F8F] =	sst lr;
	_ =	strace $0xD0000000  }
0x3: {  	_ = 	snop  }
0x4: {  	_ = 	snop  }
0x5: {  	_ = 	snop  }
0x6: {  	_ = 	snop  }
0x7: {  	_ = 	snop  }
__scs_overlays_trampoline_lowered:
0x8: {  	[smem:$0x3F9E] =	sst s0  }
0x9: {  	[smem:$0x3F9F] =	sst s1  }
0xa: {  	[smem:$0x3FA0] =	sst s2  }
0xb: {  	[smem:$0x3FA1] =	sst s3  }
0xc: {  	[smem:$0x3FA2] =	sst s4  }
0xd: {  	[smem:$0x3FA3] =	sst s5  }
0xe: {  	[smem:$0x3FA4] =	sst s6  }
0xf: {  	[smem:$0x3FA5] =	sst s7  }
0x10: {  	[smem:$0x3FA6] =	sst s8  }
0x11: {  	[smem:$0x3FA7] =	sst s9;
	s0 =	simm.s32 @!p0 $0x0  }
0x12: {  	s1 =	sld [smem:$0x3F8D];
	s0 =	simm.s32 @p0 $0x1  }
0x13: {  	[smem:$0x3FA8] =	sst s0;
	s0 =	simm.s32 @!p1 $0x0  }
0x14: {  	s2 =	sld [smem:$0x3F8C];
	s0 =	simm.s32 @p1 $0x1  }
0x15: {  	[smem:$0x3FA9] =	sst s0;
	s0 =	simm.s32 @!p2 $0x0  }
0x16: {  	s3 =	sld [smem:$0x3FDB];
	s0 =	simm.s32 @p2 $0x1  }
0x17: {  	s4 =	simm.s32 $0x1BF5;
	[smem:$0x3FAB] =	sst s0  }
0x18: {  	s0 =	sld [smem:$0x3F8E];
	_ =	swait.ge [sflag:s4], $0x0  }
0x19: {  	s7 =	sld [smem:$0x3F8F]  }
0x1a: {  	s8 =	sadd.s32 $0xFFFFE003, lr  }
0x1b: {  	s9 =	sadd.s32 $0xFFFFFEF7, lr;
	s5 =	simm.s32 $0xFFFFFFFF;
	p2 =	slt.u32 s8, $0xFFFFF086  }
0x1c: {  	p1 =	slt.u32 s9, $0xF7A;
	s5 =	simm.s32 @!p2 $0x0  }
0x1d: {  	s5 =	simm.s32 @p1 $0x1;
	p0 =	seq.s32 s7, s2  }
0x1e: {  	s7 =	smul.u32 @!p0 $0xF7A, s2;
	p2 =	seq.s32 @!p0 s5, $0x0  }
0x1f: {  	s9 =	smul.u32 $0xF7A, s1;
	s8 =	simm.s32 @!p0 $0x1BF5;
	p2 =	por !p2, p0  }
0x20: {  	[sflag:s8] =	ssyncset.s32 @!p0 $0xFFFFF086;
	s6 =	sadd.s32 @!p0 s3, s7;
	s7 =	simm.s32 @!p0 $0x108  }
0x21: {  	s3 =	sadd.s32 s3, s9;
	s6 =	sadd.s32 @!p0 $0x88, s6;
	s7 =	simm.s32 @p2 $0x1082  }
0x22: {  	[simem:s7], [sflag:s8] =	dma.local @!p0 [hbm:s6], $0xF7A  }
0x23: {  	s9 =	sor.u32 $0xD0000000, s2;
	s6 =	simm.s32 $0x108;
	_ =	swait.ge @!p0 [sflag:s8], $0x0  }
0x24: {  	s3 =	sadd.s32 $0x88, s3;
	s6 =	simm.s32 @!p1 $0x1082;
	[sflag:s4] =	ssyncset.s32 $0xFFFFF086  }
0x25: {  	[simem:s6], [sflag:s4] =	dma.local [hbm:s3], $0xF7A  }
0x26: {  	[smem:$0x3F8F] =	sst s1;
	(tag) =	ssettag s2;
	_ =	strace s9  }
0x27: {  	s1 =	sld [smem:$0x3F9F]  }
0x28: {  	s2 =	sld [smem:$0x3FA0]  }
0x29: {  	s4 =	sld [smem:$0x3FA2]  }
0x2a: {  	p0 =	seq.s32 s5, $0x0;
	s5 =	sld [smem:$0x3FA3]  }
0x2b: {  	s6 =	sld [smem:$0x3FA4]  }
0x2c: {  	s7 =	sld [smem:$0x3FA5]  }
0x2d: {  	s3 =	simm.s32 $0x108;
	s8 =	sld [smem:$0x3FA6]  }
0x2e: {  	s3 =	simm.s32 @!p0 $0x1082;
	s9 =	sld [smem:$0x3FA7]  }
0x2f: {  	lr =	sadd.s32 s0, s3;
	s0 =	sld [smem:$0x3F9E]  }
0x30: {  	s3 =	sld [smem:$0x3FA1]  }
0x31: {  	[smem:$0x3FAA] =	sst s10  }
0x32: {  	s10 =	sld [smem:$0x3FA8];
	_ =	sdelay $0x3  }
0x33: {  	p0 =	seq.s32 s10, $0x1;
	s10 =	sld [smem:$0x3FAA];
	_ =	sdelay $0x3  }
0x34: {  	[smem:$0x3FAA] =	sst s10  }
0x35: {  	s10 =	sld [smem:$0x3FA9];
	_ =	sdelay $0x3  }
0x36: {  	p1 =	seq.s32 s10, $0x1;
	s10 =	sld [smem:$0x3FAA];
	_ =	sdelay $0x3  }
0x37: {  	[smem:$0x3FAA] =	sst s10  }
0x38: {  	s10 =	sld [smem:$0x3FAB]  }
0x39: {  	_ = 	snop;
	(pc) =	sbr.ind lr, $3  }
0x3a: {  	_ = 	snop  }
0x3b: {  	_ = 	snop  }
0x3c: {  	p2 =	seq.s32 s10, $0x1;
	s10 =	sld [smem:$0x3FAA]  }
0x3d: {  	_ =	shalt  }
0x3e: {  	_ =	shalt  }
0x3f: {  	_ =	shalt  }
0x40: {  	_ =	shalt  }
0x41: {  	_ =	shalt  }
0x42: {  	_ =	shalt  }
0x43: {  	_ =	shalt  }
0x44: {  	_ =	shalt  }
0x45: {  	_ =	shalt  }
0x46: {  	_ =	shalt  }
0x47: {  	_ =	shalt  }
0x48: {  	_ =	shalt  }
0x49: {  	_ =	shalt  }
0x4a: {  	_ =	shalt  }
0x4b: {  	_ =	shalt  }
0x4c: {  	_ =	shalt  }
0x4d: {  	_ =	shalt  }
0x4e: {  	_ =	shalt  }
0x4f: {  	_ =	shalt  }
0x50: {  	_ =	shalt  }
0x51: {  	_ =	shalt  }
0x52: {  	_ =	shalt  }
0x53: {  	_ =	shalt  }
0x54: {  	_ =	shalt  }
0x55: {  	_ =	shalt  }
0x56: {  	_ =	shalt  }
0x57: {  	_ =	shalt  }
0x58: {  	_ =	shalt  }
0x59: {  	_ =	shalt  }
0x5a: {  	_ =	shalt  }
0x5b: {  	_ =	shalt  }
0x5c: {  	_ =	shalt  }
0x5d: {  	_ =	shalt  }
0x5e: {  	_ =	shalt  }
0x5f: {  	_ =	shalt  }
0x60: {  	_ =	shalt  }
0x61: {  	_ =	shalt  }
0x62: {  	_ =	shalt  }
0x63: {  	_ =	shalt  }
0x64: {  	_ =	shalt  }
0x65: {  	_ =	shalt  }
0x66: {  	_ =	shalt  }
0x67: {  	_ =	shalt  }
0x68: {  	_ =	shalt  }
0x69: {  	_ =	shalt  }
0x6a: {  	_ =	shalt  }
0x6b: {  	_ =	shalt  }
0x6c: {  	_ =	shalt  }
0x6d: {  	_ =	shalt  }
0x6e: {  	_ =	shalt  }
0x6f: {  	_ =	shalt  }
0x70: {  	_ =	shalt  }
0x71: {  	_ =	shalt  }
0x72: {  	_ =	shalt  }
0x73: {  	_ =	shalt  }
0x74: {  	_ =	shalt  }
0x75: {  	_ =	shalt  }
0x76: {  	_ =	shalt  }
0x77: {  	_ =	shalt  }
0x78: {  	_ =	shalt  }
0x79: {  	_ =	shalt  }
0x7a: {  	_ =	shalt  }
0x7b: {  	_ =	shalt  }
0x7c: {  	_ =	shalt  }
0x7d: {  	_ =	shalt  }
0x7e: {  	_ =	shalt  }
0x7f: {  	_ =	shalt  }
0x80: {  	_ =	shalt  }
0x81: {  	_ =	shalt  }
0x82: {  	_ =	shalt  }
0x83: {  	_ =	shalt  }
0x84: {  	_ =	shalt  }
0x85: {  	_ =	shalt  }
0x86: {  	_ =	shalt  }
0x87: {  	_ =	shalt  }
.Lfunc_end0:
.L_simem_size_0:
called_computation_lowered:
.L_overlay_start_0:
0x88: {  	s2 =	sld [smem:$0x3FD9]  }
0x89: {  	s3 =	sld [smem:$0x3FFE];
	_ =	sdelay $0x1  }
0x8a: {  	s1 =	srdreg.scid  }
0x8b: {  	s0 =	sand.u32 $0x1, s1  }
0x8c: {  	s17 =	sshll.u32 s0, $0xA;
	s2 =	sadd.s32 s3, s2  }
0x8d: {  	s2 =	sadd.s32 s2, s17  }
0x8e: {  	[smem:$0x3FB6] =	sst s2  }
0x8f: {  	_ = 	snop  }
0x90: {  	s2 =	sld [smem:$0x3FC4]  }
0x91: {  	s18 =	sld [smem:$0x3FC3]  }
0x92: {  	s4 =	sld [smem:$0x3FC2];
	(tm) =	ssettm $0x1  }
0x93: {  	s5 =	sld [smem:$0x3FFB];
	_ =	sdelay $0x3  }
0x94: {  	_ =	strace s5  }
0x95: {  	s5 =	sld [smem:$0x3FFC];
	_ =	sdelay $0x3  }
0x96: {  	_ =	strace s5  }
0x97: {  	s5 =	sld [smem:$0x3FFD];
	_ =	sdelay $0x3  }
0x98: {  	_ =	strace s5  }
0x99: {  	_ =	strace $0x8FFFFFFF  }
0x9a: {  	s19 =	sld [smem:$0x3FDB];
	_ =	sdelay $0x1  }
0x9b: {  	s6 =	simm.s32 $_scs_section_size  }
0x9c: {  	s7 =	simm.s32 $_size__tile_overlayer_lowered;
	s8 =	simm.s32 $_tile_overlayer_lowered  }
0x9d: {  	s22 =	simm.s32 $0x1BFF;
	s21 =	sshll.u32 s8, $0x1;
	s5 =	sadd.s32 s6, s19  }
0x9e: {  	s9 =	simm.s32 $0x0;
	s20 =	sshll.u32 s7, $0x1;
	s7 =	sadd.s32 s21, s5  }
0x9f: {  	[timem:s9], [sflag:s22] =	dma.local [hbm:s7], s20  }
0xa0: {  	_ =	swait.ge [sflag:s22], s20  }
0xa1: {  	s6 =	ssub.s32 $0x0, s20;
	[sflag:s22] =	ssyncset.done $0x0  }
0xa2: {  	[sflag:s22] =	ssyncadd.s32 s6;
	_ =	sdelay $0x1  }
0xa3: {  	s23 =	simm.s32 $0x1B8B  }
0xa4: {  	_ =	swait.ge [sflag:s23], $0x1  }
0xa5: {  	[sflag:s23] =	ssyncset.done $0x0  }
0xa6: {  	s25 =	simm.s32 $0x1B8E;
	s24 =	sld [smem:$0x3FFE];
	[sflag:s23] =	ssyncadd.s32 $0xFFFFFFFF  }
0xa7: {  	s26 =	simm.s32 $execute0_lowered;
	[smem:$0x3FD2] =	sst s25  }
0xa8: {  	s7 =	sshll.u32 s26, $0x1;
	_ =	strace $0x80000046;
	[dreg:$0x1] =	wrdreg $0xFFFFFFFF  }
0xa9: {  	s28 =	simm.s32 $_size_execute0_lowered;
	s5 =	sadd.s32 s5, s7;
	[dreg:$0x0] =	wrdreg $0x0  }
0xaa: {  	s7 =	sshll.u32 s28, $0x1;
	[dreg:$0x2] =	wrdreg s5  }
0xab: {  	[dreg:$0x3] =	wrdreg s7  }
0xac: {  	[dreg:$0x4] =	wrdreg $0xC0  }
0xad: {  	_ =	task [dreg:s9], $0x5FFFF  }
0xae: {  	[dreg:$0x1] =	wrdreg $0xFFFFFFFF  }
0xaf: {  	[dreg:$0x0] =	wrdreg $0x60  }
0xb0: {  	[dreg:$0x2] =	wrdreg s2  }
0xb1: {  	[dreg:$0x3] =	wrdreg s18  }
0xb2: {  	[dreg:$0x4] =	wrdreg s4  }
0xb3: {  	[dreg:$0x5] =	wrdreg s24  }
0xb4: {  	[dreg:$0x6] =	wrdreg $0x9  }
0xb5: {  	_ =	task.clear_ibuf [dreg:s9], $0x7FFFF;
	_ =	strace $0x90000046  }
0xb6: {  	s29 =	simm.s32 $0x9;
	_ =	strace $0x80000048  }
0xb7: {  	_ =	swait.ge [sflag:s29], $0x1  }
0xb8: {  	[sflag:s29] =	ssyncadd.s32 $0xFFFFFFFF  }
0xb9: {  	_ =	strace $0x90000048  }
0xba: {  	_ =	sfence  }
0xbb: {  	s30 =	sld [smem:$0x0];
	_ =	sdelay $0x2  }
0xbc: {  	s31 =	sshll.u32 s1, $0xD;
	s1 =	sshrl.u32 s1, $0x2  }
0xbd: {  	s3 =	sand.u32 $0x4000, s31;
	s1 =	sadd.s32 s1, s30  }
0xbe: {  	s0 =	sor.u32 s3, s0;
	s1 =	sshll.u32 s1, $0x11  }
0xbf: {  	s0 =	sor.u32 s1, s0  }
0xc0: {  	s0 =	sadd.s32 $0x8F2B, s0  }
0xc1: {  	[sflag:s0] =	ssyncadd.remote.s32 $0x1  }
0xc2: {  	_ =	sfence.sel $0xFFFF  }
0xc3: {  	[dreg:$0x0] =	wrdreg $0xFFFFFFFF;
	(pc) =	sbr.abs _section_cstart, $3  }
0xc4: {  	[dreg:$0x1] =	wrdreg $0xFFFFFFFF  }
0xc5: {  	_ =	task.clear_ibuf [dreg:s9], $0x2FFFF;
	_ =	strace $0x9FFFFFFF  }
0xc6: {  	(tm) =	ssettm $0x7FFFFFFF  }
0xc7: {  	_ =	shalt  }
tec
execute0_lowered:
.L_overlay_start_1:
0x0: {  	(tag) =	ssettag $0x1  }
0x1: {  	s0 =	srdreg.scid;
	s3 =	stileid.u32  }
0x2: {  	s5 =	sand.u32 $0x1, s0;
	s16 =	sshll.u32 s3, $0x1  }
0x3: {  	s1 =	rddreg [dreg:$0x0];
	s0 =	sor.u32 s5, s16  }
0x4: {  	s2 =	rddreg [dreg:$0x1];
	s7 =	smul.u32 $0x64, s0  }
0x5: {  	s6 =	rddreg [dreg:$0x3];
	s8 =	smul.u32 $0x19000, s0  }
0x6: {  	s4 =	rddreg [dreg:$0x2];
	s9 =	sadd.s32 $0x6200, s6;
	s0 =	smul.u32 $0x3200, s0  }
0x7: {  	s22 =	sadd.s32 $0x6A200, s6;
	[dreg:$0x1c] =	wrdreg s5;
	s5 =	simm.s32 $0x0  }
0x8: {  	s31 =	sadd.s32 $0xCE200, s6;
	[smem:$0x7FF] =	sst s5;
	s17 =	sadd.s32 s9, s0  }
0x9: {  	_ =	strace $0x80000047;
	s20 =	sadd.s32 s22, s0;
	[dreg:$0x6] =	wrdreg s17  }
0xa: {  	s7 =	sadd.s32 s7, s6;
	s24 =	sadd.s32 s31, s0;
	[dreg:$0x9] =	wrdreg s20  }
0xb: {  	s10 =	sadd.s32 $0x3800, s7;
	[dreg:$0xc] =	wrdreg s24  }
0xc: {  	s19 =	sadd.s32 $0x4600, s7;
	[dreg:$0x5] =	wrdreg s10  }
0xd: {  	s29 =	sadd.s32 $0x2300, s0;
	s23 =	sadd.s32 $0x5400, s7;
	[dreg:$0x8] =	wrdreg s19  }
0xe: {  	s30 =	sadd.s32 $0x2800, s0;
	s11 =	sadd.s32 s9, s29;
	[dreg:$0xb] =	wrdreg s23  }
0xf: {  	s8 =	sshrl.u32 s8, $0x3;
	s12 =	sadd.s32 s9, s30;
	[dreg:$0x13] =	wrdreg s11  }
0x10: {  	s8 =	sadd.s32 $0x500, s8;
	s20 =	sadd.s32 s22, s29;
	[dreg:$0x14] =	wrdreg s12  }
0x11: {  	s18 =	sadd.s32 s9, s8;
	[dreg:$0x1b] =	wrdreg s20  }
0x12: {  	s21 =	sadd.s32 s22, s8;
	[dreg:$0x7] =	wrdreg s18  }
0x13: {  	s24 =	sadd.s32 $0xF00, s0;
	s25 =	sadd.s32 s31, s8;
	[dreg:$0xa] =	wrdreg s21  }
0x14: {  	s28 =	sadd.s32 $0x1E00, s0;
	s3 =	sadd.s32 s9, s24;
	[dreg:$0xd] =	wrdreg s25  }
0x15: {  	s10 =	sadd.s32 s9, s28;
	[dreg:$0xf] =	wrdreg s3  }
0x16: {  	s15 =	sadd.s32 s22, s24;
	[dreg:$0x12] =	wrdreg s10  }
0x17: {  	s23 =	sadd.s32 $0xA00, s0;
	[dreg:$0x17] =	wrdreg s15  }
0x18: {  	s26 =	sadd.s32 s9, s23;
	s19 =	rddreg [dreg:$0x5]  }
0x19: {  	s14 =	sadd.s32 s22, s23;
	[dreg:$0xe] =	wrdreg s26  }
0x1a: {  	s25 =	sadd.s32 $0x1400, s0;
	s18 =	sadd.s32 s22, s28;
	[dreg:$0x16] =	wrdreg s14  }
0x1b: {  	s3 =	sadd.s32 $0x2D00, s0;
	s7 =	sadd.s32 s9, s25;
	[dreg:$0x1a] =	wrdreg s18  }
0x1c: {  	[tilespmem:s5], [sflag:$0x4] =	stream.linear.gather [hbm4b:s19+s5], $0x320, $0x38;
	[tilespmem:$0x5380] =	vst v63  }
0x1d: {  	s13 =	sadd.s32 s9, s3;
	[dreg:$0x10] =	wrdreg s7  }
0x1e: {  	s26 =	sadd.s32 $0x1900, s0;
	s16 =	sadd.s32 s22, s25;
	[dreg:$0x15] =	wrdreg s13  }
0x1f: {  	s8 =	sadd.s32 s9, s26;
	[dreg:$0x18] =	wrdreg s16  }
0x20: {  	s17 =	sadd.s32 s22, s26;
	[dreg:$0x11] =	wrdreg s8  }
0x21: {  	s6 =	simm.s32 $0x4;
	[dreg:$0x19] =	wrdreg s17  }
0x22: {  	_ =	swait.ge [sflag:s6], $0x320  }
0x23: {  	s7 =	simm.s32 $0x50;
	[sflag:s6] =	ssyncset.done $0x0  }
0x24: {  	s9 =	simm.s32 $0x1;
	s8 =	simm.s32 $0x380;
	[sflag:s6] =	ssyncadd.s32 $0xFFFFFCE0  }
0x25: {  	[tilespmem:s8], [sflag:$0x1] =	stream.indirect.gather [hbm4b:s1+s7], $0x80, s5, s7, $0xb8;
	[tilespmem:$0x5380] =	vst v63  }
0x26: {  	_ =	swait.ge [sflag:s9], $0x2800  }
0x27: {  	[sflag:s9] =	ssyncset.done $0x0  }
0x28: {  	s21 =	rddreg [dreg:$0x6];
	[sflag:s9] =	ssyncadd.s32 $0xFFFFD800  }
0x29: {  	[hbm4b:s21+s5] =	stream.linear.scatter [tilespmem:s8], [sflag:$0x2], $0x2800, $0x38;
	[tilespmem:$0x5380] =	vst v63  }
0x2a: {  	s10 =	simm.s32 $0x2B80  }
0x2b: {  	[tilespmem:s10], [sflag:$0x1] =	stream.indirect.gather [hbm4b:s1+s7], $0x80, s7, s7, $0xb8;
	[tilespmem:$0x5380] =	vst v63  }
0x2c: {  	_ =	swait.ge [sflag:s9], $0x2800  }
0x2d: {  	[sflag:s9] =	ssyncset.done $0x0  }
0x2e: {  	s11 =	simm.s32 $0x2;
	s12 =	rddreg [dreg:$0x7];
	[sflag:s9] =	ssyncadd.s32 $0xFFFFD800  }
0x2f: {  	[hbm4b:s12+s5] =	stream.linear.scatter [tilespmem:s10], [sflag:$0x3], $0x2800, $0x38;
	[tilespmem:$0x5380] =	vst v63  }
0x30: {  	_ =	swait.ge [sflag:s11], $0x2800  }
0x31: {  	[sflag:s11] =	ssyncset.done $0x0  }
0x32: {  	s12 =	simm.s32 $0xA0;
	[sflag:s11] =	ssyncadd.s32 $0xFFFFD800  }
0x33: {  	[tilespmem:s8], [sflag:$0x1] =	stream.indirect.gather [hbm4b:s1+s7], $0x80, s12, s7, $0xb8;
	[tilespmem:$0x5380] =	vst v63  }
0x34: {  	_ =	swait.ge [sflag:s9], $0x2800  }
0x35: {  	[sflag:s9] =	ssyncset.done $0x0  }
0x36: {  	s13 =	simm.s32 $0x3;
	s14 =	rddreg [dreg:$0xe];
	[sflag:s9] =	ssyncadd.s32 $0xFFFFD800  }
0x37: {  	[hbm4b:s14+s5] =	stream.linear.scatter [tilespmem:s8], [sflag:$0x2], $0x2800, $0x38;
	[tilespmem:$0x5380] =	vst v63  }
0x38: {  	_ =	swait.ge [sflag:s13], $0x2800  }
0x39: {  	[sflag:s13] =	ssyncset.done $0x0  }
0x3a: {  	s14 =	simm.s32 $0xF0;
	[sflag:s13] =	ssyncadd.s32 $0xFFFFD800  }
0x3b: {  	[tilespmem:s10], [sflag:$0x1] =	stream.indirect.gather [hbm4b:s1+s7], $0x80, s14, s7, $0xb8;
	[tilespmem:$0x5380] =	vst v63  }
0x3c: {  	_ =	swait.ge [sflag:s9], $0x2800  }
0x3d: {  	[sflag:s9] =	ssyncset.done $0x0  }
0x3e: {  	s15 =	rddreg [dreg:$0xf];
	[sflag:s9] =	ssyncadd.s32 $0xFFFFD800  }
0x3f: {  	[hbm4b:s15+s5] =	stream.linear.scatter [tilespmem:s10], [sflag:$0x3], $0x2800, $0x38;
	[tilespmem:$0x5380] =	vst v63  }
0x40: {  	_ =	swait.ge [sflag:s11], $0x2800  }
0x41: {  	[sflag:s11] =	ssyncset.done $0x0  }
0x42: {  	s15 =	simm.s32 $0x140;
	[sflag:s11] =	ssyncadd.s32 $0xFFFFD800  }
0x43: {  	[tilespmem:s8], [sflag:$0x1] =	stream.indirect.gather [hbm4b:s1+s7], $0x80, s15, s7, $0xb8;
	[tilespmem:$0x5380] =	vst v63  }
0x44: {  	_ =	swait.ge [sflag:s9], $0x2800  }
0x45: {  	[sflag:s9] =	ssyncset.done $0x0  }
0x46: {  	s16 =	rddreg [dreg:$0x10];
	[sflag:s9] =	ssyncadd.s32 $0xFFFFD800  }
0x47: {  	[hbm4b:s16+s5] =	stream.linear.scatter [tilespmem:s8], [sflag:$0x2], $0x2800, $0x38;
	[tilespmem:$0x5380] =	vst v63  }
0x48: {  	_ =	swait.ge [sflag:s13], $0x2800  }
0x49: {  	[sflag:s13] =	ssyncset.done $0x0  }
0x4a: {  	s16 =	simm.s32 $0x190;
	[sflag:s13] =	ssyncadd.s32 $0xFFFFD800  }
0x4b: {  	[tilespmem:s10], [sflag:$0x1] =	stream.indirect.gather [hbm4b:s1+s7], $0x80, s16, s7, $0xb8;
	[tilespmem:$0x5380] =	vst v63  }
0x4c: {  	_ =	swait.ge [sflag:s9], $0x2800  }
0x4d: {  	[sflag:s9] =	ssyncset.done $0x0  }
0x4e: {  	s17 =	rddreg [dreg:$0x11];
	[sflag:s9] =	ssyncadd.s32 $0xFFFFD800  }
0x4f: {  	[hbm4b:s17+s5] =	stream.linear.scatter [tilespmem:s10], [sflag:$0x3], $0x2800, $0x38;
	[tilespmem:$0x5380] =	vst v63  }
0x50: {  	_ =	swait.ge [sflag:s11], $0x2800  }
0x51: {  	[sflag:s11] =	ssyncset.done $0x0  }
0x52: {  	s17 =	simm.s32 $0x1E0;
	[sflag:s11] =	ssyncadd.s32 $0xFFFFD800  }
0x53: {  	[tilespmem:s8], [sflag:$0x1] =	stream.indirect.gather [hbm4b:s1+s7], $0x80, s17, s7, $0xb8;
	[tilespmem:$0x5380] =	vst v63  }
0x54: {  	_ =	swait.ge [sflag:s9], $0x2800  }
0x55: {  	[sflag:s9] =	ssyncset.done $0x0  }
0x56: {  	s18 =	rddreg [dreg:$0x12];
	[sflag:s9] =	ssyncadd.s32 $0xFFFFD800  }
0x57: {  	[hbm4b:s18+s5] =	stream.linear.scatter [tilespmem:s8], [sflag:$0x2], $0x2800, $0x38;
	[tilespmem:$0x5380] =	vst v63  }
0x58: {  	_ =	swait.ge [sflag:s13], $0x2800  }
0x59: {  	[sflag:s13] =	ssyncset.done $0x0  }
0x5a: {  	s18 =	simm.s32 $0x230;
	[sflag:s13] =	ssyncadd.s32 $0xFFFFD800  }
0x5b: {  	[tilespmem:s10], [sflag:$0x1] =	stream.indirect.gather [hbm4b:s1+s7], $0x80, s18, s7, $0xb8;
	[tilespmem:$0x5380] =	vst v63  }
0x5c: {  	_ =	swait.ge [sflag:s9], $0x2800  }
0x5d: {  	[sflag:s9] =	ssyncset.done $0x0  }
0x5e: {  	s19 =	rddreg [dreg:$0x13];
	[sflag:s9] =	ssyncadd.s32 $0xFFFFD800  }
0x5f: {  	[hbm4b:s19+s5] =	stream.linear.scatter [tilespmem:s10], [sflag:$0x3], $0x2800, $0x38;
	[tilespmem:$0x5380] =	vst v63  }
0x60: {  	_ =	swait.ge [sflag:s11], $0x2800  }
0x61: {  	[sflag:s11] =	ssyncset.done $0x0  }
0x62: {  	s19 =	simm.s32 $0x280;
	[sflag:s11] =	ssyncadd.s32 $0xFFFFD800  }
0x63: {  	[tilespmem:s8], [sflag:$0x1] =	stream.indirect.gather [hbm4b:s1+s7], $0x80, s19, s7, $0xb8;
	[tilespmem:$0x5380] =	vst v63  }
0x64: {  	_ =	swait.ge [sflag:s9], $0x2800  }
0x65: {  	[sflag:s9] =	ssyncset.done $0x0  }
0x66: {  	s20 =	rddreg [dreg:$0x14];
	[sflag:s9] =	ssyncadd.s32 $0xFFFFD800  }
0x67: {  	[hbm4b:s20+s5] =	stream.linear.scatter [tilespmem:s8], [sflag:$0x2], $0x2800, $0x38;
	[tilespmem:$0x5380] =	vst v63  }
0x68: {  	_ =	swait.ge [sflag:s13], $0x2800  }
0x69: {  	[sflag:s13] =	ssyncset.done $0x0  }
0x6a: {  	s20 =	simm.s32 $0x2D0;
	[sflag:s13] =	ssyncadd.s32 $0xFFFFD800  }
0x6b: {  	[tilespmem:s10], [sflag:$0x1] =	stream.indirect.gather [hbm4b:s1+s7], $0x80, s20, s7, $0xb8;
	[tilespmem:$0x5380] =	vst v63  }
0x6c: {  	_ =	swait.ge [sflag:s9], $0x2800  }
0x6d: {  	[sflag:s9] =	ssyncset.done $0x0  }
0x6e: {  	s21 =	rddreg [dreg:$0x15];
	[sflag:s9] =	ssyncadd.s32 $0xFFFFD800  }
0x6f: {  	[hbm4b:s21+s5] =	stream.linear.scatter [tilespmem:s10], [sflag:$0x3], $0x2800, $0x38;
	[tilespmem:$0x5380] =	vst v63  }
0x70: {  	_ =	swait.ge [sflag:s11], $0x2800  }
0x71: {  	[sflag:s11] =	ssyncset.done $0x0  }
0x72: {  	[sflag:s11] =	ssyncadd.s32 $0xFFFFD800  }
0x73: {  	_ =	swait.ge [sflag:s13], $0x2800  }
0x74: {  	[sflag:s13] =	ssyncset.done $0x0  }
0x75: {  	s0 =	rddreg [dreg:$0x8];
	[sflag:s13] =	ssyncadd.s32 $0xFFFFD800  }
0x76: {  	[tilespmem:s5], [sflag:$0x4] =	stream.linear.gather [hbm4b:s0+s5], $0x320, $0x38;
	[tilespmem:$0x5380] =	vst v63  }
0x77: {  	_ =	swait.ge [sflag:s6], $0x320  }
0x78: {  	[sflag:s6] =	ssyncset.done $0x0  }
0x79: {  	[sflag:s6] =	ssyncadd.s32 $0xFFFFFCE0  }
0x7a: {  	[tilespmem:s8], [sflag:$0x1] =	stream.indirect.gather [hbm4b:s2+s7], $0x80, s5, s7, $0xb8;
	[tilespmem:$0x5380] =	vst v63  }
0x7b: {  	_ =	swait.ge [sflag:s9], $0x2800  }
0x7c: {  	[sflag:s9] =	ssyncset.done $0x0  }
0x7d: {  	s0 =	rddreg [dreg:$0x9];
	[sflag:s9] =	ssyncadd.s32 $0xFFFFD800  }
0x7e: {  	[hbm4b:s0+s5] =	stream.linear.scatter [tilespmem:s8], [sflag:$0x2], $0x2800, $0x38;
	[tilespmem:$0x5380] =	vst v63  }
0x7f: {  	_ = 	snop  }
0x80: {  	[tilespmem:s10], [sflag:$0x1] =	stream.indirect.gather [hbm4b:s2+s7], $0x80, s7, s7, $0xb8;
	[tilespmem:$0x5380] =	vst v63  }
0x81: {  	_ =	swait.ge [sflag:s9], $0x2800  }
0x82: {  	[sflag:s9] =	ssyncset.done $0x0  }
0x83: {  	s0 =	rddreg [dreg:$0xa];
	[sflag:s9] =	ssyncadd.s32 $0xFFFFD800  }
0x84: {  	[hbm4b:s0+s5] =	stream.linear.scatter [tilespmem:s10], [sflag:$0x3], $0x2800, $0x38;
	[tilespmem:$0x5380] =	vst v63  }
0x85: {  	_ =	swait.ge [sflag:s11], $0x2800  }
0x86: {  	[sflag:s11] =	ssyncset.done $0x0  }
0x87: {  	[sflag:s11] =	ssyncadd.s32 $0xFFFFD800  }
0x88: {  	[tilespmem:s8], [sflag:$0x1] =	stream.indirect.gather [hbm4b:s2+s7], $0x80, s12, s7, $0xb8;
	[tilespmem:$0x5380] =	vst v63  }
0x89: {  	_ =	swait.ge [sflag:s9], $0x2800  }
0x8a: {  	[sflag:s9] =	ssyncset.done $0x0  }
0x8b: {  	s0 =	rddreg [dreg:$0x16];
	[sflag:s9] =	ssyncadd.s32 $0xFFFFD800  }
0x8c: {  	[hbm4b:s0+s5] =	stream.linear.scatter [tilespmem:s8], [sflag:$0x2], $0x2800, $0x38;
	[tilespmem:$0x5380] =	vst v63  }
0x8d: {  	_ =	swait.ge [sflag:s13], $0x2800  }
0x8e: {  	[sflag:s13] =	ssyncset.done $0x0  }
0x8f: {  	[sflag:s13] =	ssyncadd.s32 $0xFFFFD800  }
0x90: {  	[tilespmem:s10], [sflag:$0x1] =	stream.indirect.gather [hbm4b:s2+s7], $0x80, s14, s7, $0xb8;
	[tilespmem:$0x5380] =	vst v63  }
0x91: {  	_ =	swait.ge [sflag:s9], $0x2800  }
0x92: {  	[sflag:s9] =	ssyncset.done $0x0  }
0x93: {  	s0 =	rddreg [dreg:$0x17];
	[sflag:s9] =	ssyncadd.s32 $0xFFFFD800  }
0x94: {  	[hbm4b:s0+s5] =	stream.linear.scatter [tilespmem:s10], [sflag:$0x3], $0x2800, $0x38;
	[tilespmem:$0x5380] =	vst v63  }
0x95: {  	_ =	swait.ge [sflag:s11], $0x2800  }
0x96: {  	[sflag:s11] =	ssyncset.done $0x0  }
0x97: {  	[sflag:s11] =	ssyncadd.s32 $0xFFFFD800  }
0x98: {  	[tilespmem:s8], [sflag:$0x1] =	stream.indirect.gather [hbm4b:s2+s7], $0x80, s15, s7, $0xb8;
	[tilespmem:$0x5380] =	vst v63  }
0x99: {  	_ =	swait.ge [sflag:s9], $0x2800  }
0x9a: {  	[sflag:s9] =	ssyncset.done $0x0  }
0x9b: {  	s0 =	rddreg [dreg:$0x18];
	[sflag:s9] =	ssyncadd.s32 $0xFFFFD800  }
0x9c: {  	[hbm4b:s0+s5] =	stream.linear.scatter [tilespmem:s8], [sflag:$0x2], $0x2800, $0x38;
	[tilespmem:$0x5380] =	vst v63  }
0x9d: {  	_ =	swait.ge [sflag:s13], $0x2800  }
0x9e: {  	[sflag:s13] =	ssyncset.done $0x0  }
0x9f: {  	[sflag:s13] =	ssyncadd.s32 $0xFFFFD800  }
0xa0: {  	[tilespmem:s10], [sflag:$0x1] =	stream.indirect.gather [hbm4b:s2+s7], $0x80, s16, s7, $0xb8;
	[tilespmem:$0x5380] =	vst v63  }
0xa1: {  	_ =	swait.ge [sflag:s9], $0x2800  }
0xa2: {  	[sflag:s9] =	ssyncset.done $0x0  }
0xa3: {  	s0 =	rddreg [dreg:$0x19];
	[sflag:s9] =	ssyncadd.s32 $0xFFFFD800  }
0xa4: {  	[hbm4b:s0+s5] =	stream.linear.scatter [tilespmem:s10], [sflag:$0x3], $0x2800, $0x38;
	[tilespmem:$0x5380] =	vst v63  }
0xa5: {  	_ =	swait.ge [sflag:s11], $0x2800  }
0xa6: {  	[sflag:s11] =	ssyncset.done $0x0  }
0xa7: {  	[sflag:s11] =	ssyncadd.s32 $0xFFFFD800  }
0xa8: {  	[tilespmem:s8], [sflag:$0x1] =	stream.indirect.gather [hbm4b:s2+s7], $0x80, s17, s7, $0xb8;
	[tilespmem:$0x5380] =	vst v63  }
0xa9: {  	_ =	swait.ge [sflag:s9], $0x2800  }
0xaa: {  	[sflag:s9] =	ssyncset.done $0x0  }
0xab: {  	s0 =	rddreg [dreg:$0x1a];
	[sflag:s9] =	ssyncadd.s32 $0xFFFFD800  }
0xac: {  	[hbm4b:s0+s5] =	stream.linear.scatter [tilespmem:s8], [sflag:$0x2], $0x2800, $0x38;
	[tilespmem:$0x5380] =	vst v63  }
0xad: {  	_ =	swait.ge [sflag:s13], $0x2800  }
0xae: {  	[sflag:s13] =	ssyncset.done $0x0  }
0xaf: {  	[sflag:s13] =	ssyncadd.s32 $0xFFFFD800  }
0xb0: {  	[tilespmem:s10], [sflag:$0x1] =	stream.indirect.gather [hbm4b:s2+s7], $0x80, s18, s7, $0xb8;
	[tilespmem:$0x5380] =	vst v63  }
0xb1: {  	_ =	swait.ge [sflag:s9], $0x2800  }
0xb2: {  	[sflag:s9] =	ssyncset.done $0x0  }
0xb3: {  	s0 =	rddreg [dreg:$0x1b];
	[sflag:s9] =	ssyncadd.s32 $0xFFFFD800  }
0xb4: {  	[hbm4b:s0+s5] =	stream.linear.scatter [tilespmem:s10], [sflag:$0x3], $0x2800, $0x38;
	[tilespmem:$0x5380] =	vst v63  }
0xb5: {  	_ =	swait.ge [sflag:s11], $0x2800  }
0xb6: {  	[sflag:s11] =	ssyncset.done $0x0  }
0xb7: {  	[sflag:s11] =	ssyncadd.s32 $0xFFFFD800  }
0xb8: {  	[tilespmem:s8], [sflag:$0x1] =	stream.indirect.gather [hbm4b:s2+s7], $0x80, s19, s7, $0xb8;
	[tilespmem:$0x5380] =	vst v63  }
0xb9: {  	_ =	swait.ge [sflag:s9], $0x2800  }
0xba: {  	[sflag:s9] =	ssyncset.done $0x0  }
0xbb: {  	s21 =	sadd.s32 s22, s30;
	[sflag:s9] =	ssyncadd.s32 $0xFFFFD800  }
0xbc: {  	[hbm4b:s21+s5] =	stream.linear.scatter [tilespmem:s8], [sflag:$0x2], $0x2800, $0x38;
	[tilespmem:$0x5380] =	vst v63  }
0xbd: {  	_ =	swait.ge [sflag:s13], $0x2800  }
0xbe: {  	[sflag:s13] =	ssyncset.done $0x0  }
0xbf: {  	[sflag:s13] =	ssyncadd.s32 $0xFFFFD800  }
0xc0: {  	[tilespmem:s10], [sflag:$0x1] =	stream.indirect.gather [hbm4b:s2+s7], $0x80, s20, s7, $0xb8;
	[tilespmem:$0x5380] =	vst v63  }
0xc1: {  	_ =	swait.ge [sflag:s9], $0x2800  }
0xc2: {  	[sflag:s9] =	ssyncset.done $0x0  }
0xc3: {  	s22 =	sadd.s32 s22, s3;
	[sflag:s9] =	ssyncadd.s32 $0xFFFFD800  }
0xc4: {  	[hbm4b:s22+s5] =	stream.linear.scatter [tilespmem:s10], [sflag:$0x3], $0x2800, $0x38;
	[tilespmem:$0x5380] =	vst v63  }
0xc5: {  	_ =	swait.ge [sflag:s11], $0x2800  }
0xc6: {  	[sflag:s11] =	ssyncset.done $0x0  }
0xc7: {  	[sflag:s11] =	ssyncadd.s32 $0xFFFFD800  }
0xc8: {  	_ =	swait.ge [sflag:s13], $0x2800  }
0xc9: {  	[sflag:s13] =	ssyncset.done $0x0  }
0xca: {  	s0 =	rddreg [dreg:$0xb];
	[sflag:s13] =	ssyncadd.s32 $0xFFFFD800  }
0xcb: {  	[tilespmem:s5], [sflag:$0x4] =	stream.linear.gather [hbm4b:s0+s5], $0x320, $0x38;
	[tilespmem:$0x5380] =	vst v63  }
0xcc: {  	_ =	swait.ge [sflag:s6], $0x320  }
0xcd: {  	[sflag:s6] =	ssyncset.done $0x0  }
0xce: {  	[sflag:s6] =	ssyncadd.s32 $0xFFFFFCE0  }
0xcf: {  	[tilespmem:s8], [sflag:$0x1] =	stream.indirect.gather [hbm4b:s4+s7], $0x80, s5, s7, $0xb8;
	[tilespmem:$0x5380] =	vst v63  }
0xd0: {  	_ =	swait.ge [sflag:s9], $0x2800  }
0xd1: {  	[sflag:s9] =	ssyncset.done $0x0  }
0xd2: {  	s0 =	rddreg [dreg:$0xc];
	[sflag:s9] =	ssyncadd.s32 $0xFFFFD800  }
0xd3: {  	[hbm4b:s0+s5] =	stream.linear.scatter [tilespmem:s8], [sflag:$0x2], $0x2800, $0x38;
	[tilespmem:$0x5380] =	vst v63  }
0xd4: {  	_ = 	snop  }
0xd5: {  	[tilespmem:s10], [sflag:$0x1] =	stream.indirect.gather [hbm4b:s4+s7], $0x80, s7, s7, $0xb8;
	[tilespmem:$0x5380] =	vst v63  }
0xd6: {  	_ =	swait.ge [sflag:s9], $0x2800  }
0xd7: {  	[sflag:s9] =	ssyncset.done $0x0  }
0xd8: {  	s0 =	rddreg [dreg:$0xd];
	[sflag:s9] =	ssyncadd.s32 $0xFFFFD800  }
0xd9: {  	[hbm4b:s0+s5] =	stream.linear.scatter [tilespmem:s10], [sflag:$0x3], $0x2800, $0x38;
	[tilespmem:$0x5380] =	vst v63  }
0xda: {  	_ =	swait.ge [sflag:s11], $0x2800  }
0xdb: {  	[sflag:s11] =	ssyncset.done $0x0  }
0xdc: {  	[sflag:s11] =	ssyncadd.s32 $0xFFFFD800  }
0xdd: {  	[tilespmem:s8], [sflag:$0x1] =	stream.indirect.gather [hbm4b:s4+s7], $0x80, s12, s7, $0xb8;
	[tilespmem:$0x5380] =	vst v63  }
0xde: {  	_ =	swait.ge [sflag:s9], $0x2800  }
0xdf: {  	[sflag:s9] =	ssyncset.done $0x0  }
0xe0: {  	s23 =	sadd.s32 s31, s23;
	[sflag:s9] =	ssyncadd.s32 $0xFFFFD800  }
0xe1: {  	[hbm4b:s23+s5] =	stream.linear.scatter [tilespmem:s8], [sflag:$0x2], $0x2800, $0x38;
	[tilespmem:$0x5380] =	vst v63  }
0xe2: {  	_ =	swait.ge [sflag:s13], $0x2800  }
0xe3: {  	[sflag:s13] =	ssyncset.done $0x0  }
0xe4: {  	[sflag:s13] =	ssyncadd.s32 $0xFFFFD800  }
0xe5: {  	[tilespmem:s10], [sflag:$0x1] =	stream.indirect.gather [hbm4b:s4+s7], $0x80, s14, s7, $0xb8;
	[tilespmem:$0x5380] =	vst v63  }
0xe6: {  	_ =	swait.ge [sflag:s9], $0x2800  }
0xe7: {  	[sflag:s9] =	ssyncset.done $0x0  }
0xe8: {  	s24 =	sadd.s32 s31, s24;
	[sflag:s9] =	ssyncadd.s32 $0xFFFFD800  }
0xe9: {  	[hbm4b:s24+s5] =	stream.linear.scatter [tilespmem:s10], [sflag:$0x3], $0x2800, $0x38;
	[tilespmem:$0x5380] =	vst v63  }
0xea: {  	_ =	swait.ge [sflag:s11], $0x2800  }
0xeb: {  	[sflag:s11] =	ssyncset.done $0x0  }
0xec: {  	[sflag:s11] =	ssyncadd.s32 $0xFFFFD800  }
0xed: {  	[tilespmem:s8], [sflag:$0x1] =	stream.indirect.gather [hbm4b:s4+s7], $0x80, s15, s7, $0xb8;
	[tilespmem:$0x5380] =	vst v63  }
0xee: {  	_ =	swait.ge [sflag:s9], $0x2800  }
0xef: {  	[sflag:s9] =	ssyncset.done $0x0  }
0xf0: {  	s25 =	sadd.s32 s31, s25;
	[sflag:s9] =	ssyncadd.s32 $0xFFFFD800  }
0xf1: {  	[hbm4b:s25+s5] =	stream.linear.scatter [tilespmem:s8], [sflag:$0x2], $0x2800, $0x38;
	[tilespmem:$0x5380] =	vst v63  }
0xf2: {  	_ =	swait.ge [sflag:s13], $0x2800  }
0xf3: {  	[sflag:s13] =	ssyncset.done $0x0  }
0xf4: {  	[sflag:s13] =	ssyncadd.s32 $0xFFFFD800  }
0xf5: {  	[tilespmem:s10], [sflag:$0x1] =	stream.indirect.gather [hbm4b:s4+s7], $0x80, s16, s7, $0xb8;
	[tilespmem:$0x5380] =	vst v63  }
0xf6: {  	_ =	swait.ge [sflag:s9], $0x2800  }
0xf7: {  	[sflag:s9] =	ssyncset.done $0x0  }
0xf8: {  	s26 =	sadd.s32 s31, s26;
	[sflag:s9] =	ssyncadd.s32 $0xFFFFD800  }
0xf9: {  	[hbm4b:s26+s5] =	stream.linear.scatter [tilespmem:s10], [sflag:$0x3], $0x2800, $0x38;
	[tilespmem:$0x5380] =	vst v63  }
0xfa: {  	_ =	swait.ge [sflag:s11], $0x2800  }
0xfb: {  	[sflag:s11] =	ssyncset.done $0x0  }
0xfc: {  	[sflag:s11] =	ssyncadd.s32 $0xFFFFD800  }
0xfd: {  	[tilespmem:s8], [sflag:$0x1] =	stream.indirect.gather [hbm4b:s4+s7], $0x80, s17, s7, $0xb8;
	[tilespmem:$0x5380] =	vst v63  }
0xfe: {  	_ =	swait.ge [sflag:s9], $0x2800  }
0xff: {  	[sflag:s9] =	ssyncset.done $0x0  }
0x100: {  	s28 =	sadd.s32 s31, s28;
	[sflag:s9] =	ssyncadd.s32 $0xFFFFD800  }
0x101: {  	[hbm4b:s28+s5] =	stream.linear.scatter [tilespmem:s8], [sflag:$0x2], $0x2800, $0x38;
	[tilespmem:$0x5380] =	vst v63  }
0x102: {  	_ =	swait.ge [sflag:s13], $0x2800  }
0x103: {  	[sflag:s13] =	ssyncset.done $0x0  }
0x104: {  	[sflag:s13] =	ssyncadd.s32 $0xFFFFD800  }
0x105: {  	[tilespmem:s10], [sflag:$0x1] =	stream.indirect.gather [hbm4b:s4+s7], $0x80, s18, s7, $0xb8;
	[tilespmem:$0x5380] =	vst v63  }
0x106: {  	_ =	swait.ge [sflag:s9], $0x2800  }
0x107: {  	[sflag:s9] =	ssyncset.done $0x0  }
0x108: {  	s29 =	sadd.s32 s31, s29;
	[sflag:s9] =	ssyncadd.s32 $0xFFFFD800  }
0x109: {  	[hbm4b:s29+s5] =	stream.linear.scatter [tilespmem:s10], [sflag:$0x3], $0x2800, $0x38;
	[tilespmem:$0x5380] =	vst v63  }
0x10a: {  	_ =	swait.ge [sflag:s11], $0x2800  }
0x10b: {  	[sflag:s11] =	ssyncset.done $0x0  }
0x10c: {  	[sflag:s11] =	ssyncadd.s32 $0xFFFFD800  }
0x10d: {  	[tilespmem:s8], [sflag:$0x1] =	stream.indirect.gather [hbm4b:s4+s7], $0x80, s19, s7, $0xb8;
	[tilespmem:$0x5380] =	vst v63  }
0x10e: {  	_ =	swait.ge [sflag:s9], $0x2800  }
0x10f: {  	[sflag:s9] =	ssyncset.done $0x0  }
0x110: {  	s30 =	sadd.s32 s31, s30;
	[sflag:s9] =	ssyncadd.s32 $0xFFFFD800  }
0x111: {  	[hbm4b:s30+s5] =	stream.linear.scatter [tilespmem:s8], [sflag:$0x2], $0x2800, $0x38;
	[tilespmem:$0x5380] =	vst v63  }
0x112: {  	_ =	swait.ge [sflag:s13], $0x2800  }
0x113: {  	[sflag:s13] =	ssyncset.done $0x0  }
0x114: {  	[sflag:s13] =	ssyncadd.s32 $0xFFFFD800  }
0x115: {  	[tilespmem:s10], [sflag:$0x1] =	stream.indirect.gather [hbm4b:s4+s7], $0x80, s20, s7, $0xb8;
	[tilespmem:$0x5380] =	vst v63  }
0x116: {  	_ =	swait.ge [sflag:s9], $0x2800  }
0x117: {  	s31 =	sadd.s32 s31, s3;
	[sflag:s9] =	ssyncset.done $0x0;
	s3 =	rddreg [dreg:$0x1c]  }
0x118: {  	s0 =	ssub.s32 $0x2, s3;
	[sflag:s9] =	ssyncadd.s32 $0xFFFFD800  }
0x119: {  	[hbm4b:s31+s5] =	stream.linear.scatter [tilespmem:s10], [sflag:$0x3], $0x2800, $0x38;
	[tilespmem:$0x5380] =	vst v63  }
0x11a: {  	s3 =	sshrl.u32 s0, $0x1  }
0x11b: {  	s0 =	ssub.s32 s0, s3  }
0x11c: {  	s0 =	smax.u32 s0, $0x1  }
0x11d: {  	p0 =	sne.s32 s0, $0x1  }
.Ltmp0:
0x11e: {  	_ =	swait.ge [sflag:s11], $0x2800;
	(pc) =	sbr.rel @!p0 .LBB2_2-.Ltmp0, $4  }
0x11f: {  	[sflag:s11] =	ssyncset.done $0x0  }
0x120: {  	[sflag:s11] =	ssyncadd.s32 $0xFFFFD800  }
0x121: {  	_ =	swait.ge [sflag:s13], $0x2800  }
0x122: {  	s3 =	sadd.s32 $0xFFFFFFFF, s0;
	[sflag:s13] =	ssyncset.done $0x0  }
.LBB2_1:
0x123: {  	s0 =	rddreg [dreg:$0x5];
	[sflag:s13] =	ssyncadd.s32 $0xFFFFD800  }
0x124: {  	[tilespmem:s5], [sflag:$0x4] =	stream.linear.gather [hbm4b:s0+s5], $0x320, $0x38;
	[tilespmem:$0x5380] =	vst v63  }
0x125: {  	_ =	swait.ge [sflag:s6], $0x320  }
0x126: {  	[sflag:s6] =	ssyncset.done $0x0  }
0x127: {  	[sflag:s6] =	ssyncadd.s32 $0xFFFFFCE0  }
0x128: {  	[tilespmem:s8], [sflag:$0x1] =	stream.indirect.gather [hbm4b:s1+s7], $0x80, s5, s7, $0xb8;
	[tilespmem:$0x5380] =	vst v63  }
0x129: {  	_ =	swait.ge [sflag:s9], $0x2800  }
0x12a: {  	[sflag:s9] =	ssyncset.done $0x0  }
0x12b: {  	s0 =	rddreg [dreg:$0x6];
	[sflag:s9] =	ssyncadd.s32 $0xFFFFD800  }
0x12c: {  	[hbm4b:s0+s5] =	stream.linear.scatter [tilespmem:s8], [sflag:$0x2], $0x2800, $0x38;
	[tilespmem:$0x5380] =	vst v63  }
0x12d: {  	_ = 	snop  }
0x12e: {  	[tilespmem:s10], [sflag:$0x1] =	stream.indirect.gather [hbm4b:s1+s7], $0x80, s7, s7, $0xb8;
	[tilespmem:$0x5380] =	vst v63  }
0x12f: {  	_ =	swait.ge [sflag:s9], $0x2800  }
0x130: {  	[sflag:s9] =	ssyncset.done $0x0  }
0x131: {  	s0 =	rddreg [dreg:$0x7];
	[sflag:s9] =	ssyncadd.s32 $0xFFFFD800  }
0x132: {  	[hbm4b:s0+s5] =	stream.linear.scatter [tilespmem:s10], [sflag:$0x3], $0x2800, $0x38;
	[tilespmem:$0x5380] =	vst v63  }
0x133: {  	_ =	swait.ge [sflag:s11], $0x2800  }
0x134: {  	[sflag:s11] =	ssyncset.done $0x0  }
0x135: {  	[sflag:s11] =	ssyncadd.s32 $0xFFFFD800  }
0x136: {  	[tilespmem:s8], [sflag:$0x1] =	stream.indirect.gather [hbm4b:s1+s7], $0x80, s12, s7, $0xb8;
	[tilespmem:$0x5380] =	vst v63  }
0x137: {  	_ =	swait.ge [sflag:s9], $0x2800  }
0x138: {  	[sflag:s9] =	ssyncset.done $0x0  }
0x139: {  	s0 =	rddreg [dreg:$0xe];
	[sflag:s9] =	ssyncadd.s32 $0xFFFFD800  }
0x13a: {  	[hbm4b:s0+s5] =	stream.linear.scatter [tilespmem:s8], [sflag:$0x2], $0x2800, $0x38;
	[tilespmem:$0x5380] =	vst v63  }
0x13b: {  	_ =	swait.ge [sflag:s13], $0x2800  }
0x13c: {  	[sflag:s13] =	ssyncset.done $0x0  }
0x13d: {  	[sflag:s13] =	ssyncadd.s32 $0xFFFFD800  }
0x13e: {  	[tilespmem:s10], [sflag:$0x1] =	stream.indirect.gather [hbm4b:s1+s7], $0x80, s14, s7, $0xb8;
	[tilespmem:$0x5380] =	vst v63  }
0x13f: {  	_ =	swait.ge [sflag:s9], $0x2800  }
0x140: {  	[sflag:s9] =	ssyncset.done $0x0  }
0x141: {  	s0 =	rddreg [dreg:$0xf];
	[sflag:s9] =	ssyncadd.s32 $0xFFFFD800  }
0x142: {  	[hbm4b:s0+s5] =	stream.linear.scatter [tilespmem:s10], [sflag:$0x3], $0x2800, $0x38;
	[tilespmem:$0x5380] =	vst v63  }
0x143: {  	_ =	swait.ge [sflag:s11], $0x2800  }
0x144: {  	[sflag:s11] =	ssyncset.done $0x0  }
0x145: {  	[sflag:s11] =	ssyncadd.s32 $0xFFFFD800  }
0x146: {  	[tilespmem:s8], [sflag:$0x1] =	stream.indirect.gather [hbm4b:s1+s7], $0x80, s15, s7, $0xb8;
	[tilespmem:$0x5380] =	vst v63  }
0x147: {  	_ =	swait.ge [sflag:s9], $0x2800  }
0x148: {  	[sflag:s9] =	ssyncset.done $0x0  }
0x149: {  	s0 =	rddreg [dreg:$0x10];
	[sflag:s9] =	ssyncadd.s32 $0xFFFFD800  }
0x14a: {  	[hbm4b:s0+s5] =	stream.linear.scatter [tilespmem:s8], [sflag:$0x2], $0x2800, $0x38;
	[tilespmem:$0x5380] =	vst v63  }
0x14b: {  	_ =	swait.ge [sflag:s13], $0x2800  }
0x14c: {  	[sflag:s13] =	ssyncset.done $0x0  }
0x14d: {  	[sflag:s13] =	ssyncadd.s32 $0xFFFFD800  }
0x14e: {  	[tilespmem:s10], [sflag:$0x1] =	stream.indirect.gather [hbm4b:s1+s7], $0x80, s16, s7, $0xb8;
	[tilespmem:$0x5380] =	vst v63  }
0x14f: {  	_ =	swait.ge [sflag:s9], $0x2800  }
0x150: {  	[sflag:s9] =	ssyncset.done $0x0  }
0x151: {  	s0 =	rddreg [dreg:$0x11];
	[sflag:s9] =	ssyncadd.s32 $0xFFFFD800  }
0x152: {  	[hbm4b:s0+s5] =	stream.linear.scatter [tilespmem:s10], [sflag:$0x3], $0x2800, $0x38;
	[tilespmem:$0x5380] =	vst v63  }
0x153: {  	_ =	swait.ge [sflag:s11], $0x2800  }
0x154: {  	[sflag:s11] =	ssyncset.done $0x0  }
0x155: {  	[sflag:s11] =	ssyncadd.s32 $0xFFFFD800  }
0x156: {  	[tilespmem:s8], [sflag:$0x1] =	stream.indirect.gather [hbm4b:s1+s7], $0x80, s17, s7, $0xb8;
	[tilespmem:$0x5380] =	vst v63  }
0x157: {  	_ =	swait.ge [sflag:s9], $0x2800  }
0x158: {  	[sflag:s9] =	ssyncset.done $0x0  }
0x159: {  	s0 =	rddreg [dreg:$0x12];
	[sflag:s9] =	ssyncadd.s32 $0xFFFFD800  }
0x15a: {  	[hbm4b:s0+s5] =	stream.linear.scatter [tilespmem:s8], [sflag:$0x2], $0x2800, $0x38;
	[tilespmem:$0x5380] =	vst v63  }
0x15b: {  	_ =	swait.ge [sflag:s13], $0x2800  }
0x15c: {  	[sflag:s13] =	ssyncset.done $0x0  }
0x15d: {  	[sflag:s13] =	ssyncadd.s32 $0xFFFFD800  }
0x15e: {  	[tilespmem:s10], [sflag:$0x1] =	stream.indirect.gather [hbm4b:s1+s7], $0x80, s18, s7, $0xb8;
	[tilespmem:$0x5380] =	vst v63  }
0x15f: {  	_ =	swait.ge [sflag:s9], $0x2800  }
0x160: {  	[sflag:s9] =	ssyncset.done $0x0  }
0x161: {  	s0 =	rddreg [dreg:$0x13];
	[sflag:s9] =	ssyncadd.s32 $0xFFFFD800  }
0x162: {  	[hbm4b:s0+s5] =	stream.linear.scatter [tilespmem:s10], [sflag:$0x3], $0x2800, $0x38;
	[tilespmem:$0x5380] =	vst v63  }
0x163: {  	_ =	swait.ge [sflag:s11], $0x2800  }
0x164: {  	[sflag:s11] =	ssyncset.done $0x0  }
0x165: {  	[sflag:s11] =	ssyncadd.s32 $0xFFFFD800  }
0x166: {  	[tilespmem:s8], [sflag:$0x1] =	stream.indirect.gather [hbm4b:s1+s7], $0x80, s19, s7, $0xb8;
	[tilespmem:$0x5380] =	vst v63  }
0x167: {  	_ =	swait.ge [sflag:s9], $0x2800  }
0x168: {  	[sflag:s9] =	ssyncset.done $0x0  }
0x169: {  	s0 =	rddreg [dreg:$0x14];
	[sflag:s9] =	ssyncadd.s32 $0xFFFFD800  }
0x16a: {  	[hbm4b:s0+s5] =	stream.linear.scatter [tilespmem:s8], [sflag:$0x2], $0x2800, $0x38;
	[tilespmem:$0x5380] =	vst v63  }
0x16b: {  	_ =	swait.ge [sflag:s13], $0x2800  }
0x16c: {  	[sflag:s13] =	ssyncset.done $0x0  }
0x16d: {  	[sflag:s13] =	ssyncadd.s32 $0xFFFFD800  }
0x16e: {  	[tilespmem:s10], [sflag:$0x1] =	stream.indirect.gather [hbm4b:s1+s7], $0x80, s20, s7, $0xb8;
	[tilespmem:$0x5380] =	vst v63  }
0x16f: {  	_ =	swait.ge [sflag:s9], $0x2800  }
0x170: {  	[sflag:s9] =	ssyncset.done $0x0  }
0x171: {  	s0 =	rddreg [dreg:$0x15];
	[sflag:s9] =	ssyncadd.s32 $0xFFFFD800  }
0x172: {  	[hbm4b:s0+s5] =	stream.linear.scatter [tilespmem:s10], [sflag:$0x3], $0x2800, $0x38;
	[tilespmem:$0x5380] =	vst v63  }
0x173: {  	_ =	swait.ge [sflag:s11], $0x2800  }
0x174: {  	[sflag:s11] =	ssyncset.done $0x0  }
0x175: {  	[sflag:s11] =	ssyncadd.s32 $0xFFFFD800  }
0x176: {  	_ =	swait.ge [sflag:s13], $0x2800  }
0x177: {  	[sflag:s13] =	ssyncset.done $0x0  }
0x178: {  	s0 =	rddreg [dreg:$0x8];
	[sflag:s13] =	ssyncadd.s32 $0xFFFFD800  }
0x179: {  	[tilespmem:s5], [sflag:$0x4] =	stream.linear.gather [hbm4b:s0+s5], $0x320, $0x38;
	[tilespmem:$0x5380] =	vst v63  }
0x17a: {  	_ =	swait.ge [sflag:s6], $0x320  }
0x17b: {  	[sflag:s6] =	ssyncset.done $0x0  }
0x17c: {  	[sflag:s6] =	ssyncadd.s32 $0xFFFFFCE0  }
0x17d: {  	[tilespmem:s8], [sflag:$0x1] =	stream.indirect.gather [hbm4b:s2+s7], $0x80, s5, s7, $0xb8;
	[tilespmem:$0x5380] =	vst v63  }
0x17e: {  	_ =	swait.ge [sflag:s9], $0x2800  }
0x17f: {  	[sflag:s9] =	ssyncset.done $0x0  }
0x180: {  	s0 =	rddreg [dreg:$0x9];
	[sflag:s9] =	ssyncadd.s32 $0xFFFFD800  }
0x181: {  	[hbm4b:s0+s5] =	stream.linear.scatter [tilespmem:s8], [sflag:$0x2], $0x2800, $0x38;
	[tilespmem:$0x5380] =	vst v63  }
0x182: {  	_ = 	snop  }
0x183: {  	[tilespmem:s10], [sflag:$0x1] =	stream.indirect.gather [hbm4b:s2+s7], $0x80, s7, s7, $0xb8;
	[tilespmem:$0x5380] =	vst v63  }
0x184: {  	_ =	swait.ge [sflag:s9], $0x2800  }
0x185: {  	[sflag:s9] =	ssyncset.done $0x0  }
0x186: {  	s0 =	rddreg [dreg:$0xa];
	[sflag:s9] =	ssyncadd.s32 $0xFFFFD800  }
0x187: {  	[hbm4b:s0+s5] =	stream.linear.scatter [tilespmem:s10], [sflag:$0x3], $0x2800, $0x38;
	[tilespmem:$0x5380] =	vst v63  }
0x188: {  	_ =	swait.ge [sflag:s11], $0x2800  }
0x189: {  	[sflag:s11] =	ssyncset.done $0x0  }
0x18a: {  	[sflag:s11] =	ssyncadd.s32 $0xFFFFD800  }
0x18b: {  	[tilespmem:s8], [sflag:$0x1] =	stream.indirect.gather [hbm4b:s2+s7], $0x80, s12, s7, $0xb8;
	[tilespmem:$0x5380] =	vst v63  }
0x18c: {  	_ =	swait.ge [sflag:s9], $0x2800  }
0x18d: {  	[sflag:s9] =	ssyncset.done $0x0  }
0x18e: {  	s0 =	rddreg [dreg:$0x16];
	[sflag:s9] =	ssyncadd.s32 $0xFFFFD800  }
0x18f: {  	[hbm4b:s0+s5] =	stream.linear.scatter [tilespmem:s8], [sflag:$0x2], $0x2800, $0x38;
	[tilespmem:$0x5380] =	vst v63  }
0x190: {  	_ =	swait.ge [sflag:s13], $0x2800  }
0x191: {  	[sflag:s13] =	ssyncset.done $0x0  }
0x192: {  	[sflag:s13] =	ssyncadd.s32 $0xFFFFD800  }
0x193: {  	[tilespmem:s10], [sflag:$0x1] =	stream.indirect.gather [hbm4b:s2+s7], $0x80, s14, s7, $0xb8;
	[tilespmem:$0x5380] =	vst v63  }
0x194: {  	_ =	swait.ge [sflag:s9], $0x2800  }
0x195: {  	[sflag:s9] =	ssyncset.done $0x0  }
0x196: {  	s0 =	rddreg [dreg:$0x17];
	[sflag:s9] =	ssyncadd.s32 $0xFFFFD800  }
0x197: {  	[hbm4b:s0+s5] =	stream.linear.scatter [tilespmem:s10], [sflag:$0x3], $0x2800, $0x38;
	[tilespmem:$0x5380] =	vst v63  }
0x198: {  	_ =	swait.ge [sflag:s11], $0x2800  }
0x199: {  	[sflag:s11] =	ssyncset.done $0x0  }
0x19a: {  	[sflag:s11] =	ssyncadd.s32 $0xFFFFD800  }
0x19b: {  	[tilespmem:s8], [sflag:$0x1] =	stream.indirect.gather [hbm4b:s2+s7], $0x80, s15, s7, $0xb8;
	[tilespmem:$0x5380] =	vst v63  }
0x19c: {  	_ =	swait.ge [sflag:s9], $0x2800  }
0x19d: {  	[sflag:s9] =	ssyncset.done $0x0  }
0x19e: {  	s0 =	rddreg [dreg:$0x18];
	[sflag:s9] =	ssyncadd.s32 $0xFFFFD800  }
0x19f: {  	[hbm4b:s0+s5] =	stream.linear.scatter [tilespmem:s8], [sflag:$0x2], $0x2800, $0x38;
	[tilespmem:$0x5380] =	vst v63  }
0x1a0: {  	_ =	swait.ge [sflag:s13], $0x2800  }
0x1a1: {  	[sflag:s13] =	ssyncset.done $0x0  }
0x1a2: {  	[sflag:s13] =	ssyncadd.s32 $0xFFFFD800  }
0x1a3: {  	[tilespmem:s10], [sflag:$0x1] =	stream.indirect.gather [hbm4b:s2+s7], $0x80, s16, s7, $0xb8;
	[tilespmem:$0x5380] =	vst v63  }
0x1a4: {  	_ =	swait.ge [sflag:s9], $0x2800  }
0x1a5: {  	[sflag:s9] =	ssyncset.done $0x0  }
0x1a6: {  	s0 =	rddreg [dreg:$0x19];
	[sflag:s9] =	ssyncadd.s32 $0xFFFFD800  }
0x1a7: {  	[hbm4b:s0+s5] =	stream.linear.scatter [tilespmem:s10], [sflag:$0x3], $0x2800, $0x38;
	[tilespmem:$0x5380] =	vst v63  }
0x1a8: {  	_ =	swait.ge [sflag:s11], $0x2800  }
0x1a9: {  	[sflag:s11] =	ssyncset.done $0x0  }
0x1aa: {  	[sflag:s11] =	ssyncadd.s32 $0xFFFFD800  }
0x1ab: {  	[tilespmem:s8], [sflag:$0x1] =	stream.indirect.gather [hbm4b:s2+s7], $0x80, s17, s7, $0xb8;
	[tilespmem:$0x5380] =	vst v63  }
0x1ac: {  	_ =	swait.ge [sflag:s9], $0x2800  }
0x1ad: {  	[sflag:s9] =	ssyncset.done $0x0  }
0x1ae: {  	s0 =	rddreg [dreg:$0x1a];
	[sflag:s9] =	ssyncadd.s32 $0xFFFFD800  }
0x1af: {  	[hbm4b:s0+s5] =	stream.linear.scatter [tilespmem:s8], [sflag:$0x2], $0x2800, $0x38;
	[tilespmem:$0x5380] =	vst v63  }
0x1b0: {  	_ =	swait.ge [sflag:s13], $0x2800  }
0x1b1: {  	[sflag:s13] =	ssyncset.done $0x0  }
0x1b2: {  	[sflag:s13] =	ssyncadd.s32 $0xFFFFD800  }
0x1b3: {  	[tilespmem:s10], [sflag:$0x1] =	stream.indirect.gather [hbm4b:s2+s7], $0x80, s18, s7, $0xb8;
	[tilespmem:$0x5380] =	vst v63  }
0x1b4: {  	_ =	swait.ge [sflag:s9], $0x2800  }
0x1b5: {  	[sflag:s9] =	ssyncset.done $0x0  }
0x1b6: {  	s0 =	rddreg [dreg:$0x1b];
	[sflag:s9] =	ssyncadd.s32 $0xFFFFD800  }
0x1b7: {  	[hbm4b:s0+s5] =	stream.linear.scatter [tilespmem:s10], [sflag:$0x3], $0x2800, $0x38;
	[tilespmem:$0x5380] =	vst v63  }
0x1b8: {  	_ =	swait.ge [sflag:s11], $0x2800  }
0x1b9: {  	[sflag:s11] =	ssyncset.done $0x0  }
0x1ba: {  	[sflag:s11] =	ssyncadd.s32 $0xFFFFD800  }
0x1bb: {  	[tilespmem:s8], [sflag:$0x1] =	stream.indirect.gather [hbm4b:s2+s7], $0x80, s19, s7, $0xb8;
	[tilespmem:$0x5380] =	vst v63  }
0x1bc: {  	_ =	swait.ge [sflag:s9], $0x2800  }
0x1bd: {  	[sflag:s9] =	ssyncset.done $0x0  }
0x1be: {  	[sflag:s9] =	ssyncadd.s32 $0xFFFFD800  }
0x1bf: {  	[hbm4b:s21+s5] =	stream.linear.scatter [tilespmem:s8], [sflag:$0x2], $0x2800, $0x38;
	[tilespmem:$0x5380] =	vst v63  }
0x1c0: {  	_ =	swait.ge [sflag:s13], $0x2800  }
0x1c1: {  	[sflag:s13] =	ssyncset.done $0x0  }
0x1c2: {  	[sflag:s13] =	ssyncadd.s32 $0xFFFFD800  }
0x1c3: {  	[tilespmem:s10], [sflag:$0x1] =	stream.indirect.gather [hbm4b:s2+s7], $0x80, s20, s7, $0xb8;
	[tilespmem:$0x5380] =	vst v63  }
0x1c4: {  	_ =	swait.ge [sflag:s9], $0x2800  }
0x1c5: {  	[sflag:s9] =	ssyncset.done $0x0  }
0x1c6: {  	[sflag:s9] =	ssyncadd.s32 $0xFFFFD800  }
0x1c7: {  	[hbm4b:s22+s5] =	stream.linear.scatter [tilespmem:s10], [sflag:$0x3], $0x2800, $0x38;
	[tilespmem:$0x5380] =	vst v63  }
0x1c8: {  	_ =	swait.ge [sflag:s11], $0x2800  }
0x1c9: {  	[sflag:s11] =	ssyncset.done $0x0  }
0x1ca: {  	[sflag:s11] =	ssyncadd.s32 $0xFFFFD800  }
0x1cb: {  	_ =	swait.ge [sflag:s13], $0x2800  }
0x1cc: {  	[sflag:s13] =	ssyncset.done $0x0  }
0x1cd: {  	s0 =	rddreg [dreg:$0xb];
	[sflag:s13] =	ssyncadd.s32 $0xFFFFD800  }
0x1ce: {  	[tilespmem:s5], [sflag:$0x4] =	stream.linear.gather [hbm4b:s0+s5], $0x320, $0x38;
	[tilespmem:$0x5380] =	vst v63  }
0x1cf: {  	_ =	swait.ge [sflag:s6], $0x320  }
0x1d0: {  	[sflag:s6] =	ssyncset.done $0x0  }
0x1d1: {  	[sflag:s6] =	ssyncadd.s32 $0xFFFFFCE0  }
0x1d2: {  	[tilespmem:s8], [sflag:$0x1] =	stream.indirect.gather [hbm4b:s4+s7], $0x80, s5, s7, $0xb8;
	[tilespmem:$0x5380] =	vst v63  }
0x1d3: {  	_ =	swait.ge [sflag:s9], $0x2800  }
0x1d4: {  	[sflag:s9] =	ssyncset.done $0x0  }
0x1d5: {  	s0 =	rddreg [dreg:$0xc];
	[sflag:s9] =	ssyncadd.s32 $0xFFFFD800  }
0x1d6: {  	[hbm4b:s0+s5] =	stream.linear.scatter [tilespmem:s8], [sflag:$0x2], $0x2800, $0x38;
	[tilespmem:$0x5380] =	vst v63  }
0x1d7: {  	_ = 	snop  }
0x1d8: {  	[tilespmem:s10], [sflag:$0x1] =	stream.indirect.gather [hbm4b:s4+s7], $0x80, s7, s7, $0xb8;
	[tilespmem:$0x5380] =	vst v63  }
0x1d9: {  	_ =	swait.ge [sflag:s9], $0x2800  }
0x1da: {  	[sflag:s9] =	ssyncset.done $0x0  }
0x1db: {  	s0 =	rddreg [dreg:$0xd];
	[sflag:s9] =	ssyncadd.s32 $0xFFFFD800  }
0x1dc: {  	[hbm4b:s0+s5] =	stream.linear.scatter [tilespmem:s10], [sflag:$0x3], $0x2800, $0x38;
	[tilespmem:$0x5380] =	vst v63  }
0x1dd: {  	_ =	swait.ge [sflag:s11], $0x2800  }
0x1de: {  	[sflag:s11] =	ssyncset.done $0x0  }
0x1df: {  	[sflag:s11] =	ssyncadd.s32 $0xFFFFD800  }
0x1e0: {  	[tilespmem:s8], [sflag:$0x1] =	stream.indirect.gather [hbm4b:s4+s7], $0x80, s12, s7, $0xb8;
	[tilespmem:$0x5380] =	vst v63  }
0x1e1: {  	_ =	swait.ge [sflag:s9], $0x2800  }
0x1e2: {  	[sflag:s9] =	ssyncset.done $0x0  }
0x1e3: {  	[sflag:s9] =	ssyncadd.s32 $0xFFFFD800  }
0x1e4: {  	[hbm4b:s23+s5] =	stream.linear.scatter [tilespmem:s8], [sflag:$0x2], $0x2800, $0x38;
	[tilespmem:$0x5380] =	vst v63  }
0x1e5: {  	_ =	swait.ge [sflag:s13], $0x2800  }
0x1e6: {  	[sflag:s13] =	ssyncset.done $0x0  }
0x1e7: {  	[sflag:s13] =	ssyncadd.s32 $0xFFFFD800  }
0x1e8: {  	[tilespmem:s10], [sflag:$0x1] =	stream.indirect.gather [hbm4b:s4+s7], $0x80, s14, s7, $0xb8;
	[tilespmem:$0x5380] =	vst v63  }
0x1e9: {  	_ =	swait.ge [sflag:s9], $0x2800  }
0x1ea: {  	[sflag:s9] =	ssyncset.done $0x0  }
0x1eb: {  	[sflag:s9] =	ssyncadd.s32 $0xFFFFD800  }
0x1ec: {  	[hbm4b:s24+s5] =	stream.linear.scatter [tilespmem:s10], [sflag:$0x3], $0x2800, $0x38;
	[tilespmem:$0x5380] =	vst v63  }
0x1ed: {  	_ =	swait.ge [sflag:s11], $0x2800  }
0x1ee: {  	[sflag:s11] =	ssyncset.done $0x0  }
0x1ef: {  	[sflag:s11] =	ssyncadd.s32 $0xFFFFD800  }
0x1f0: {  	[tilespmem:s8], [sflag:$0x1] =	stream.indirect.gather [hbm4b:s4+s7], $0x80, s15, s7, $0xb8;
	[tilespmem:$0x5380] =	vst v63  }
0x1f1: {  	_ =	swait.ge [sflag:s9], $0x2800  }
0x1f2: {  	[sflag:s9] =	ssyncset.done $0x0  }
0x1f3: {  	[sflag:s9] =	ssyncadd.s32 $0xFFFFD800  }
0x1f4: {  	[hbm4b:s25+s5] =	stream.linear.scatter [tilespmem:s8], [sflag:$0x2], $0x2800, $0x38;
	[tilespmem:$0x5380] =	vst v63  }
0x1f5: {  	_ =	swait.ge [sflag:s13], $0x2800  }
0x1f6: {  	[sflag:s13] =	ssyncset.done $0x0  }
0x1f7: {  	[sflag:s13] =	ssyncadd.s32 $0xFFFFD800  }
0x1f8: {  	[tilespmem:s10], [sflag:$0x1] =	stream.indirect.gather [hbm4b:s4+s7], $0x80, s16, s7, $0xb8;
	[tilespmem:$0x5380] =	vst v63  }
0x1f9: {  	_ =	swait.ge [sflag:s9], $0x2800  }
0x1fa: {  	[sflag:s9] =	ssyncset.done $0x0  }
0x1fb: {  	[sflag:s9] =	ssyncadd.s32 $0xFFFFD800  }
0x1fc: {  	[hbm4b:s26+s5] =	stream.linear.scatter [tilespmem:s10], [sflag:$0x3], $0x2800, $0x38;
	[tilespmem:$0x5380] =	vst v63  }
0x1fd: {  	_ =	swait.ge [sflag:s11], $0x2800  }
0x1fe: {  	[sflag:s11] =	ssyncset.done $0x0  }
0x1ff: {  	[sflag:s11] =	ssyncadd.s32 $0xFFFFD800  }
0x200: {  	[tilespmem:s8], [sflag:$0x1] =	stream.indirect.gather [hbm4b:s4+s7], $0x80, s17, s7, $0xb8;
	[tilespmem:$0x5380] =	vst v63  }
0x201: {  	_ =	swait.ge [sflag:s9], $0x2800  }
0x202: {  	[sflag:s9] =	ssyncset.done $0x0  }
0x203: {  	[sflag:s9] =	ssyncadd.s32 $0xFFFFD800  }
0x204: {  	[hbm4b:s28+s5] =	stream.linear.scatter [tilespmem:s8], [sflag:$0x2], $0x2800, $0x38;
	[tilespmem:$0x5380] =	vst v63  }
0x205: {  	_ =	swait.ge [sflag:s13], $0x2800  }
0x206: {  	[sflag:s13] =	ssyncset.done $0x0  }
0x207: {  	[sflag:s13] =	ssyncadd.s32 $0xFFFFD800  }
0x208: {  	[tilespmem:s10], [sflag:$0x1] =	stream.indirect.gather [hbm4b:s4+s7], $0x80, s18, s7, $0xb8;
	[tilespmem:$0x5380] =	vst v63  }
0x209: {  	_ =	swait.ge [sflag:s9], $0x2800  }
0x20a: {  	[sflag:s9] =	ssyncset.done $0x0  }
0x20b: {  	[sflag:s9] =	ssyncadd.s32 $0xFFFFD800  }
0x20c: {  	[hbm4b:s29+s5] =	stream.linear.scatter [tilespmem:s10], [sflag:$0x3], $0x2800, $0x38;
	[tilespmem:$0x5380] =	vst v63  }
0x20d: {  	_ =	swait.ge [sflag:s11], $0x2800  }
0x20e: {  	[sflag:s11] =	ssyncset.done $0x0  }
0x20f: {  	[sflag:s11] =	ssyncadd.s32 $0xFFFFD800  }
0x210: {  	[tilespmem:s8], [sflag:$0x1] =	stream.indirect.gather [hbm4b:s4+s7], $0x80, s19, s7, $0xb8;
	[tilespmem:$0x5380] =	vst v63  }
0x211: {  	_ =	swait.ge [sflag:s9], $0x2800  }
0x212: {  	[sflag:s9] =	ssyncset.done $0x0  }
0x213: {  	[sflag:s9] =	ssyncadd.s32 $0xFFFFD800  }
0x214: {  	[hbm4b:s30+s5] =	stream.linear.scatter [tilespmem:s8], [sflag:$0x2], $0x2800, $0x38;
	[tilespmem:$0x5380] =	vst v63  }
0x215: {  	_ =	swait.ge [sflag:s13], $0x2800  }
0x216: {  	[sflag:s13] =	ssyncset.done $0x0  }
0x217: {  	[sflag:s13] =	ssyncadd.s32 $0xFFFFD800  }
0x218: {  	[tilespmem:s10], [sflag:$0x1] =	stream.indirect.gather [hbm4b:s4+s7], $0x80, s20, s7, $0xb8;
	[tilespmem:$0x5380] =	vst v63  }
0x219: {  	_ =	swait.ge [sflag:s9], $0x2800  }
0x21a: {  	[sflag:s9] =	ssyncset.done $0x0  }
0x21b: {  	p0 =	sne.s32 s3, $0x1;
	[sflag:s9] =	ssyncadd.s32 $0xFFFFD800  }
0x21c: {  	[hbm4b:s31+s5] =	stream.linear.scatter [tilespmem:s10], [sflag:$0x3], $0x2800, $0x38;
	[tilespmem:$0x5380] =	vst v63  }
.Ltmp1:
0x21d: {  	_ =	swait.ge [sflag:s11], $0x2800;
	(pc) =	sbr.rel @p0 .LBB2_1-.Ltmp1, $4  }
0x21e: {  	[sflag:s11] =	ssyncset.done $0x0  }
0x21f: {  	[sflag:s11] =	ssyncadd.s32 $0xFFFFD800  }
0x220: {  	_ =	swait.ge [sflag:s13], $0x2800  }
0x221: {  	s3 =	sadd.s32 $0xFFFFFFFF, s3;
	[sflag:s13] =	ssyncset.done $0x0  }
.LBB2_2:
0x222: {  	[sflag:s13] =	ssyncadd.s32 $0xFFFFD800  }
0x223: {  	_ =	sfence.sel $0x180000  }
0x224: {  	[bflag:$0x0] =	sbarrier.arrive $0xFFFF  }
0x225: {  	_ =	strace $0x90000047  }
0x226: {  	s0 =	stileid.u32;
	[bflag:$0x2] =	sbarrier.arrive $0xFFFF  }
0x227: {  	p0 =	sne.s32 s0, $0x0;
	s0 =	rddreg [dreg:$0x4]  }
0x228: {  	s0 =	sadd.s32 @!p0 $0x100000, s0  }
0x229: {  	[sflag:s0] =	ssyncadd.tile.s32 @!p0 $0x1;
	_ =	shalt  }
.Lfunc_end2:
_tile_overlayer_lowered:
.L_overlay_start_2:
0x22a: {  	(tag) =	ssettag $0x2  }
0x22b: {  	s0 =	rddreg [dreg:$0x0];
	s2 =	stileid.u32  }
0x22c: {  	s1 =	rddreg [dreg:$0x1];
	p0 =	sne.s32 s2, $0x0  }
0x22d: {  	s3 =	rddreg [dreg:$0x2];
	[bflag:$0x3] =	sbarrier.arrive $0xFFFF;
	s2 =	simm.s32 @!p0 $0x1C04  }
0x22e: {  	[timem:s3], [sflag:s2] =	dma.local @!p0 [hbm:s0], s1  }
0x22f: {  	s0 =	simm.s32 @!p0 $0x4  }
0x230: {  	_ =	swait.ge @!p0 [sflag:s0], s1  }
0x231: {  	s1 =	ssub.s32 @!p0 $0x0, s1;
	[sflag:s0] =	ssyncset.done @!p0 $0x0  }
0x232: {  	[sflag:s0] =	ssyncadd.s32 @!p0 s1  }
0x233: {  	[bflag:$0x3] =	sbarrier.arrive $0xFFFF  }
0x234: {  	_ =	shalt  }

</sc_bundles>
